<compile_context>
chip_gen: v7x
topology: tpu7x:2x2x1
jax: 0.10.2.dev20260603
libtpu: 0.0.44.dev20260713+nightly
codegen_flags: <defaults>
</compile_context>

<pallas_src>
import functools

import jax
import jax.numpy as jnp
from jax import lax
from jax.experimental import pallas as pl
from jax.experimental.pallas import tpu as pltpu
from jax.experimental.pallas import tpu_sc as plsc

_N = 10000
_E = 320000
_H = 128
_NG = 128
_NF = 56

_NC = 2
_NS = 16
_NW = _NC * _NS
_CH = 128
_NCH = 80
_PNC = 40
_EPAD = _NW * _NCH * _CH
_PADROW = 10200
_NROWP = 10240
_RPT = _NROWP // _NS
_DEGW = 16
_ZB = 40

_MESH = plsc.VectorSubcoreMesh(core_axis_name="c", subcore_axis_name="s")


def _deg_body(dst_hbm, zeros_hbm, ones_hbm, out_hbm, idx_v, ones_v, acc_s):
    cid = lax.axis_index("c")
    sid = lax.axis_index("s")
    wid = cid * _NS + sid
    r0 = sid * _RPT
    pltpu.sync_copy(dst_hbm.at[wid], idx_v)
    pltpu.sync_copy(ones_hbm, ones_v)
    for k in range(_RPT // _ZB):
        pltpu.sync_copy(zeros_hbm, acc_s.at[pl.ds(r0 + k * _ZB, _ZB), :])
    plsc.subcore_barrier()

    def step(j, carry):
        pltpu.sync_copy(ones_v, acc_s.at[idx_v.at[j]], add=True)
        return carry

    lax.fori_loop(0, _NCH, step, 0)
    plsc.subcore_barrier()
    pltpu.sync_copy(acc_s.at[pl.ds(r0, _RPT), :],
                    out_hbm.at[cid, pl.ds(r0, _RPT), :])


_deg_call = functools.partial(
    pl.kernel,
    out_type=jax.ShapeDtypeStruct((_NC, _NROWP, _H), jnp.float32),
    mesh=_MESH,
    scratch_types=[
        pltpu.VMEM((_NCH, _CH), jnp.int32),
        pltpu.VMEM((_CH, _H), jnp.float32),
        pltpu.VMEM_SHARED((_NROWP, _H), jnp.float32),
    ],
)(_deg_body)


def _scatter_body(u_hbm, src_hbm, dst_hbm, zeros_hbm, out_hbm,
                  sidx_v, didx_v, rows0_v, zb_v, acc_s, sem0):
    cid = lax.axis_index("c")
    sid = lax.axis_index("s")
    wid = cid * _NS + sid
    r0 = sid * _RPT
    pltpu.sync_copy(src_hbm.at[wid], sidx_v)
    pltpu.sync_copy(dst_hbm.at[wid], didx_v)

    @pl.when(cid == 0)
    def _():
        pltpu.sync_copy(u_hbm.at[pl.ds(r0, _RPT), :],
                        acc_s.at[pl.ds(r0, _RPT), :])

    @pl.when(cid != 0)
    def _():
        pltpu.sync_copy(zeros_hbm, zb_v)
        for k in range(_RPT // _ZB):
            pltpu.sync_copy(zb_v, acc_s.at[pl.ds(r0 + k * _ZB, _ZB), :])

    plsc.subcore_barrier()

    def step(j, carry):
        pltpu.async_copy(u_hbm.at[sidx_v.at[j]], rows0_v, sem0).wait()
        pltpu.sync_copy(rows0_v, acc_s.at[didx_v.at[j]], add=True)
        return carry

    lax.fori_loop(0, _NCH, step, 0)
    plsc.subcore_barrier()
    pltpu.sync_copy(acc_s.at[pl.ds(r0, _RPT), :],
                    out_hbm.at[cid, pl.ds(r0, _RPT), :])


_scatter_call = functools.partial(
    pl.kernel,
    out_type=jax.ShapeDtypeStruct((_NC, _NROWP, _H), jnp.float32),
    mesh=_MESH,
    scratch_types=[
        pltpu.VMEM((_NCH, _CH), jnp.int32),
        pltpu.VMEM((_NCH, _CH), jnp.int32),
        pltpu.VMEM((_CH, _H), jnp.float32),
        pltpu.VMEM((_ZB, _H), jnp.float32),
        pltpu.VMEM_SHARED((_NROWP, _H), jnp.float32),
        pltpu.SemaphoreType.DMA,
    ],
)(_scatter_body)


def _embed_body(xp_ref, deltap_ref, base_ref, w0_ref, v0_ref):
    xf = xp_ref[...].astype(jnp.float32)
    embed = jnp.dot(xf, deltap_ref[...],
                    preferred_element_type=jnp.float32) + base_ref[...]
    v0_ref[...] = jnp.dot(embed, w0_ref[...],
                          preferred_element_type=jnp.float32)


def _scale_body(v0_ref, degp_ref, u0_ref, dinv_ref):
    deg = (degp_ref[0, 0:_N, 0:1] + degp_ref[1, 0:_N, 0:1]) + 1.0
    dinv = lax.rsqrt(deg)
    dinv_ref[...] = dinv
    u0_ref[0:_N, :] = v0_ref[...] * dinv
    u0_ref[_N:_NROWP, :] = jnp.zeros((_NROWP - _N, _H), jnp.float32)


def _mid_body(accp_ref, dinv_ref, b_ref, g_ref, bt_ref, w_ref, un_ref):
    dinv = dinv_ref[...]
    t = (accp_ref[0, 0:_N, :] + accp_ref[1, 0:_N, :]) * dinv + b_ref[...]
    mu = jnp.mean(t, axis=0, keepdims=True)
    var = jnp.mean((t - mu) ** 2, axis=0, keepdims=True)
    h = jnp.maximum(g_ref[...] * (t - mu) / jnp.sqrt(var + 1e-5)
                    + bt_ref[...], 0.0)
    un_ref[0:_N, :] = jnp.dot(h, w_ref[...],
                              preferred_element_type=jnp.float32) * dinv
    un_ref[_N:_NROWP, :] = jnp.zeros((_NROWP - _N, _H), jnp.float32)


def _final_body(accp_ref, dinv_ref, b2_ref, batch_ref, linw_ref, linb_ref,
                out_ref):
    t = (accp_ref[0, 0:_N, :] + accp_ref[1, 0:_N, :]) * dinv_ref[...] \
        + b2_ref[...]
    gids = lax.broadcasted_iota(jnp.int32, (_NG, _N), 0)
    oh = (gids == batch_ref[...]).astype(jnp.float32)
    sums = jnp.dot(oh, t, preferred_element_type=jnp.float32)
    cnts = jnp.sum(oh, axis=1, keepdims=True)
    feats = sums / jnp.maximum(cnts, 1.0)
    out_ref[...] = jnp.dot(feats, linw_ref[...],
                           preferred_element_type=jnp.float32) + linb_ref[...]


def kernel(x, edge_index, batch, atom_emb, W0, b0, W1, b1, W2, b2,
           g0, bt0, g1, bt1, lin_w, lin_b):
    f32 = jnp.float32
    delta = atom_emb[:, 1, :] - atom_emb[:, 0, :]
    base = jnp.sum(atom_emb[:, 0, :], axis=0)[None, :]
    deltap = jnp.zeros((64, _H), f32).at[:_NF].set(delta)
    xp = jnp.zeros((_N, 64), jnp.int32).at[:, :_NF].set(x)

    pad = _EPAD - _E
    src3 = jnp.concatenate(
        [edge_index[0], jnp.full((pad,), _PADROW, jnp.int32)]
    ).reshape(_NW, _NCH, _CH)
    dst3 = jnp.concatenate(
        [edge_index[1], jnp.full((pad,), _PADROW, jnp.int32)]
    ).reshape(_NW, _NCH, _CH)

    zeros_blk = jnp.zeros((_ZB, _H), f32)
    ones_full = jnp.ones((_CH, _H), f32)

    degp = _deg_call(dst3, zeros_blk, ones_full)

    v0 = pl.pallas_call(
        _embed_body, out_shape=jax.ShapeDtypeStruct((_N, _H), f32),
    )(xp, deltap, base, W0)

    u0, dinv = pl.pallas_call(
        _scale_body,
        out_shape=(jax.ShapeDtypeStruct((_NROWP, _H), f32),
                   jax.ShapeDtypeStruct((_N, 1), f32)),
    )(v0, degp)

    s0 = _scatter_call(u0, src3, dst3, zeros_blk)

    u1 = pl.pallas_call(
        _mid_body, out_shape=jax.ShapeDtypeStruct((_NROWP, _H), f32),
    )(s0, dinv, b0[None, :], g0[None, :], bt0[None, :], W1)

    s1 = _scatter_call(u1, src3, dst3, zeros_blk)

    u2 = pl.pallas_call(
        _mid_body, out_shape=jax.ShapeDtypeStruct((_NROWP, _H), f32),
    )(s1, dinv, b1[None, :], g1[None, :], bt1[None, :], W2)

    s2 = _scatter_call(u2, src3, dst3, zeros_blk)

    out = pl.pallas_call(
        _final_body, out_shape=jax.ShapeDtypeStruct((_NG, 1), f32),
    )(s2, dinv, b2[None, :], batch[None, :], lin_w, lin_b[None, :])
    return out

# --- scband reference (transcript-rebuilt; emitter-appended) ---
"""Pipeline reference for scband-gcn-graph-59519656788288 (READ-ONLY COPY).

The authoritative reference and input builder live on the scoring server;
editing this copy changes nothing except your own understanding.
"""

import jax, jax.numpy as jnp
import numpy as np

N = 10000
E = 320000
H = 128
OUT = 1
NG = 128
NF = 56


def setup_inputs(seed: int = 0) -> dict:
    key = jax.random.key(seed)
    ks = jax.random.split(key, 20)
    x = jax.random.randint(ks[0], (N, NF), 0, 2, dtype=jnp.int32)
    edge_index = jax.random.randint(ks[1], (2, E), 0, N, dtype=jnp.int32)
    batch = jnp.sort(jax.random.randint(ks[2], (N,), 0, NG, dtype=jnp.int32))
    # AtomEncoder: 56 embedding tables of shape [2, H], stacked -> [56, 2, H]
    atom_emb = jax.random.uniform(ks[3], (NF, 2, H), minval=-1.0, maxval=1.0) * float(np.sqrt(6.0 / (2 + H)))
    W0 = jax.random.normal(ks[4], (H, H)) * 0.05
    b0 = jnp.zeros((H,), jnp.float32)
    W1 = jax.random.normal(ks[5], (H, H)) * 0.05
    b1 = jnp.zeros((H,), jnp.float32)
    W2 = jax.random.normal(ks[6], (H, H)) * 0.05
    b2 = jnp.zeros((H,), jnp.float32)
    g0 = jnp.ones((H,), jnp.float32)
    bt0 = jnp.zeros((H,), jnp.float32)
    g1 = jnp.ones((H,), jnp.float32)
    bt1 = jnp.zeros((H,), jnp.float32)
    lin_w = jax.random.normal(ks[7], (H, OUT)) * 0.05
    lin_b = jnp.zeros((OUT,), jnp.float32)
    return {"x": x, "edge_index": edge_index, "batch": batch, "atom_emb": atom_emb,
            "W0": W0, "b0": b0, "W1": W1, "b1": b1, "W2": W2, "b2": b2,
            "g0": g0, "bt0": bt0, "g1": g1, "bt1": bt1, "lin_w": lin_w, "lin_b": lin_b}


def _gcn_conv(h, edge_index, W, b):
    n = h.shape[0]
    h = h @ W
    loop = jnp.arange(n, dtype=edge_index.dtype)
    src = jnp.concatenate([edge_index[0], loop])
    dst = jnp.concatenate([edge_index[1], loop])
    deg = jax.ops.segment_sum(jnp.ones(src.shape[0], h.dtype), dst, num_segments=n)
    dinv = jnp.where(deg > 0, jax.lax.rsqrt(deg), 0.0)
    norm = dinv[src] * dinv[dst]
    msg = h[src] * norm[:, None]
    out = jax.ops.segment_sum(msg, dst, num_segments=n)
    return out + b


def _bn_relu(h, g, bt):
    mu = jnp.mean(h, axis=0)
    var = jnp.var(h, axis=0)
    return jax.nn.relu(g * (h - mu) / jnp.sqrt(var + 1e-5) + bt)


def reference(x, edge_index, batch, atom_emb, W0, b0, W1, b1, W2, b2, g0, bt0, g1, bt1, lin_w, lin_b):
    # AtomEncoder: sum of per-feature embedding lookups
    embed = jnp.sum(atom_emb[jnp.arange(NF)[None, :], x], axis=1)
    h = _bn_relu(_gcn_conv(embed, edge_index, W0, b0), g0, bt0)
    h = _bn_relu(_gcn_conv(h, edge_index, W1, b1), g1, bt1)
    h = _gcn_conv(h, edge_index, W2, b2)
    # global_mean_pool over graph ids
    sums = jax.ops.segment_sum(h, batch, num_segments=NG)
    cnts = jax.ops.segment_sum(jnp.ones((h.shape[0],), h.dtype), batch, num_segments=NG)
    feats = sums / jnp.clip(cnts, 1.0)[:, None]
    out = feats @ lin_w + lin_b
    return out

if __name__ == "__main__":
    import jax
    _d = setup_inputs()
    print(jax.jit(kernel)(*tuple(_d.values())))

</pallas_src>

<mosaic_0001>
#map = affine_map<(d0, d1) -> (0, 0)>
#map1 = affine_map<(d0, d1) -> (0, 0, 0)>
module attributes {stable_mosaic.version = 14 : i64} {
  func.func @_scatter_body(%arg0: i32, %arg1: i32, %arg2: memref<10240x128xf32, #tpu.memory_space<hbm>>, %arg3: memref<32x80x128xi32, #tpu.memory_space<hbm>>, %arg4: memref<32x80x128xi32, #tpu.memory_space<hbm>>, %arg5: memref<40x128xf32, #tpu.memory_space<hbm>>, %arg6: memref<2x10240x128xf32, #tpu.memory_space<hbm>>, %arg7: memref<80x128xi32, #tpu.memory_space<vmem>>, %arg8: memref<80x128xi32, #tpu.memory_space<vmem>>, %arg9: memref<128x128xf32, #tpu.memory_space<vmem>>, %arg10: memref<40x128xf32, #tpu.memory_space<vmem>>, %arg11: memref<10240x128xf32, #tpu.memory_space<vmem_shared>>, %arg12: memref<!tpu.dma_semaphore, #tpu.memory_space<semaphore_mem>>) attributes {dimension_semantics = [#tpu.dimension_semantics<core_parallel>, #tpu.dimension_semantics<subcore_parallel>], iteration_bounds = array<i64: 2, 16>, scalar_prefetch = 0 : i64, scratch_operands = 6 : i64, tpu.core_type = #tpu.core_type<sc_vector_subcore>, window_params = [{transform_indices = #map}, {transform_indices = #map1}, {transform_indices = #map1}, {transform_indices = #map}, {transform_indices = #map1}]} {
    %mul3A = arith.constant 16 : i32
    %mul3A_0 = arith.muli %arg0, %mul3A : i32
    %add3A = arith.addi %mul3A_0, %arg1 : i32
    %mul3A_1 = arith.constant 640 : i32
    %mul3A_2 = arith.muli %arg1, %mul3A_1 : i32
    "tpu.region"() ({
      %run_scoped3A = tpu.sem_alloc : memref<!tpu.dma_semaphore, #tpu.memory_space<semaphore_mem>>
      %dma_start3A = arith.constant 0 : i32
      %dma_start3A_15 = arith.constant 0 : i32
      %dma_start3A_16 = tpu.memref_slice %arg3[%add3A, %dma_start3A, %dma_start3A_15] : memref<32x80x128xi32, #tpu.memory_space<hbm>> -> memref<1x80x128xi32, #tpu.memory_space<hbm>>
      %dma_start3A_17 = tpu.memref_squeeze %dma_start3A_16 : memref<1x80x128xi32, #tpu.memory_space<hbm>> -> memref<80x128xi32, #tpu.memory_space<hbm>>
      %dma_start3A_18 = arith.constant 0 : i32
      %dma_start3A_19 = arith.constant 0 : i32
      %dma_start3A_20 = tpu.memref_slice %arg3[%add3A, %dma_start3A_18, %dma_start3A_19] : memref<32x80x128xi32, #tpu.memory_space<hbm>> -> memref<1x80x128xi32, #tpu.memory_space<hbm>>
      %dma_start3A_21 = tpu.memref_squeeze %dma_start3A_20 : memref<1x80x128xi32, #tpu.memory_space<hbm>> -> memref<80x128xi32, #tpu.memory_space<hbm>>
      tpu.enqueue_dma source(%dma_start3A_21 : memref<80x128xi32, #tpu.memory_space<hbm>>) target(%arg7 : memref<80x128xi32, #tpu.memory_space<vmem>>) target_semaphore(%run_scoped3A : memref<!tpu.dma_semaphore, #tpu.memory_space<semaphore_mem>>)
      %dma_wait3A = arith.constant 0 : i32
      %dma_wait3A_22 = arith.constant 0 : i32
      %dma_wait3A_23 = tpu.memref_slice %arg3[%add3A, %dma_wait3A, %dma_wait3A_22] : memref<32x80x128xi32, #tpu.memory_space<hbm>> -> memref<1x80x128xi32, #tpu.memory_space<hbm>>
      %dma_wait3A_24 = tpu.memref_squeeze %dma_wait3A_23 : memref<1x80x128xi32, #tpu.memory_space<hbm>> -> memref<80x128xi32, #tpu.memory_space<hbm>>
      %dma_wait3A_25 = arith.constant 0 : i32
      %dma_wait3A_26 = arith.constant 0 : i32
      %dma_wait3A_27 = tpu.memref_slice %arg3[%add3A, %dma_wait3A_25, %dma_wait3A_26] : memref<32x80x128xi32, #tpu.memory_space<hbm>> -> memref<1x80x128xi32, #tpu.memory_space<hbm>>
      %dma_wait3A_28 = tpu.memref_squeeze %dma_wait3A_27 : memref<1x80x128xi32, #tpu.memory_space<hbm>> -> memref<80x128xi32, #tpu.memory_space<hbm>>
      tpu.wait_dma2 semaphore(%run_scoped3A : memref<!tpu.dma_semaphore, #tpu.memory_space<semaphore_mem>>) src(%dma_wait3A_28 : memref<80x128xi32, #tpu.memory_space<hbm>>) dst(%arg7 : memref<80x128xi32, #tpu.memory_space<vmem>>)
      tpu.yield
    }) : () -> ()
    "tpu.region"() ({
      %run_scoped3A = tpu.sem_alloc : memref<!tpu.dma_semaphore, #tpu.memory_space<semaphore_mem>>
      %dma_start3A = arith.constant 0 : i32
      %dma_start3A_15 = arith.constant 0 : i32
      %dma_start3A_16 = tpu.memref_slice %arg4[%add3A, %dma_start3A, %dma_start3A_15] : memref<32x80x128xi32, #tpu.memory_space<hbm>> -> memref<1x80x128xi32, #tpu.memory_space<hbm>>
      %dma_start3A_17 = tpu.memref_squeeze %dma_start3A_16 : memref<1x80x128xi32, #tpu.memory_space<hbm>> -> memref<80x128xi32, #tpu.memory_space<hbm>>
      %dma_start3A_18 = arith.constant 0 : i32
      %dma_start3A_19 = arith.constant 0 : i32
      %dma_start3A_20 = tpu.memref_slice %arg4[%add3A, %dma_start3A_18, %dma_start3A_19] : memref<32x80x128xi32, #tpu.memory_space<hbm>> -> memref<1x80x128xi32, #tpu.memory_space<hbm>>
      %dma_start3A_21 = tpu.memref_squeeze %dma_start3A_20 : memref<1x80x128xi32, #tpu.memory_space<hbm>> -> memref<80x128xi32, #tpu.memory_space<hbm>>
      tpu.enqueue_dma source(%dma_start3A_21 : memref<80x128xi32, #tpu.memory_space<hbm>>) target(%arg8 : memref<80x128xi32, #tpu.memory_space<vmem>>) target_semaphore(%run_scoped3A : memref<!tpu.dma_semaphore, #tpu.memory_space<semaphore_mem>>)
      %dma_wait3A = arith.constant 0 : i32
      %dma_wait3A_22 = arith.constant 0 : i32
      %dma_wait3A_23 = tpu.memref_slice %arg4[%add3A, %dma_wait3A, %dma_wait3A_22] : memref<32x80x128xi32, #tpu.memory_space<hbm>> -> memref<1x80x128xi32, #tpu.memory_space<hbm>>
      %dma_wait3A_24 = tpu.memref_squeeze %dma_wait3A_23 : memref<1x80x128xi32, #tpu.memory_space<hbm>> -> memref<80x128xi32, #tpu.memory_space<hbm>>
      %dma_wait3A_25 = arith.constant 0 : i32
      %dma_wait3A_26 = arith.constant 0 : i32
      %dma_wait3A_27 = tpu.memref_slice %arg4[%add3A, %dma_wait3A_25, %dma_wait3A_26] : memref<32x80x128xi32, #tpu.memory_space<hbm>> -> memref<1x80x128xi32, #tpu.memory_space<hbm>>
      %dma_wait3A_28 = tpu.memref_squeeze %dma_wait3A_27 : memref<1x80x128xi32, #tpu.memory_space<hbm>> -> memref<80x128xi32, #tpu.memory_space<hbm>>
      tpu.wait_dma2 semaphore(%run_scoped3A : memref<!tpu.dma_semaphore, #tpu.memory_space<semaphore_mem>>) src(%dma_wait3A_28 : memref<80x128xi32, #tpu.memory_space<hbm>>) dst(%arg8 : memref<80x128xi32, #tpu.memory_space<vmem>>)
      tpu.yield
    }) : () -> ()
    %eq3A = arith.constant 0 : i32
    %eq3A_3 = arith.cmpi eq, %arg0, %eq3A : i32
    %convert_element_type3A = arith.extui %eq3A_3 : i1 to i32
    %cond3A = arith.constant 0 : i32
    %cond3A_4 = arith.cmpi ne, %convert_element_type3A, %cond3A : i32
    scf.if %cond3A_4 {
      "tpu.region"() ({
        %run_scoped3A = tpu.sem_alloc : memref<!tpu.dma_semaphore, #tpu.memory_space<semaphore_mem>>
        %dma_start3A = arith.constant 0 : i32
        %dma_start3A_15 = tpu.memref_slice %arg11[%mul3A_2, %dma_start3A] : memref<10240x128xf32, #tpu.memory_space<vmem_shared>> -> memref<640x128xf32, #tpu.memory_space<vmem_shared>>
        %dma_start3A_16 = arith.constant 0 : i32
        %dma_start3A_17 = tpu.memref_slice %arg2[%mul3A_2, %dma_start3A_16] : memref<10240x128xf32, #tpu.memory_space<hbm>> -> memref<640x128xf32, #tpu.memory_space<hbm>>
        tpu.enqueue_dma source(%dma_start3A_17 : memref<640x128xf32, #tpu.memory_space<hbm>>) target(%dma_start3A_15 : memref<640x128xf32, #tpu.memory_space<vmem_shared>>) target_semaphore(%run_scoped3A : memref<!tpu.dma_semaphore, #tpu.memory_space<semaphore_mem>>)
        %dma_wait3A = arith.constant 0 : i32
        %dma_wait3A_18 = tpu.memref_slice %arg11[%mul3A_2, %dma_wait3A] : memref<10240x128xf32, #tpu.memory_space<vmem_shared>> -> memref<640x128xf32, #tpu.memory_space<vmem_shared>>
        %dma_wait3A_19 = arith.constant 0 : i32
        %dma_wait3A_20 = tpu.memref_slice %arg2[%mul3A_2, %dma_wait3A_19] : memref<10240x128xf32, #tpu.memory_space<hbm>> -> memref<640x128xf32, #tpu.memory_space<hbm>>
        tpu.wait_dma2 semaphore(%run_scoped3A : memref<!tpu.dma_semaphore, #tpu.memory_space<semaphore_mem>>) src(%dma_wait3A_20 : memref<640x128xf32, #tpu.memory_space<hbm>>) dst(%dma_wait3A_18 : memref<640x128xf32, #tpu.memory_space<vmem_shared>>)
        tpu.yield
      }) : () -> ()
    } else {
    }
    %ne3A = arith.constant 0 : i32
    %ne3A_5 = arith.cmpi ne, %arg0, %ne3A : i32
    %convert_element_type3A_6 = arith.extui %ne3A_5 : i1 to i32
    %cond3A_7 = arith.constant 0 : i32
    %cond3A_8 = arith.cmpi ne, %convert_element_type3A_6, %cond3A_7 : i32
    scf.if %cond3A_8 {
      "tpu.region"() ({
        %run_scoped3A = tpu.sem_alloc : memref<!tpu.dma_semaphore, #tpu.memory_space<semaphore_mem>>
        tpu.enqueue_dma source(%arg5 : memref<40x128xf32, #tpu.memory_space<hbm>>) target(%arg10 : memref<40x128xf32, #tpu.memory_space<vmem>>) target_semaphore(%run_scoped3A : memref<!tpu.dma_semaphore, #tpu.memory_space<semaphore_mem>>)
        tpu.wait_dma2 semaphore(%run_scoped3A : memref<!tpu.dma_semaphore, #tpu.memory_space<semaphore_mem>>) src(%arg5 : memref<40x128xf32, #tpu.memory_space<hbm>>) dst(%arg10 : memref<40x128xf32, #tpu.memory_space<vmem>>)
        tpu.yield
      }) : () -> ()
      %add3A_15 = arith.constant 0 : i32
      %add3A_16 = arith.addi %mul3A_2, %add3A_15 : i32
      "tpu.region"() ({
        %run_scoped3A = tpu.sem_alloc : memref<!tpu.dma_semaphore, #tpu.memory_space<semaphore_mem>>
        %dma_start3A = arith.constant 0 : i32
        %dma_start3A_47 = tpu.memref_slice %arg11[%add3A_16, %dma_start3A] : memref<10240x128xf32, #tpu.memory_space<vmem_shared>> -> memref<40x128xf32, #tpu.memory_space<vmem_shared>>
        %dma_start3A_48 = arith.constant 0 : i32
        %dma_start3A_49 = tpu.memref_slice %arg11[%add3A_16, %dma_start3A_48] : memref<10240x128xf32, #tpu.memory_space<vmem_shared>> -> memref<40x128xf32, #tpu.memory_space<vmem_shared>>
        tpu.enqueue_dma source(%arg10 : memref<40x128xf32, #tpu.memory_space<vmem>>) target(%dma_start3A_49 : memref<40x128xf32, #tpu.memory_space<vmem_shared>>) target_semaphore(%run_scoped3A : memref<!tpu.dma_semaphore, #tpu.memory_space<semaphore_mem>>)
        %dma_wait3A = arith.constant 0 : i32
        %dma_wait3A_50 = tpu.memref_slice %arg11[%add3A_16, %dma_wait3A] : memref<10240x128xf32, #tpu.memory_space<vmem_shared>> -> memref<40x128xf32, #tpu.memory_space<vmem_shared>>
        %dma_wait3A_51 = arith.constant 0 : i32
        %dma_wait3A_52 = tpu.memref_slice %arg11[%add3A_16, %dma_wait3A_51] : memref<10240x128xf32, #tpu.memory_space<vmem_shared>> -> memref<40x128xf32, #tpu.memory_space<vmem_shared>>
        tpu.wait_dma2 semaphore(%run_scoped3A : memref<!tpu.dma_semaphore, #tpu.memory_space<semaphore_mem>>) src(%arg10 : memref<40x128xf32, #tpu.memory_space<vmem>>) dst(%dma_wait3A_52 : memref<40x128xf32, #tpu.memory_space<vmem_shared>>)
        tpu.yield
      }) : () -> ()
      %add3A_17 = arith.constant 40 : i32
      %add3A_18 = arith.addi %mul3A_2, %add3A_17 : i32
      "tpu.region"() ({
        %run_scoped3A = tpu.sem_alloc : memref<!tpu.dma_semaphore, #tpu.memory_space<semaphore_mem>>
        %dma_start3A = arith.constant 0 : i32
        %dma_start3A_47 = tpu.memref_slice %arg11[%add3A_18, %dma_start3A] : memref<10240x128xf32, #tpu.memory_space<vmem_shared>> -> memref<40x128xf32, #tpu.memory_space<vmem_shared>>
        %dma_start3A_48 = arith.constant 0 : i32
        %dma_start3A_49 = tpu.memref_slice %arg11[%add3A_18, %dma_start3A_48] : memref<10240x128xf32, #tpu.memory_space<vmem_shared>> -> memref<40x128xf32, #tpu.memory_space<vmem_shared>>
        tpu.enqueue_dma source(%arg10 : memref<40x128xf32, #tpu.memory_space<vmem>>) target(%dma_start3A_49 : memref<40x128xf32, #tpu.memory_space<vmem_shared>>) target_semaphore(%run_scoped3A : memref<!tpu.dma_semaphore, #tpu.memory_space<semaphore_mem>>)
        %dma_wait3A = arith.constant 0 : i32
        %dma_wait3A_50 = tpu.memref_slice %arg11[%add3A_18, %dma_wait3A] : memref<10240x128xf32, #tpu.memory_space<vmem_shared>> -> memref<40x128xf32, #tpu.memory_space<vmem_shared>>
        %dma_wait3A_51 = arith.constant 0 : i32
        %dma_wait3A_52 = tpu.memref_slice %arg11[%add3A_18, %dma_wait3A_51] : memref<10240x128xf32, #tpu.memory_space<vmem_shared>> -> memref<40x128xf32, #tpu.memory_space<vmem_shared>>
        tpu.wait_dma2 semaphore(%run_scoped3A : memref<!tpu.dma_semaphore, #tpu.memory_space<semaphore_mem>>) src(%arg10 : memref<40x128xf32, #tpu.memory_space<vmem>>) dst(%dma_wait3A_52 : memref<40x128xf32, #tpu.memory_space<vmem_shared>>)
        tpu.yield
      }) : () -> ()
      %add3A_19 = arith.constant 80 : i32
      %add3A_20 = arith.addi %mul3A_2, %add3A_19 : i32
      "tpu.region"() ({
        %run_scoped3A = tpu.sem_alloc : memref<!tpu.dma_semaphore, #tpu.memory_space<semaphore_mem>>
        %dma_start3A = arith.constant 0 : i32
        %dma_start3A_47 = tpu.memref_slice %arg11[%add3A_20, %dma_start3A] : memref<10240x128xf32, #tpu.memory_space<vmem_shared>> -> memref<40x128xf32, #tpu.memory_space<vmem_shared>>
        %dma_start3A_48 = arith.constant 0 : i32
        %dma_start3A_49 = tpu.memref_slice %arg11[%add3A_20, %dma_start3A_48] : memref<10240x128xf32, #tpu.memory_space<vmem_shared>> -> memref<40x128xf32, #tpu.memory_space<vmem_shared>>
        tpu.enqueue_dma source(%arg10 : memref<40x128xf32, #tpu.memory_space<vmem>>) target(%dma_start3A_49 : memref<40x128xf32, #tpu.memory_space<vmem_shared>>) target_semaphore(%run_scoped3A : memref<!tpu.dma_semaphore, #tpu.memory_space<semaphore_mem>>)
        %dma_wait3A = arith.constant 0 : i32
        %dma_wait3A_50 = tpu.memref_slice %arg11[%add3A_20, %dma_wait3A] : memref<10240x128xf32, #tpu.memory_space<vmem_shared>> -> memref<40x128xf32, #tpu.memory_space<vmem_shared>>
        %dma_wait3A_51 = arith.constant 0 : i32
        %dma_wait3A_52 = tpu.memref_slice %arg11[%add3A_20, %dma_wait3A_51] : memref<10240x128xf32, #tpu.memory_space<vmem_shared>> -> memref<40x128xf32, #tpu.memory_space<vmem_shared>>
        tpu.wait_dma2 semaphore(%run_scoped3A : memref<!tpu.dma_semaphore, #tpu.memory_space<semaphore_mem>>) src(%arg10 : memref<40x128xf32, #tpu.memory_space<vmem>>) dst(%dma_wait3A_52 : memref<40x128xf32, #tpu.memory_space<vmem_shared>>)
        tpu.yield
      }) : () -> ()
      %add3A_21 = arith.constant 120 : i32
      %add3A_22 = arith.addi %mul3A_2, %add3A_21 : i32
      "tpu.region"() ({
        %run_scoped3A = tpu.sem_alloc : memref<!tpu.dma_semaphore, #tpu.memory_space<semaphore_mem>>
        %dma_start3A = arith.constant 0 : i32
        %dma_start3A_47 = tpu.memref_slice %arg11[%add3A_22, %dma_start3A] : memref<10240x128xf32, #tpu.memory_space<vmem_shared>> -> memref<40x128xf32, #tpu.memory_space<vmem_shared>>
        %dma_start3A_48 = arith.constant 0 : i32
        %dma_start3A_49 = tpu.memref_slice %arg11[%add3A_22, %dma_start3A_48] : memref<10240x128xf32, #tpu.memory_space<vmem_shared>> -> memref<40x128xf32, #tpu.memory_space<vmem_shared>>
        tpu.enqueue_dma source(%arg10 : memref<40x128xf32, #tpu.memory_space<vmem>>) target(%dma_start3A_49 : memref<40x128xf32, #tpu.memory_space<vmem_shared>>) target_semaphore(%run_scoped3A : memref<!tpu.dma_semaphore, #tpu.memory_space<semaphore_mem>>)
        %dma_wait3A = arith.constant 0 : i32
        %dma_wait3A_50 = tpu.memref_slice %arg11[%add3A_22, %dma_wait3A] : memref<10240x128xf32, #tpu.memory_space<vmem_shared>> -> memref<40x128xf32, #tpu.memory_space<vmem_shared>>
        %dma_wait3A_51 = arith.constant 0 : i32
        %dma_wait3A_52 = tpu.memref_slice %arg11[%add3A_22, %dma_wait3A_51] : memref<10240x128xf32, #tpu.memory_space<vmem_shared>> -> memref<40x128xf32, #tpu.memory_space<vmem_shared>>
        tpu.wait_dma2 semaphore(%run_scoped3A : memref<!tpu.dma_semaphore, #tpu.memory_space<semaphore_mem>>) src(%arg10 : memref<40x128xf32, #tpu.memory_space<vmem>>) dst(%dma_wait3A_52 : memref<40x128xf32, #tpu.memory_space<vmem_shared>>)
        tpu.yield
      }) : () -> ()
      %add3A_23 = arith.constant 160 : i32
      %add3A_24 = arith.addi %mul3A_2, %add3A_23 : i32
      "tpu.region"() ({
        %run_scoped3A = tpu.sem_alloc : memref<!tpu.dma_semaphore, #tpu.memory_space<semaphore_mem>>
        %dma_start3A = arith.constant 0 : i32
        %dma_start3A_47 = tpu.memref_slice %arg11[%add3A_24, %dma_start3A] : memref<10240x128xf32, #tpu.memory_space<vmem_shared>> -> memref<40x128xf32, #tpu.memory_space<vmem_shared>>
        %dma_start3A_48 = arith.constant 0 : i32
        %dma_start3A_49 = tpu.memref_slice %arg11[%add3A_24, %dma_start3A_48] : memref<10240x128xf32, #tpu.memory_space<vmem_shared>> -> memref<40x128xf32, #tpu.memory_space<vmem_shared>>
        tpu.enqueue_dma source(%arg10 : memref<40x128xf32, #tpu.memory_space<vmem>>) target(%dma_start3A_49 : memref<40x128xf32, #tpu.memory_space<vmem_shared>>) target_semaphore(%run_scoped3A : memref<!tpu.dma_semaphore, #tpu.memory_space<semaphore_mem>>)
        %dma_wait3A = arith.constant 0 : i32
        %dma_wait3A_50 = tpu.memref_slice %arg11[%add3A_24, %dma_wait3A] : memref<10240x128xf32, #tpu.memory_space<vmem_shared>> -> memref<40x128xf32, #tpu.memory_space<vmem_shared>>
        %dma_wait3A_51 = arith.constant 0 : i32
        %dma_wait3A_52 = tpu.memref_slice %arg11[%add3A_24, %dma_wait3A_51] : memref<10240x128xf32, #tpu.memory_space<vmem_shared>> -> memref<40x128xf32, #tpu.memory_space<vmem_shared>>
        tpu.wait_dma2 semaphore(%run_scoped3A : memref<!tpu.dma_semaphore, #tpu.memory_space<semaphore_mem>>) src(%arg10 : memref<40x128xf32, #tpu.memory_space<vmem>>) dst(%dma_wait3A_52 : memref<40x128xf32, #tpu.memory_space<vmem_shared>>)
        tpu.yield
      }) : () -> ()
      %add3A_25 = arith.constant 200 : i32
      %add3A_26 = arith.addi %mul3A_2, %add3A_25 : i32
      "tpu.region"() ({
        %run_scoped3A = tpu.sem_alloc : memref<!tpu.dma_semaphore, #tpu.memory_space<semaphore_mem>>
        %dma_start3A = arith.constant 0 : i32
        %dma_start3A_47 = tpu.memref_slice %arg11[%add3A_26, %dma_start3A] : memref<10240x128xf32, #tpu.memory_space<vmem_shared>> -> memref<40x128xf32, #tpu.memory_space<vmem_shared>>
        %dma_start3A_48 = arith.constant 0 : i32
        %dma_start3A_49 = tpu.memref_slice %arg11[%add3A_26, %dma_start3A_48] : memref<10240x128xf32, #tpu.memory_space<vmem_shared>> -> memref<40x128xf32, #tpu.memory_space<vmem_shared>>
        tpu.enqueue_dma source(%arg10 : memref<40x128xf32, #tpu.memory_space<vmem>>) target(%dma_start3A_49 : memref<40x128xf32, #tpu.memory_space<vmem_shared>>) target_semaphore(%run_scoped3A : memref<!tpu.dma_semaphore, #tpu.memory_space<semaphore_mem>>)
        %dma_wait3A = arith.constant 0 : i32
        %dma_wait3A_50 = tpu.memref_slice %arg11[%add3A_26, %dma_wait3A] : memref<10240x128xf32, #tpu.memory_space<vmem_shared>> -> memref<40x128xf32, #tpu.memory_space<vmem_shared>>
        %dma_wait3A_51 = arith.constant 0 : i32
        %dma_wait3A_52 = tpu.memref_slice %arg11[%add3A_26, %dma_wait3A_51] : memref<10240x128xf32, #tpu.memory_space<vmem_shared>> -> memref<40x128xf32, #tpu.memory_space<vmem_shared>>
        tpu.wait_dma2 semaphore(%run_scoped3A : memref<!tpu.dma_semaphore, #tpu.memory_space<semaphore_mem>>) src(%arg10 : memref<40x128xf32, #tpu.memory_space<vmem>>) dst(%dma_wait3A_52 : memref<40x128xf32, #tpu.memory_space<vmem_shared>>)
        tpu.yield
      }) : () -> ()
      %add3A_27 = arith.constant 240 : i32
      %add3A_28 = arith.addi %mul3A_2, %add3A_27 : i32
      "tpu.region"() ({
        %run_scoped3A = tpu.sem_alloc : memref<!tpu.dma_semaphore, #tpu.memory_space<semaphore_mem>>
        %dma_start3A = arith.constant 0 : i32
        %dma_start3A_47 = tpu.memref_slice %arg11[%add3A_28, %dma_start3A] : memref<10240x128xf32, #tpu.memory_space<vmem_shared>> -> memref<40x128xf32, #tpu.memory_space<vmem_shared>>
        %dma_start3A_48 = arith.constant 0 : i32
        %dma_start3A_49 = tpu.memref_slice %arg11[%add3A_28, %dma_start3A_48] : memref<10240x128xf32, #tpu.memory_space<vmem_shared>> -> memref<40x128xf32, #tpu.memory_space<vmem_shared>>
        tpu.enqueue_dma source(%arg10 : memref<40x128xf32, #tpu.memory_space<vmem>>) target(%dma_start3A_49 : memref<40x128xf32, #tpu.memory_space<vmem_shared>>) target_semaphore(%run_scoped3A : memref<!tpu.dma_semaphore, #tpu.memory_space<semaphore_mem>>)
        %dma_wait3A = arith.constant 0 : i32
        %dma_wait3A_50 = tpu.memref_slice %arg11[%add3A_28, %dma_wait3A] : memref<10240x128xf32, #tpu.memory_space<vmem_shared>> -> memref<40x128xf32, #tpu.memory_space<vmem_shared>>
        %dma_wait3A_51 = arith.constant 0 : i32
        %dma_wait3A_52 = tpu.memref_slice %arg11[%add3A_28, %dma_wait3A_51] : memref<10240x128xf32, #tpu.memory_space<vmem_shared>> -> memref<40x128xf32, #tpu.memory_space<vmem_shared>>
        tpu.wait_dma2 semaphore(%run_scoped3A : memref<!tpu.dma_semaphore, #tpu.memory_space<semaphore_mem>>) src(%arg10 : memref<40x128xf32, #tpu.memory_space<vmem>>) dst(%dma_wait3A_52 : memref<40x128xf32, #tpu.memory_space<vmem_shared>>)
        tpu.yield
      }) : () -> ()
      %add3A_29 = arith.constant 280 : i32
      %add3A_30 = arith.addi %mul3A_2, %add3A_29 : i32
      "tpu.region"() ({
        %run_scoped3A = tpu.sem_alloc : memref<!tpu.dma_semaphore, #tpu.memory_space<semaphore_mem>>
        %dma_start3A = arith.constant 0 : i32
        %dma_start3A_47 = tpu.memref_slice %arg11[%add3A_30, %dma_start3A] : memref<10240x128xf32, #tpu.memory_space<vmem_shared>> -> memref<40x128xf32, #tpu.memory_space<vmem_shared>>
        %dma_start3A_48 = arith.constant 0 : i32
        %dma_start3A_49 = tpu.memref_slice %arg11[%add3A_30, %dma_start3A_48] : memref<10240x128xf32, #tpu.memory_space<vmem_shared>> -> memref<40x128xf32, #tpu.memory_space<vmem_shared>>
        tpu.enqueue_dma source(%arg10 : memref<40x128xf32, #tpu.memory_space<vmem>>) target(%dma_start3A_49 : memref<40x128xf32, #tpu.memory_space<vmem_shared>>) target_semaphore(%run_scoped3A : memref<!tpu.dma_semaphore, #tpu.memory_space<semaphore_mem>>)
        %dma_wait3A = arith.constant 0 : i32
        %dma_wait3A_50 = tpu.memref_slice %arg11[%add3A_30, %dma_wait3A] : memref<10240x128xf32, #tpu.memory_space<vmem_shared>> -> memref<40x128xf32, #tpu.memory_space<vmem_shared>>
        %dma_wait3A_51 = arith.constant 0 : i32
        %dma_wait3A_52 = tpu.memref_slice %arg11[%add3A_30, %dma_wait3A_51] : memref<10240x128xf32, #tpu.memory_space<vmem_shared>> -> memref<40x128xf32, #tpu.memory_space<vmem_shared>>
        tpu.wait_dma2 semaphore(%run_scoped3A : memref<!tpu.dma_semaphore, #tpu.memory_space<semaphore_mem>>) src(%arg10 : memref<40x128xf32, #tpu.memory_space<vmem>>) dst(%dma_wait3A_52 : memref<40x128xf32, #tpu.memory_space<vmem_shared>>)
        tpu.yield
      }) : () -> ()
      %add3A_31 = arith.constant 320 : i32
      %add3A_32 = arith.addi %mul3A_2, %add3A_31 : i32
      "tpu.region"() ({
        %run_scoped3A = tpu.sem_alloc : memref<!tpu.dma_semaphore, #tpu.memory_space<semaphore_mem>>
        %dma_start3A = arith.constant 0 : i32
        %dma_start3A_47 = tpu.memref_slice %arg11[%add3A_32, %dma_start3A] : memref<10240x128xf32, #tpu.memory_space<vmem_shared>> -> memref<40x128xf32, #tpu.memory_space<vmem_shared>>
        %dma_start3A_48 = arith.constant 0 : i32
        %dma_start3A_49 = tpu.memref_slice %arg11[%add3A_32, %dma_start3A_48] : memref<10240x128xf32, #tpu.memory_space<vmem_shared>> -> memref<40x128xf32, #tpu.memory_space<vmem_shared>>
        tpu.enqueue_dma source(%arg10 : memref<40x128xf32, #tpu.memory_space<vmem>>) target(%dma_start3A_49 : memref<40x128xf32, #tpu.memory_space<vmem_shared>>) target_semaphore(%run_scoped3A : memref<!tpu.dma_semaphore, #tpu.memory_space<semaphore_mem>>)
        %dma_wait3A = arith.constant 0 : i32
        %dma_wait3A_50 = tpu.memref_slice %arg11[%add3A_32, %dma_wait3A] : memref<10240x128xf32, #tpu.memory_space<vmem_shared>> -> memref<40x128xf32, #tpu.memory_space<vmem_shared>>
        %dma_wait3A_51 = arith.constant 0 : i32
        %dma_wait3A_52 = tpu.memref_slice %arg11[%add3A_32, %dma_wait3A_51] : memref<10240x128xf32, #tpu.memory_space<vmem_shared>> -> memref<40x128xf32, #tpu.memory_space<vmem_shared>>
        tpu.wait_dma2 semaphore(%run_scoped3A : memref<!tpu.dma_semaphore, #tpu.memory_space<semaphore_mem>>) src(%arg10 : memref<40x128xf32, #tpu.memory_space<vmem>>) dst(%dma_wait3A_52 : memref<40x128xf32, #tpu.memory_space<vmem_shared>>)
        tpu.yield
      }) : () -> ()
      %add3A_33 = arith.constant 360 : i32
      %add3A_34 = arith.addi %mul3A_2, %add3A_33 : i32
      "tpu.region"() ({
        %run_scoped3A = tpu.sem_alloc : memref<!tpu.dma_semaphore, #tpu.memory_space<semaphore_mem>>
        %dma_start3A = arith.constant 0 : i32
        %dma_start3A_47 = tpu.memref_slice %arg11[%add3A_34, %dma_start3A] : memref<10240x128xf32, #tpu.memory_space<vmem_shared>> -> memref<40x128xf32, #tpu.memory_space<vmem_shared>>
        %dma_start3A_48 = arith.constant 0 : i32
        %dma_start3A_49 = tpu.memref_slice %arg11[%add3A_34, %dma_start3A_48] : memref<10240x128xf32, #tpu.memory_space<vmem_shared>> -> memref<40x128xf32, #tpu.memory_space<vmem_shared>>
        tpu.enqueue_dma source(%arg10 : memref<40x128xf32, #tpu.memory_space<vmem>>) target(%dma_start3A_49 : memref<40x128xf32, #tpu.memory_space<vmem_shared>>) target_semaphore(%run_scoped3A : memref<!tpu.dma_semaphore, #tpu.memory_space<semaphore_mem>>)
        %dma_wait3A = arith.constant 0 : i32
        %dma_wait3A_50 = tpu.memref_slice %arg11[%add3A_34, %dma_wait3A] : memref<10240x128xf32, #tpu.memory_space<vmem_shared>> -> memref<40x128xf32, #tpu.memory_space<vmem_shared>>
        %dma_wait3A_51 = arith.constant 0 : i32
        %dma_wait3A_52 = tpu.memref_slice %arg11[%add3A_34, %dma_wait3A_51] : memref<10240x128xf32, #tpu.memory_space<vmem_shared>> -> memref<40x128xf32, #tpu.memory_space<vmem_shared>>
        tpu.wait_dma2 semaphore(%run_scoped3A : memref<!tpu.dma_semaphore, #tpu.memory_space<semaphore_mem>>) src(%arg10 : memref<40x128xf32, #tpu.memory_space<vmem>>) dst(%dma_wait3A_52 : memref<40x128xf32, #tpu.memory_space<vmem_shared>>)
        tpu.yield
      }) : () -> ()
      %add3A_35 = arith.constant 400 : i32
      %add3A_36 = arith.addi %mul3A_2, %add3A_35 : i32
      "tpu.region"() ({
        %run_scoped3A = tpu.sem_alloc : memref<!tpu.dma_semaphore, #tpu.memory_space<semaphore_mem>>
        %dma_start3A = arith.constant 0 : i32
        %dma_start3A_47 = tpu.memref_slice %arg11[%add3A_36, %dma_start3A] : memref<10240x128xf32, #tpu.memory_space<vmem_shared>> -> memref<40x128xf32, #tpu.memory_space<vmem_shared>>
        %dma_start3A_48 = arith.constant 0 : i32
        %dma_start3A_49 = tpu.memref_slice %arg11[%add3A_36, %dma_start3A_48] : memref<10240x128xf32, #tpu.memory_space<vmem_shared>> -> memref<40x128xf32, #tpu.memory_space<vmem_shared>>
        tpu.enqueue_dma source(%arg10 : memref<40x128xf32, #tpu.memory_space<vmem>>) target(%dma_start3A_49 : memref<40x128xf32, #tpu.memory_space<vmem_shared>>) target_semaphore(%run_scoped3A : memref<!tpu.dma_semaphore, #tpu.memory_space<semaphore_mem>>)
        %dma_wait3A = arith.constant 0 : i32
        %dma_wait3A_50 = tpu.memref_slice %arg11[%add3A_36, %dma_wait3A] : memref<10240x128xf32, #tpu.memory_space<vmem_shared>> -> memref<40x128xf32, #tpu.memory_space<vmem_shared>>
        %dma_wait3A_51 = arith.constant 0 : i32
        %dma_wait3A_52 = tpu.memref_slice %arg11[%add3A_36, %dma_wait3A_51] : memref<10240x128xf32, #tpu.memory_space<vmem_shared>> -> memref<40x128xf32, #tpu.memory_space<vmem_shared>>
        tpu.wait_dma2 semaphore(%run_scoped3A : memref<!tpu.dma_semaphore, #tpu.memory_space<semaphore_mem>>) src(%arg10 : memref<40x128xf32, #tpu.memory_space<vmem>>) dst(%dma_wait3A_52 : memref<40x128xf32, #tpu.memory_space<vmem_shared>>)
        tpu.yield
      }) : () -> ()
      %add3A_37 = arith.constant 440 : i32
      %add3A_38 = arith.addi %mul3A_2, %add3A_37 : i32
      "tpu.region"() ({
        %run_scoped3A = tpu.sem_alloc : memref<!tpu.dma_semaphore, #tpu.memory_space<semaphore_mem>>
        %dma_start3A = arith.constant 0 : i32
        %dma_start3A_47 = tpu.memref_slice %arg11[%add3A_38, %dma_start3A] : memref<10240x128xf32, #tpu.memory_space<vmem_shared>> -> memref<40x128xf32, #tpu.memory_space<vmem_shared>>
        %dma_start3A_48 = arith.constant 0 : i32
        %dma_start3A_49 = tpu.memref_slice %arg11[%add3A_38, %dma_start3A_48] : memref<10240x128xf32, #tpu.memory_space<vmem_shared>> -> memref<40x128xf32, #tpu.memory_space<vmem_shared>>
        tpu.enqueue_dma source(%arg10 : memref<40x128xf32, #tpu.memory_space<vmem>>) target(%dma_start3A_49 : memref<40x128xf32, #tpu.memory_space<vmem_shared>>) target_semaphore(%run_scoped3A : memref<!tpu.dma_semaphore, #tpu.memory_space<semaphore_mem>>)
        %dma_wait3A = arith.constant 0 : i32
        %dma_wait3A_50 = tpu.memref_slice %arg11[%add3A_38, %dma_wait3A] : memref<10240x128xf32, #tpu.memory_space<vmem_shared>> -> memref<40x128xf32, #tpu.memory_space<vmem_shared>>
        %dma_wait3A_51 = arith.constant 0 : i32
        %dma_wait3A_52 = tpu.memref_slice %arg11[%add3A_38, %dma_wait3A_51] : memref<10240x128xf32, #tpu.memory_space<vmem_shared>> -> memref<40x128xf32, #tpu.memory_space<vmem_shared>>
        tpu.wait_dma2 semaphore(%run_scoped3A : memref<!tpu.dma_semaphore, #tpu.memory_space<semaphore_mem>>) src(%arg10 : memref<40x128xf32, #tpu.memory_space<vmem>>) dst(%dma_wait3A_52 : memref<40x128xf32, #tpu.memory_space<vmem_shared>>)
        tpu.yield
      }) : () -> ()
      %add3A_39 = arith.constant 480 : i32
      %add3A_40 = arith.addi %mul3A_2, %add3A_39 : i32
      "tpu.region"() ({
        %run_scoped3A = tpu.sem_alloc : memref<!tpu.dma_semaphore, #tpu.memory_space<semaphore_mem>>
        %dma_start3A = arith.constant 0 : i32
        %dma_start3A_47 = tpu.memref_slice %arg11[%add3A_40, %dma_start3A] : memref<10240x128xf32, #tpu.memory_space<vmem_shared>> -> memref<40x128xf32, #tpu.memory_space<vmem_shared>>
        %dma_start3A_48 = arith.constant 0 : i32
        %dma_start3A_49 = tpu.memref_slice %arg11[%add3A_40, %dma_start3A_48] : memref<10240x128xf32, #tpu.memory_space<vmem_shared>> -> memref<40x128xf32, #tpu.memory_space<vmem_shared>>
        tpu.enqueue_dma source(%arg10 : memref<40x128xf32, #tpu.memory_space<vmem>>) target(%dma_start3A_49 : memref<40x128xf32, #tpu.memory_space<vmem_shared>>) target_semaphore(%run_scoped3A : memref<!tpu.dma_semaphore, #tpu.memory_space<semaphore_mem>>)
        %dma_wait3A = arith.constant 0 : i32
        %dma_wait3A_50 = tpu.memref_slice %arg11[%add3A_40, %dma_wait3A] : memref<10240x128xf32, #tpu.memory_space<vmem_shared>> -> memref<40x128xf32, #tpu.memory_space<vmem_shared>>
        %dma_wait3A_51 = arith.constant 0 : i32
        %dma_wait3A_52 = tpu.memref_slice %arg11[%add3A_40, %dma_wait3A_51] : memref<10240x128xf32, #tpu.memory_space<vmem_shared>> -> memref<40x128xf32, #tpu.memory_space<vmem_shared>>
        tpu.wait_dma2 semaphore(%run_scoped3A : memref<!tpu.dma_semaphore, #tpu.memory_space<semaphore_mem>>) src(%arg10 : memref<40x128xf32, #tpu.memory_space<vmem>>) dst(%dma_wait3A_52 : memref<40x128xf32, #tpu.memory_space<vmem_shared>>)
        tpu.yield
      }) : () -> ()
      %add3A_41 = arith.constant 520 : i32
      %add3A_42 = arith.addi %mul3A_2, %add3A_41 : i32
      "tpu.region"() ({
        %run_scoped3A = tpu.sem_alloc : memref<!tpu.dma_semaphore, #tpu.memory_space<semaphore_mem>>
        %dma_start3A = arith.constant 0 : i32
        %dma_start3A_47 = tpu.memref_slice %arg11[%add3A_42, %dma_start3A] : memref<10240x128xf32, #tpu.memory_space<vmem_shared>> -> memref<40x128xf32, #tpu.memory_space<vmem_shared>>
        %dma_start3A_48 = arith.constant 0 : i32
        %dma_start3A_49 = tpu.memref_slice %arg11[%add3A_42, %dma_start3A_48] : memref<10240x128xf32, #tpu.memory_space<vmem_shared>> -> memref<40x128xf32, #tpu.memory_space<vmem_shared>>
        tpu.enqueue_dma source(%arg10 : memref<40x128xf32, #tpu.memory_space<vmem>>) target(%dma_start3A_49 : memref<40x128xf32, #tpu.memory_space<vmem_shared>>) target_semaphore(%run_scoped3A : memref<!tpu.dma_semaphore, #tpu.memory_space<semaphore_mem>>)
        %dma_wait3A = arith.constant 0 : i32
        %dma_wait3A_50 = tpu.memref_slice %arg11[%add3A_42, %dma_wait3A] : memref<10240x128xf32, #tpu.memory_space<vmem_shared>> -> memref<40x128xf32, #tpu.memory_space<vmem_shared>>
        %dma_wait3A_51 = arith.constant 0 : i32
        %dma_wait3A_52 = tpu.memref_slice %arg11[%add3A_42, %dma_wait3A_51] : memref<10240x128xf32, #tpu.memory_space<vmem_shared>> -> memref<40x128xf32, #tpu.memory_space<vmem_shared>>
        tpu.wait_dma2 semaphore(%run_scoped3A : memref<!tpu.dma_semaphore, #tpu.memory_space<semaphore_mem>>) src(%arg10 : memref<40x128xf32, #tpu.memory_space<vmem>>) dst(%dma_wait3A_52 : memref<40x128xf32, #tpu.memory_space<vmem_shared>>)
        tpu.yield
      }) : () -> ()
      %add3A_43 = arith.constant 560 : i32
      %add3A_44 = arith.addi %mul3A_2, %add3A_43 : i32
      "tpu.region"() ({
        %run_scoped3A = tpu.sem_alloc : memref<!tpu.dma_semaphore, #tpu.memory_space<semaphore_mem>>
        %dma_start3A = arith.constant 0 : i32
        %dma_start3A_47 = tpu.memref_slice %arg11[%add3A_44, %dma_start3A] : memref<10240x128xf32, #tpu.memory_space<vmem_shared>> -> memref<40x128xf32, #tpu.memory_space<vmem_shared>>
        %dma_start3A_48 = arith.constant 0 : i32
        %dma_start3A_49 = tpu.memref_slice %arg11[%add3A_44, %dma_start3A_48] : memref<10240x128xf32, #tpu.memory_space<vmem_shared>> -> memref<40x128xf32, #tpu.memory_space<vmem_shared>>
        tpu.enqueue_dma source(%arg10 : memref<40x128xf32, #tpu.memory_space<vmem>>) target(%dma_start3A_49 : memref<40x128xf32, #tpu.memory_space<vmem_shared>>) target_semaphore(%run_scoped3A : memref<!tpu.dma_semaphore, #tpu.memory_space<semaphore_mem>>)
        %dma_wait3A = arith.constant 0 : i32
        %dma_wait3A_50 = tpu.memref_slice %arg11[%add3A_44, %dma_wait3A] : memref<10240x128xf32, #tpu.memory_space<vmem_shared>> -> memref<40x128xf32, #tpu.memory_space<vmem_shared>>
        %dma_wait3A_51 = arith.constant 0 : i32
        %dma_wait3A_52 = tpu.memref_slice %arg11[%add3A_44, %dma_wait3A_51] : memref<10240x128xf32, #tpu.memory_space<vmem_shared>> -> memref<40x128xf32, #tpu.memory_space<vmem_shared>>
        tpu.wait_dma2 semaphore(%run_scoped3A : memref<!tpu.dma_semaphore, #tpu.memory_space<semaphore_mem>>) src(%arg10 : memref<40x128xf32, #tpu.memory_space<vmem>>) dst(%dma_wait3A_52 : memref<40x128xf32, #tpu.memory_space<vmem_shared>>)
        tpu.yield
      }) : () -> ()
      %add3A_45 = arith.constant 600 : i32
      %add3A_46 = arith.addi %mul3A_2, %add3A_45 : i32
      "tpu.region"() ({
        %run_scoped3A = tpu.sem_alloc : memref<!tpu.dma_semaphore, #tpu.memory_space<semaphore_mem>>
        %dma_start3A = arith.constant 0 : i32
        %dma_start3A_47 = tpu.memref_slice %arg11[%add3A_46, %dma_start3A] : memref<10240x128xf32, #tpu.memory_space<vmem_shared>> -> memref<40x128xf32, #tpu.memory_space<vmem_shared>>
        %dma_start3A_48 = arith.constant 0 : i32
        %dma_start3A_49 = tpu.memref_slice %arg11[%add3A_46, %dma_start3A_48] : memref<10240x128xf32, #tpu.memory_space<vmem_shared>> -> memref<40x128xf32, #tpu.memory_space<vmem_shared>>
        tpu.enqueue_dma source(%arg10 : memref<40x128xf32, #tpu.memory_space<vmem>>) target(%dma_start3A_49 : memref<40x128xf32, #tpu.memory_space<vmem_shared>>) target_semaphore(%run_scoped3A : memref<!tpu.dma_semaphore, #tpu.memory_space<semaphore_mem>>)
        %dma_wait3A = arith.constant 0 : i32
        %dma_wait3A_50 = tpu.memref_slice %arg11[%add3A_46, %dma_wait3A] : memref<10240x128xf32, #tpu.memory_space<vmem_shared>> -> memref<40x128xf32, #tpu.memory_space<vmem_shared>>
        %dma_wait3A_51 = arith.constant 0 : i32
        %dma_wait3A_52 = tpu.memref_slice %arg11[%add3A_46, %dma_wait3A_51] : memref<10240x128xf32, #tpu.memory_space<vmem_shared>> -> memref<40x128xf32, #tpu.memory_space<vmem_shared>>
        tpu.wait_dma2 semaphore(%run_scoped3A : memref<!tpu.dma_semaphore, #tpu.memory_space<semaphore_mem>>) src(%arg10 : memref<40x128xf32, #tpu.memory_space<vmem>>) dst(%dma_wait3A_52 : memref<40x128xf32, #tpu.memory_space<vmem_shared>>)
        tpu.yield
      }) : () -> ()
    } else {
    }
    %barrier3A = arith.constant 0 : index
    tpu.barrier barrier_id(%barrier3A)
    %scan3A = arith.constant 0 : i32
    %scan3A_9 = arith.constant 0 : i32
    %scan3A_10 = arith.constant 80 : i32
    %scan3A_11 = arith.addi %scan3A_9, %scan3A_10 : i32
    %scan3A_12 = arith.constant 1 : i32
    scf.for %scan3A_15 = %scan3A_9 to %scan3A_11 step %scan3A_12  : i32 {
      %dma_start3A = arith.constant 0 : i32
      %dma_start3A_16 = tpu.memref_slice %arg7[%scan3A_15, %dma_start3A] : memref<80x128xi32, #tpu.memory_space<vmem>> -> memref<1x128xi32, #tpu.memory_space<vmem>>
      %dma_start3A_17 = tpu.memref_squeeze %dma_start3A_16 : memref<1x128xi32, #tpu.memory_space<vmem>> -> memref<128xi32, #tpu.memory_space<vmem>>
      %dma_start3A_18 = arith.constant 0 : i32
      %dma_start3A_19 = arith.constant 0 : i32
      %dma_start3A_20 = tpu.memref_slice %arg2[%dma_start3A_18, %dma_start3A_19] : memref<10240x128xf32, #tpu.memory_space<hbm>> -> memref<10240x128xf32, #tpu.memory_space<hbm>>
      tpu.enqueue_indirect_dma source(%dma_start3A_20 : memref<10240x128xf32, #tpu.memory_space<hbm>>) target(%arg9 : memref<128x128xf32, #tpu.memory_space<vmem>>) offsets(%dma_start3A_17 : memref<128xi32, #tpu.memory_space<vmem>>) semaphore(%arg12 : memref<!tpu.dma_semaphore, #tpu.memory_space<semaphore_mem>>)
      %dma_wait3A = arith.constant 0 : i32
      %dma_wait3A_21 = tpu.memref_slice %arg7[%scan3A_15, %dma_wait3A] : memref<80x128xi32, #tpu.memory_space<vmem>> -> memref<1x128xi32, #tpu.memory_space<vmem>>
      %dma_wait3A_22 = tpu.memref_squeeze %dma_wait3A_21 : memref<1x128xi32, #tpu.memory_space<vmem>> -> memref<128xi32, #tpu.memory_space<vmem>>
      %dma_wait3A_23 = arith.constant 0 : i32
      %dma_wait3A_24 = arith.constant 0 : i32
      %dma_wait3A_25 = tpu.memref_slice %arg2[%dma_wait3A_23, %dma_wait3A_24] : memref<10240x128xf32, #tpu.memory_space<hbm>> -> memref<10240x128xf32, #tpu.memory_space<hbm>>
      tpu.wait_indirect_dma semaphore(%arg12 : memref<!tpu.dma_semaphore, #tpu.memory_space<semaphore_mem>>) src(%dma_wait3A_25 : memref<10240x128xf32, #tpu.memory_space<hbm>>) dst(%arg9 : memref<128x128xf32, #tpu.memory_space<vmem>>)
      "tpu.region"() ({
        %run_scoped3A = tpu.sem_alloc : memref<!tpu.dma_semaphore, #tpu.memory_space<semaphore_mem>>
        %dma_start3A_26 = arith.constant 0 : i32
        %dma_start3A_27 = tpu.memref_slice %arg8[%scan3A_15, %dma_start3A_26] : memref<80x128xi32, #tpu.memory_space<vmem>> -> memref<1x128xi32, #tpu.memory_space<vmem>>
        %dma_start3A_28 = tpu.memref_squeeze %dma_start3A_27 : memref<1x128xi32, #tpu.memory_space<vmem>> -> memref<128xi32, #tpu.memory_space<vmem>>
        %dma_start3A_29 = arith.constant 0 : i32
        %dma_start3A_30 = arith.constant 0 : i32
        %dma_start3A_31 = tpu.memref_slice %arg11[%dma_start3A_29, %dma_start3A_30] : memref<10240x128xf32, #tpu.memory_space<vmem_shared>> -> memref<10240x128xf32, #tpu.memory_space<vmem_shared>>
        tpu.enqueue_indirect_dma source(%arg9 : memref<128x128xf32, #tpu.memory_space<vmem>>) target(%dma_start3A_31 : memref<10240x128xf32, #tpu.memory_space<vmem_shared>>) offsets(%dma_start3A_28 : memref<128xi32, #tpu.memory_space<vmem>>) semaphore(%run_scoped3A : memref<!tpu.dma_semaphore, #tpu.memory_space<semaphore_mem>>) {add = true}
        %dma_wait3A_32 = arith.constant 0 : i32
        %dma_wait3A_33 = tpu.memref_slice %arg8[%scan3A_15, %dma_wait3A_32] : memref<80x128xi32, #tpu.memory_space<vmem>> -> memref<1x128xi32, #tpu.memory_space<vmem>>
        %dma_wait3A_34 = tpu.memref_squeeze %dma_wait3A_33 : memref<1x128xi32, #tpu.memory_space<vmem>> -> memref<128xi32, #tpu.memory_space<vmem>>
        %dma_wait3A_35 = arith.constant 0 : i32
        %dma_wait3A_36 = arith.constant 0 : i32
        %dma_wait3A_37 = tpu.memref_slice %arg11[%dma_wait3A_35, %dma_wait3A_36] : memref<10240x128xf32, #tpu.memory_space<vmem_shared>> -> memref<10240x128xf32, #tpu.memory_space<vmem_shared>>
        tpu.wait_indirect_dma semaphore(%run_scoped3A : memref<!tpu.dma_semaphore, #tpu.memory_space<semaphore_mem>>) src(%arg9 : memref<128x128xf32, #tpu.memory_space<vmem>>) dst(%dma_wait3A_37 : memref<10240x128xf32, #tpu.memory_space<vmem_shared>>)
        tpu.yield
      }) : () -> ()
    }
    %scan3A_13 = arith.constant 80 : i32
    %barrier3A_14 = arith.constant 0 : index
    tpu.barrier barrier_id(%barrier3A_14)
    "tpu.region"() ({
      %run_scoped3A = tpu.sem_alloc : memref<!tpu.dma_semaphore, #tpu.memory_space<semaphore_mem>>
      %dma_start3A = arith.constant 0 : i32
      %dma_start3A_15 = tpu.memref_slice %arg6[%arg0, %mul3A_2, %dma_start3A] : memref<2x10240x128xf32, #tpu.memory_space<hbm>> -> memref<1x640x128xf32, #tpu.memory_space<hbm>>
      %dma_start3A_16 = tpu.memref_squeeze %dma_start3A_15 : memref<1x640x128xf32, #tpu.memory_space<hbm>> -> memref<640x128xf32, #tpu.memory_space<hbm>>
      %dma_start3A_17 = arith.constant 0 : i32
      %dma_start3A_18 = tpu.memref_slice %arg11[%mul3A_2, %dma_start3A_17] : memref<10240x128xf32, #tpu.memory_space<vmem_shared>> -> memref<640x128xf32, #tpu.memory_space<vmem_shared>>
      tpu.enqueue_dma source(%dma_start3A_18 : memref<640x128xf32, #tpu.memory_space<vmem_shared>>) target(%dma_start3A_16 : memref<640x128xf32, #tpu.memory_space<hbm>>) target_semaphore(%run_scoped3A : memref<!tpu.dma_semaphore, #tpu.memory_space<semaphore_mem>>)
      %dma_wait3A = arith.constant 0 : i32
      %dma_wait3A_19 = tpu.memref_slice %arg6[%arg0, %mul3A_2, %dma_wait3A] : memref<2x10240x128xf32, #tpu.memory_space<hbm>> -> memref<1x640x128xf32, #tpu.memory_space<hbm>>
      %dma_wait3A_20 = tpu.memref_squeeze %dma_wait3A_19 : memref<1x640x128xf32, #tpu.memory_space<hbm>> -> memref<640x128xf32, #tpu.memory_space<hbm>>
      %dma_wait3A_21 = arith.constant 0 : i32
      %dma_wait3A_22 = tpu.memref_slice %arg11[%mul3A_2, %dma_wait3A_21] : memref<10240x128xf32, #tpu.memory_space<vmem_shared>> -> memref<640x128xf32, #tpu.memory_space<vmem_shared>>
      tpu.wait_dma2 semaphore(%run_scoped3A : memref<!tpu.dma_semaphore, #tpu.memory_space<semaphore_mem>>) src(%dma_wait3A_22 : memref<640x128xf32, #tpu.memory_space<vmem_shared>>) dst(%dma_wait3A_20 : memref<640x128xf32, #tpu.memory_space<hbm>>)
      tpu.yield
    }) : () -> ()
    return
  }
}

#map = affine_map<(d0, d1) -> (0, 0, 0)>
#map1 = affine_map<(d0, d1) -> (0, 0)>
module attributes {stable_mosaic.version = 14 : i64} {
  func.func @_deg_body(%arg0: i32, %arg1: i32, %arg2: memref<32x80x128xi32, #tpu.memory_space<hbm>>, %arg3: memref<40x128xf32, #tpu.memory_space<hbm>>, %arg4: memref<128x128xf32, #tpu.memory_space<hbm>>, %arg5: memref<2x10240x128xf32, #tpu.memory_space<hbm>>, %arg6: memref<80x128xi32, #tpu.memory_space<vmem>>, %arg7: memref<128x128xf32, #tpu.memory_space<vmem>>, %arg8: memref<10240x128xf32, #tpu.memory_space<vmem_shared>>) attributes {dimension_semantics = [#tpu.dimension_semantics<core_parallel>, #tpu.dimension_semantics<subcore_parallel>], iteration_bounds = array<i64: 2, 16>, scalar_prefetch = 0 : i64, scratch_operands = 3 : i64, tpu.core_type = #tpu.core_type<sc_vector_subcore>, window_params = [{transform_indices = #map}, {transform_indices = #map1}, {transform_indices = #map1}, {transform_indices = #map}]} {
    %mul3A = arith.constant 16 : i32
    %mul3A_0 = arith.muli %arg0, %mul3A : i32
    %add3A = arith.addi %mul3A_0, %arg1 : i32
    %mul3A_1 = arith.constant 640 : i32
    %mul3A_2 = arith.muli %arg1, %mul3A_1 : i32
    "tpu.region"() ({
      %run_scoped3A = tpu.sem_alloc : memref<!tpu.dma_semaphore, #tpu.memory_space<semaphore_mem>>
      %dma_start3A = arith.constant 0 : i32
      %dma_start3A_41 = arith.constant 0 : i32
      %dma_start3A_42 = tpu.memref_slice %arg2[%add3A, %dma_start3A, %dma_start3A_41] : memref<32x80x128xi32, #tpu.memory_space<hbm>> -> memref<1x80x128xi32, #tpu.memory_space<hbm>>
      %dma_start3A_43 = tpu.memref_squeeze %dma_start3A_42 : memref<1x80x128xi32, #tpu.memory_space<hbm>> -> memref<80x128xi32, #tpu.memory_space<hbm>>
      %dma_start3A_44 = arith.constant 0 : i32
      %dma_start3A_45 = arith.constant 0 : i32
      %dma_start3A_46 = tpu.memref_slice %arg2[%add3A, %dma_start3A_44, %dma_start3A_45] : memref<32x80x128xi32, #tpu.memory_space<hbm>> -> memref<1x80x128xi32, #tpu.memory_space<hbm>>
      %dma_start3A_47 = tpu.memref_squeeze %dma_start3A_46 : memref<1x80x128xi32, #tpu.memory_space<hbm>> -> memref<80x128xi32, #tpu.memory_space<hbm>>
      tpu.enqueue_dma source(%dma_start3A_47 : memref<80x128xi32, #tpu.memory_space<hbm>>) target(%arg6 : memref<80x128xi32, #tpu.memory_space<vmem>>) target_semaphore(%run_scoped3A : memref<!tpu.dma_semaphore, #tpu.memory_space<semaphore_mem>>)
      %dma_wait3A = arith.constant 0 : i32
      %dma_wait3A_48 = arith.constant 0 : i32
      %dma_wait3A_49 = tpu.memref_slice %arg2[%add3A, %dma_wait3A, %dma_wait3A_48] : memref<32x80x128xi32, #tpu.memory_space<hbm>> -> memref<1x80x128xi32, #tpu.memory_space<hbm>>
      %dma_wait3A_50 = tpu.memref_squeeze %dma_wait3A_49 : memref<1x80x128xi32, #tpu.memory_space<hbm>> -> memref<80x128xi32, #tpu.memory_space<hbm>>
      %dma_wait3A_51 = arith.constant 0 : i32
      %dma_wait3A_52 = arith.constant 0 : i32
      %dma_wait3A_53 = tpu.memref_slice %arg2[%add3A, %dma_wait3A_51, %dma_wait3A_52] : memref<32x80x128xi32, #tpu.memory_space<hbm>> -> memref<1x80x128xi32, #tpu.memory_space<hbm>>
      %dma_wait3A_54 = tpu.memref_squeeze %dma_wait3A_53 : memref<1x80x128xi32, #tpu.memory_space<hbm>> -> memref<80x128xi32, #tpu.memory_space<hbm>>
      tpu.wait_dma2 semaphore(%run_scoped3A : memref<!tpu.dma_semaphore, #tpu.memory_space<semaphore_mem>>) src(%dma_wait3A_54 : memref<80x128xi32, #tpu.memory_space<hbm>>) dst(%arg6 : memref<80x128xi32, #tpu.memory_space<vmem>>)
      tpu.yield
    }) : () -> ()
    "tpu.region"() ({
      %run_scoped3A = tpu.sem_alloc : memref<!tpu.dma_semaphore, #tpu.memory_space<semaphore_mem>>
      tpu.enqueue_dma source(%arg4 : memref<128x128xf32, #tpu.memory_space<hbm>>) target(%arg7 : memref<128x128xf32, #tpu.memory_space<vmem>>) target_semaphore(%run_scoped3A : memref<!tpu.dma_semaphore, #tpu.memory_space<semaphore_mem>>)
      tpu.wait_dma2 semaphore(%run_scoped3A : memref<!tpu.dma_semaphore, #tpu.memory_space<semaphore_mem>>) src(%arg4 : memref<128x128xf32, #tpu.memory_space<hbm>>) dst(%arg7 : memref<128x128xf32, #tpu.memory_space<vmem>>)
      tpu.yield
    }) : () -> ()
    %add3A_3 = arith.constant 0 : i32
    %add3A_4 = arith.addi %mul3A_2, %add3A_3 : i32
    "tpu.region"() ({
      %run_scoped3A = tpu.sem_alloc : memref<!tpu.dma_semaphore, #tpu.memory_space<semaphore_mem>>
      %dma_start3A = arith.constant 0 : i32
      %dma_start3A_41 = tpu.memref_slice %arg8[%add3A_4, %dma_start3A] : memref<10240x128xf32, #tpu.memory_space<vmem_shared>> -> memref<40x128xf32, #tpu.memory_space<vmem_shared>>
      tpu.enqueue_dma source(%arg3 : memref<40x128xf32, #tpu.memory_space<hbm>>) target(%dma_start3A_41 : memref<40x128xf32, #tpu.memory_space<vmem_shared>>) target_semaphore(%run_scoped3A : memref<!tpu.dma_semaphore, #tpu.memory_space<semaphore_mem>>)
      %dma_wait3A = arith.constant 0 : i32
      %dma_wait3A_42 = tpu.memref_slice %arg8[%add3A_4, %dma_wait3A] : memref<10240x128xf32, #tpu.memory_space<vmem_shared>> -> memref<40x128xf32, #tpu.memory_space<vmem_shared>>
      tpu.wait_dma2 semaphore(%run_scoped3A : memref<!tpu.dma_semaphore, #tpu.memory_space<semaphore_mem>>) src(%arg3 : memref<40x128xf32, #tpu.memory_space<hbm>>) dst(%dma_wait3A_42 : memref<40x128xf32, #tpu.memory_space<vmem_shared>>)
      tpu.yield
    }) : () -> ()
    %add3A_5 = arith.constant 40 : i32
    %add3A_6 = arith.addi %mul3A_2, %add3A_5 : i32
    "tpu.region"() ({
      %run_scoped3A = tpu.sem_alloc : memref<!tpu.dma_semaphore, #tpu.memory_space<semaphore_mem>>
      %dma_start3A = arith.constant 0 : i32
      %dma_start3A_41 = tpu.memref_slice %arg8[%add3A_6, %dma_start3A] : memref<10240x128xf32, #tpu.memory_space<vmem_shared>> -> memref<40x128xf32, #tpu.memory_space<vmem_shared>>
      tpu.enqueue_dma source(%arg3 : memref<40x128xf32, #tpu.memory_space<hbm>>) target(%dma_start3A_41 : memref<40x128xf32, #tpu.memory_space<vmem_shared>>) target_semaphore(%run_scoped3A : memref<!tpu.dma_semaphore, #tpu.memory_space<semaphore_mem>>)
      %dma_wait3A = arith.constant 0 : i32
      %dma_wait3A_42 = tpu.memref_slice %arg8[%add3A_6, %dma_wait3A] : memref<10240x128xf32, #tpu.memory_space<vmem_shared>> -> memref<40x128xf32, #tpu.memory_space<vmem_shared>>
      tpu.wait_dma2 semaphore(%run_scoped3A : memref<!tpu.dma_semaphore, #tpu.memory_space<semaphore_mem>>) src(%arg3 : memref<40x128xf32, #tpu.memory_space<hbm>>) dst(%dma_wait3A_42 : memref<40x128xf32, #tpu.memory_space<vmem_shared>>)
      tpu.yield
    }) : () -> ()
    %add3A_7 = arith.constant 80 : i32
    %add3A_8 = arith.addi %mul3A_2, %add3A_7 : i32
    "tpu.region"() ({
      %run_scoped3A = tpu.sem_alloc : memref<!tpu.dma_semaphore, #tpu.memory_space<semaphore_mem>>
      %dma_start3A = arith.constant 0 : i32
      %dma_start3A_41 = tpu.memref_slice %arg8[%add3A_8, %dma_start3A] : memref<10240x128xf32, #tpu.memory_space<vmem_shared>> -> memref<40x128xf32, #tpu.memory_space<vmem_shared>>
      tpu.enqueue_dma source(%arg3 : memref<40x128xf32, #tpu.memory_space<hbm>>) target(%dma_start3A_41 : memref<40x128xf32, #tpu.memory_space<vmem_shared>>) target_semaphore(%run_scoped3A : memref<!tpu.dma_semaphore, #tpu.memory_space<semaphore_mem>>)
      %dma_wait3A = arith.constant 0 : i32
      %dma_wait3A_42 = tpu.memref_slice %arg8[%add3A_8, %dma_wait3A] : memref<10240x128xf32, #tpu.memory_space<vmem_shared>> -> memref<40x128xf32, #tpu.memory_space<vmem_shared>>
      tpu.wait_dma2 semaphore(%run_scoped3A : memref<!tpu.dma_semaphore, #tpu.memory_space<semaphore_mem>>) src(%arg3 : memref<40x128xf32, #tpu.memory_space<hbm>>) dst(%dma_wait3A_42 : memref<40x128xf32, #tpu.memory_space<vmem_shared>>)
      tpu.yield
    }) : () -> ()
    %add3A_9 = arith.constant 120 : i32
    %add3A_10 = arith.addi %mul3A_2, %add3A_9 : i32
    "tpu.region"() ({
      %run_scoped3A = tpu.sem_alloc : memref<!tpu.dma_semaphore, #tpu.memory_space<semaphore_mem>>
      %dma_start3A = arith.constant 0 : i32
      %dma_start3A_41 = tpu.memref_slice %arg8[%add3A_10, %dma_start3A] : memref<10240x128xf32, #tpu.memory_space<vmem_shared>> -> memref<40x128xf32, #tpu.memory_space<vmem_shared>>
      tpu.enqueue_dma source(%arg3 : memref<40x128xf32, #tpu.memory_space<hbm>>) target(%dma_start3A_41 : memref<40x128xf32, #tpu.memory_space<vmem_shared>>) target_semaphore(%run_scoped3A : memref<!tpu.dma_semaphore, #tpu.memory_space<semaphore_mem>>)
      %dma_wait3A = arith.constant 0 : i32
      %dma_wait3A_42 = tpu.memref_slice %arg8[%add3A_10, %dma_wait3A] : memref<10240x128xf32, #tpu.memory_space<vmem_shared>> -> memref<40x128xf32, #tpu.memory_space<vmem_shared>>
      tpu.wait_dma2 semaphore(%run_scoped3A : memref<!tpu.dma_semaphore, #tpu.memory_space<semaphore_mem>>) src(%arg3 : memref<40x128xf32, #tpu.memory_space<hbm>>) dst(%dma_wait3A_42 : memref<40x128xf32, #tpu.memory_space<vmem_shared>>)
      tpu.yield
    }) : () -> ()
    %add3A_11 = arith.constant 160 : i32
    %add3A_12 = arith.addi %mul3A_2, %add3A_11 : i32
    "tpu.region"() ({
      %run_scoped3A = tpu.sem_alloc : memref<!tpu.dma_semaphore, #tpu.memory_space<semaphore_mem>>
      %dma_start3A = arith.constant 0 : i32
      %dma_start3A_41 = tpu.memref_slice %arg8[%add3A_12, %dma_start3A] : memref<10240x128xf32, #tpu.memory_space<vmem_shared>> -> memref<40x128xf32, #tpu.memory_space<vmem_shared>>
      tpu.enqueue_dma source(%arg3 : memref<40x128xf32, #tpu.memory_space<hbm>>) target(%dma_start3A_41 : memref<40x128xf32, #tpu.memory_space<vmem_shared>>) target_semaphore(%run_scoped3A : memref<!tpu.dma_semaphore, #tpu.memory_space<semaphore_mem>>)
      %dma_wait3A = arith.constant 0 : i32
      %dma_wait3A_42 = tpu.memref_slice %arg8[%add3A_12, %dma_wait3A] : memref<10240x128xf32, #tpu.memory_space<vmem_shared>> -> memref<40x128xf32, #tpu.memory_space<vmem_shared>>
      tpu.wait_dma2 semaphore(%run_scoped3A : memref<!tpu.dma_semaphore, #tpu.memory_space<semaphore_mem>>) src(%arg3 : memref<40x128xf32, #tpu.memory_space<hbm>>) dst(%dma_wait3A_42 : memref<40x128xf32, #tpu.memory_space<vmem_shared>>)
      tpu.yield
    }) : () -> ()
    %add3A_13 = arith.constant 200 : i32
    %add3A_14 = arith.addi %mul3A_2, %add3A_13 : i32
    "tpu.region"() ({
      %run_scoped3A = tpu.sem_alloc : memref<!tpu.dma_semaphore, #tpu.memory_space<semaphore_mem>>
      %dma_start3A = arith.constant 0 : i32
      %dma_start3A_41 = tpu.memref_slice %arg8[%add3A_14, %dma_start3A] : memref<10240x128xf32, #tpu.memory_space<vmem_shared>> -> memref<40x128xf32, #tpu.memory_space<vmem_shared>>
      tpu.enqueue_dma source(%arg3 : memref<40x128xf32, #tpu.memory_space<hbm>>) target(%dma_start3A_41 : memref<40x128xf32, #tpu.memory_space<vmem_shared>>) target_semaphore(%run_scoped3A : memref<!tpu.dma_semaphore, #tpu.memory_space<semaphore_mem>>)
      %dma_wait3A = arith.constant 0 : i32
      %dma_wait3A_42 = tpu.memref_slice %arg8[%add3A_14, %dma_wait3A] : memref<10240x128xf32, #tpu.memory_space<vmem_shared>> -> memref<40x128xf32, #tpu.memory_space<vmem_shared>>
      tpu.wait_dma2 semaphore(%run_scoped3A : memref<!tpu.dma_semaphore, #tpu.memory_space<semaphore_mem>>) src(%arg3 : memref<40x128xf32, #tpu.memory_space<hbm>>) dst(%dma_wait3A_42 : memref<40x128xf32, #tpu.memory_space<vmem_shared>>)
      tpu.yield
    }) : () -> ()
    %add3A_15 = arith.constant 240 : i32
    %add3A_16 = arith.addi %mul3A_2, %add3A_15 : i32
    "tpu.region"() ({
      %run_scoped3A = tpu.sem_alloc : memref<!tpu.dma_semaphore, #tpu.memory_space<semaphore_mem>>
      %dma_start3A = arith.constant 0 : i32
      %dma_start3A_41 = tpu.memref_slice %arg8[%add3A_16, %dma_start3A] : memref<10240x128xf32, #tpu.memory_space<vmem_shared>> -> memref<40x128xf32, #tpu.memory_space<vmem_shared>>
      tpu.enqueue_dma source(%arg3 : memref<40x128xf32, #tpu.memory_space<hbm>>) target(%dma_start3A_41 : memref<40x128xf32, #tpu.memory_space<vmem_shared>>) target_semaphore(%run_scoped3A : memref<!tpu.dma_semaphore, #tpu.memory_space<semaphore_mem>>)
      %dma_wait3A = arith.constant 0 : i32
      %dma_wait3A_42 = tpu.memref_slice %arg8[%add3A_16, %dma_wait3A] : memref<10240x128xf32, #tpu.memory_space<vmem_shared>> -> memref<40x128xf32, #tpu.memory_space<vmem_shared>>
      tpu.wait_dma2 semaphore(%run_scoped3A : memref<!tpu.dma_semaphore, #tpu.memory_space<semaphore_mem>>) src(%arg3 : memref<40x128xf32, #tpu.memory_space<hbm>>) dst(%dma_wait3A_42 : memref<40x128xf32, #tpu.memory_space<vmem_shared>>)
      tpu.yield
    }) : () -> ()
    %add3A_17 = arith.constant 280 : i32
    %add3A_18 = arith.addi %mul3A_2, %add3A_17 : i32
    "tpu.region"() ({
      %run_scoped3A = tpu.sem_alloc : memref<!tpu.dma_semaphore, #tpu.memory_space<semaphore_mem>>
      %dma_start3A = arith.constant 0 : i32
      %dma_start3A_41 = tpu.memref_slice %arg8[%add3A_18, %dma_start3A] : memref<10240x128xf32, #tpu.memory_space<vmem_shared>> -> memref<40x128xf32, #tpu.memory_space<vmem_shared>>
      tpu.enqueue_dma source(%arg3 : memref<40x128xf32, #tpu.memory_space<hbm>>) target(%dma_start3A_41 : memref<40x128xf32, #tpu.memory_space<vmem_shared>>) target_semaphore(%run_scoped3A : memref<!tpu.dma_semaphore, #tpu.memory_space<semaphore_mem>>)
      %dma_wait3A = arith.constant 0 : i32
      %dma_wait3A_42 = tpu.memref_slice %arg8[%add3A_18, %dma_wait3A] : memref<10240x128xf32, #tpu.memory_space<vmem_shared>> -> memref<40x128xf32, #tpu.memory_space<vmem_shared>>
      tpu.wait_dma2 semaphore(%run_scoped3A : memref<!tpu.dma_semaphore, #tpu.memory_space<semaphore_mem>>) src(%arg3 : memref<40x128xf32, #tpu.memory_space<hbm>>) dst(%dma_wait3A_42 : memref<40x128xf32, #tpu.memory_space<vmem_shared>>)
      tpu.yield
    }) : () -> ()
    %add3A_19 = arith.constant 320 : i32
    %add3A_20 = arith.addi %mul3A_2, %add3A_19 : i32
    "tpu.region"() ({
      %run_scoped3A = tpu.sem_alloc : memref<!tpu.dma_semaphore, #tpu.memory_space<semaphore_mem>>
      %dma_start3A = arith.constant 0 : i32
      %dma_start3A_41 = tpu.memref_slice %arg8[%add3A_20, %dma_start3A] : memref<10240x128xf32, #tpu.memory_space<vmem_shared>> -> memref<40x128xf32, #tpu.memory_space<vmem_shared>>
      tpu.enqueue_dma source(%arg3 : memref<40x128xf32, #tpu.memory_space<hbm>>) target(%dma_start3A_41 : memref<40x128xf32, #tpu.memory_space<vmem_shared>>) target_semaphore(%run_scoped3A : memref<!tpu.dma_semaphore, #tpu.memory_space<semaphore_mem>>)
      %dma_wait3A = arith.constant 0 : i32
      %dma_wait3A_42 = tpu.memref_slice %arg8[%add3A_20, %dma_wait3A] : memref<10240x128xf32, #tpu.memory_space<vmem_shared>> -> memref<40x128xf32, #tpu.memory_space<vmem_shared>>
      tpu.wait_dma2 semaphore(%run_scoped3A : memref<!tpu.dma_semaphore, #tpu.memory_space<semaphore_mem>>) src(%arg3 : memref<40x128xf32, #tpu.memory_space<hbm>>) dst(%dma_wait3A_42 : memref<40x128xf32, #tpu.memory_space<vmem_shared>>)
      tpu.yield
    }) : () -> ()
    %add3A_21 = arith.constant 360 : i32
    %add3A_22 = arith.addi %mul3A_2, %add3A_21 : i32
    "tpu.region"() ({
      %run_scoped3A = tpu.sem_alloc : memref<!tpu.dma_semaphore, #tpu.memory_space<semaphore_mem>>
      %dma_start3A = arith.constant 0 : i32
      %dma_start3A_41 = tpu.memref_slice %arg8[%add3A_22, %dma_start3A] : memref<10240x128xf32, #tpu.memory_space<vmem_shared>> -> memref<40x128xf32, #tpu.memory_space<vmem_shared>>
      tpu.enqueue_dma source(%arg3 : memref<40x128xf32, #tpu.memory_space<hbm>>) target(%dma_start3A_41 : memref<40x128xf32, #tpu.memory_space<vmem_shared>>) target_semaphore(%run_scoped3A : memref<!tpu.dma_semaphore, #tpu.memory_space<semaphore_mem>>)
      %dma_wait3A = arith.constant 0 : i32
      %dma_wait3A_42 = tpu.memref_slice %arg8[%add3A_22, %dma_wait3A] : memref<10240x128xf32, #tpu.memory_space<vmem_shared>> -> memref<40x128xf32, #tpu.memory_space<vmem_shared>>
      tpu.wait_dma2 semaphore(%run_scoped3A : memref<!tpu.dma_semaphore, #tpu.memory_space<semaphore_mem>>) src(%arg3 : memref<40x128xf32, #tpu.memory_space<hbm>>) dst(%dma_wait3A_42 : memref<40x128xf32, #tpu.memory_space<vmem_shared>>)
      tpu.yield
    }) : () -> ()
    %add3A_23 = arith.constant 400 : i32
    %add3A_24 = arith.addi %mul3A_2, %add3A_23 : i32
    "tpu.region"() ({
      %run_scoped3A = tpu.sem_alloc : memref<!tpu.dma_semaphore, #tpu.memory_space<semaphore_mem>>
      %dma_start3A = arith.constant 0 : i32
      %dma_start3A_41 = tpu.memref_slice %arg8[%add3A_24, %dma_start3A] : memref<10240x128xf32, #tpu.memory_space<vmem_shared>> -> memref<40x128xf32, #tpu.memory_space<vmem_shared>>
      tpu.enqueue_dma source(%arg3 : memref<40x128xf32, #tpu.memory_space<hbm>>) target(%dma_start3A_41 : memref<40x128xf32, #tpu.memory_space<vmem_shared>>) target_semaphore(%run_scoped3A : memref<!tpu.dma_semaphore, #tpu.memory_space<semaphore_mem>>)
      %dma_wait3A = arith.constant 0 : i32
      %dma_wait3A_42 = tpu.memref_slice %arg8[%add3A_24, %dma_wait3A] : memref<10240x128xf32, #tpu.memory_space<vmem_shared>> -> memref<40x128xf32, #tpu.memory_space<vmem_shared>>
      tpu.wait_dma2 semaphore(%run_scoped3A : memref<!tpu.dma_semaphore, #tpu.memory_space<semaphore_mem>>) src(%arg3 : memref<40x128xf32, #tpu.memory_space<hbm>>) dst(%dma_wait3A_42 : memref<40x128xf32, #tpu.memory_space<vmem_shared>>)
      tpu.yield
    }) : () -> ()
    %add3A_25 = arith.constant 440 : i32
    %add3A_26 = arith.addi %mul3A_2, %add3A_25 : i32
    "tpu.region"() ({
      %run_scoped3A = tpu.sem_alloc : memref<!tpu.dma_semaphore, #tpu.memory_space<semaphore_mem>>
      %dma_start3A = arith.constant 0 : i32
      %dma_start3A_41 = tpu.memref_slice %arg8[%add3A_26, %dma_start3A] : memref<10240x128xf32, #tpu.memory_space<vmem_shared>> -> memref<40x128xf32, #tpu.memory_space<vmem_shared>>
      tpu.enqueue_dma source(%arg3 : memref<40x128xf32, #tpu.memory_space<hbm>>) target(%dma_start3A_41 : memref<40x128xf32, #tpu.memory_space<vmem_shared>>) target_semaphore(%run_scoped3A : memref<!tpu.dma_semaphore, #tpu.memory_space<semaphore_mem>>)
      %dma_wait3A = arith.constant 0 : i32
      %dma_wait3A_42 = tpu.memref_slice %arg8[%add3A_26, %dma_wait3A] : memref<10240x128xf32, #tpu.memory_space<vmem_shared>> -> memref<40x128xf32, #tpu.memory_space<vmem_shared>>
      tpu.wait_dma2 semaphore(%run_scoped3A : memref<!tpu.dma_semaphore, #tpu.memory_space<semaphore_mem>>) src(%arg3 : memref<40x128xf32, #tpu.memory_space<hbm>>) dst(%dma_wait3A_42 : memref<40x128xf32, #tpu.memory_space<vmem_shared>>)
      tpu.yield
    }) : () -> ()
    %add3A_27 = arith.constant 480 : i32
    %add3A_28 = arith.addi %mul3A_2, %add3A_27 : i32
    "tpu.region"() ({
      %run_scoped3A = tpu.sem_alloc : memref<!tpu.dma_semaphore, #tpu.memory_space<semaphore_mem>>
      %dma_start3A = arith.constant 0 : i32
      %dma_start3A_41 = tpu.memref_slice %arg8[%add3A_28, %dma_start3A] : memref<10240x128xf32, #tpu.memory_space<vmem_shared>> -> memref<40x128xf32, #tpu.memory_space<vmem_shared>>
      tpu.enqueue_dma source(%arg3 : memref<40x128xf32, #tpu.memory_space<hbm>>) target(%dma_start3A_41 : memref<40x128xf32, #tpu.memory_space<vmem_shared>>) target_semaphore(%run_scoped3A : memref<!tpu.dma_semaphore, #tpu.memory_space<semaphore_mem>>)
      %dma_wait3A = arith.constant 0 : i32
      %dma_wait3A_42 = tpu.memref_slice %arg8[%add3A_28, %dma_wait3A] : memref<10240x128xf32, #tpu.memory_space<vmem_shared>> -> memref<40x128xf32, #tpu.memory_space<vmem_shared>>
      tpu.wait_dma2 semaphore(%run_scoped3A : memref<!tpu.dma_semaphore, #tpu.memory_space<semaphore_mem>>) src(%arg3 : memref<40x128xf32, #tpu.memory_space<hbm>>) dst(%dma_wait3A_42 : memref<40x128xf32, #tpu.memory_space<vmem_shared>>)
      tpu.yield
    }) : () -> ()
    %add3A_29 = arith.constant 520 : i32
    %add3A_30 = arith.addi %mul3A_2, %add3A_29 : i32
    "tpu.region"() ({
      %run_scoped3A = tpu.sem_alloc : memref<!tpu.dma_semaphore, #tpu.memory_space<semaphore_mem>>
      %dma_start3A = arith.constant 0 : i32
      %dma_start3A_41 = tpu.memref_slice %arg8[%add3A_30, %dma_start3A] : memref<10240x128xf32, #tpu.memory_space<vmem_shared>> -> memref<40x128xf32, #tpu.memory_space<vmem_shared>>
      tpu.enqueue_dma source(%arg3 : memref<40x128xf32, #tpu.memory_space<hbm>>) target(%dma_start3A_41 : memref<40x128xf32, #tpu.memory_space<vmem_shared>>) target_semaphore(%run_scoped3A : memref<!tpu.dma_semaphore, #tpu.memory_space<semaphore_mem>>)
      %dma_wait3A = arith.constant 0 : i32
      %dma_wait3A_42 = tpu.memref_slice %arg8[%add3A_30, %dma_wait3A] : memref<10240x128xf32, #tpu.memory_space<vmem_shared>> -> memref<40x128xf32, #tpu.memory_space<vmem_shared>>
      tpu.wait_dma2 semaphore(%run_scoped3A : memref<!tpu.dma_semaphore, #tpu.memory_space<semaphore_mem>>) src(%arg3 : memref<40x128xf32, #tpu.memory_space<hbm>>) dst(%dma_wait3A_42 : memref<40x128xf32, #tpu.memory_space<vmem_shared>>)
      tpu.yield
    }) : () -> ()
    %add3A_31 = arith.constant 560 : i32
    %add3A_32 = arith.addi %mul3A_2, %add3A_31 : i32
    "tpu.region"() ({
      %run_scoped3A = tpu.sem_alloc : memref<!tpu.dma_semaphore, #tpu.memory_space<semaphore_mem>>
      %dma_start3A = arith.constant 0 : i32
      %dma_start3A_41 = tpu.memref_slice %arg8[%add3A_32, %dma_start3A] : memref<10240x128xf32, #tpu.memory_space<vmem_shared>> -> memref<40x128xf32, #tpu.memory_space<vmem_shared>>
      tpu.enqueue_dma source(%arg3 : memref<40x128xf32, #tpu.memory_space<hbm>>) target(%dma_start3A_41 : memref<40x128xf32, #tpu.memory_space<vmem_shared>>) target_semaphore(%run_scoped3A : memref<!tpu.dma_semaphore, #tpu.memory_space<semaphore_mem>>)
      %dma_wait3A = arith.constant 0 : i32
      %dma_wait3A_42 = tpu.memref_slice %arg8[%add3A_32, %dma_wait3A] : memref<10240x128xf32, #tpu.memory_space<vmem_shared>> -> memref<40x128xf32, #tpu.memory_space<vmem_shared>>
      tpu.wait_dma2 semaphore(%run_scoped3A : memref<!tpu.dma_semaphore, #tpu.memory_space<semaphore_mem>>) src(%arg3 : memref<40x128xf32, #tpu.memory_space<hbm>>) dst(%dma_wait3A_42 : memref<40x128xf32, #tpu.memory_space<vmem_shared>>)
      tpu.yield
    }) : () -> ()
    %add3A_33 = arith.constant 600 : i32
    %add3A_34 = arith.addi %mul3A_2, %add3A_33 : i32
    "tpu.region"() ({
      %run_scoped3A = tpu.sem_alloc : memref<!tpu.dma_semaphore, #tpu.memory_space<semaphore_mem>>
      %dma_start3A = arith.constant 0 : i32
      %dma_start3A_41 = tpu.memref_slice %arg8[%add3A_34, %dma_start3A] : memref<10240x128xf32, #tpu.memory_space<vmem_shared>> -> memref<40x128xf32, #tpu.memory_space<vmem_shared>>
      tpu.enqueue_dma source(%arg3 : memref<40x128xf32, #tpu.memory_space<hbm>>) target(%dma_start3A_41 : memref<40x128xf32, #tpu.memory_space<vmem_shared>>) target_semaphore(%run_scoped3A : memref<!tpu.dma_semaphore, #tpu.memory_space<semaphore_mem>>)
      %dma_wait3A = arith.constant 0 : i32
      %dma_wait3A_42 = tpu.memref_slice %arg8[%add3A_34, %dma_wait3A] : memref<10240x128xf32, #tpu.memory_space<vmem_shared>> -> memref<40x128xf32, #tpu.memory_space<vmem_shared>>
      tpu.wait_dma2 semaphore(%run_scoped3A : memref<!tpu.dma_semaphore, #tpu.memory_space<semaphore_mem>>) src(%arg3 : memref<40x128xf32, #tpu.memory_space<hbm>>) dst(%dma_wait3A_42 : memref<40x128xf32, #tpu.memory_space<vmem_shared>>)
      tpu.yield
    }) : () -> ()
    %barrier3A = arith.constant 0 : index
    tpu.barrier barrier_id(%barrier3A)
    %scan3A = arith.constant 0 : i32
    %scan3A_35 = arith.constant 0 : i32
    %scan3A_36 = arith.constant 80 : i32
    %scan3A_37 = arith.addi %scan3A_35, %scan3A_36 : i32
    %scan3A_38 = arith.constant 1 : i32
    scf.for %scan3A_41 = %scan3A_35 to %scan3A_37 step %scan3A_38  : i32 {
      "tpu.region"() ({
        %run_scoped3A = tpu.sem_alloc : memref<!tpu.dma_semaphore, #tpu.memory_space<semaphore_mem>>
        %dma_start3A = arith.constant 0 : i32
        %dma_start3A_42 = tpu.memref_slice %arg6[%scan3A_41, %dma_start3A] : memref<80x128xi32, #tpu.memory_space<vmem>> -> memref<1x128xi32, #tpu.memory_space<vmem>>
        %dma_start3A_43 = tpu.memref_squeeze %dma_start3A_42 : memref<1x128xi32, #tpu.memory_space<vmem>> -> memref<128xi32, #tpu.memory_space<vmem>>
        %dma_start3A_44 = arith.constant 0 : i32
        %dma_start3A_45 = arith.constant 0 : i32
        %dma_start3A_46 = tpu.memref_slice %arg8[%dma_start3A_44, %dma_start3A_45] : memref<10240x128xf32, #tpu.memory_space<vmem_shared>> -> memref<10240x128xf32, #tpu.memory_space<vmem_shared>>
        tpu.enqueue_indirect_dma source(%arg7 : memref<128x128xf32, #tpu.memory_space<vmem>>) target(%dma_start3A_46 : memref<10240x128xf32, #tpu.memory_space<vmem_shared>>) offsets(%dma_start3A_43 : memref<128xi32, #tpu.memory_space<vmem>>) semaphore(%run_scoped3A : memref<!tpu.dma_semaphore, #tpu.memory_space<semaphore_mem>>) {add = true}
        %dma_wait3A = arith.constant 0 : i32
        %dma_wait3A_47 = tpu.memref_slice %arg6[%scan3A_41, %dma_wait3A] : memref<80x128xi32, #tpu.memory_space<vmem>> -> memref<1x128xi32, #tpu.memory_space<vmem>>
        %dma_wait3A_48 = tpu.memref_squeeze %dma_wait3A_47 : memref<1x128xi32, #tpu.memory_space<vmem>> -> memref<128xi32, #tpu.memory_space<vmem>>
        %dma_wait3A_49 = arith.constant 0 : i32
        %dma_wait3A_50 = arith.constant 0 : i32
        %dma_wait3A_51 = tpu.memref_slice %arg8[%dma_wait3A_49, %dma_wait3A_50] : memref<10240x128xf32, #tpu.memory_space<vmem_shared>> -> memref<10240x128xf32, #tpu.memory_space<vmem_shared>>
        tpu.wait_indirect_dma semaphore(%run_scoped3A : memref<!tpu.dma_semaphore, #tpu.memory_space<semaphore_mem>>) src(%arg7 : memref<128x128xf32, #tpu.memory_space<vmem>>) dst(%dma_wait3A_51 : memref<10240x128xf32, #tpu.memory_space<vmem_shared>>)
        tpu.yield
      }) : () -> ()
    }
    %scan3A_39 = arith.constant 80 : i32
    %barrier3A_40 = arith.constant 0 : index
    tpu.barrier barrier_id(%barrier3A_40)
    "tpu.region"() ({
      %run_scoped3A = tpu.sem_alloc : memref<!tpu.dma_semaphore, #tpu.memory_space<semaphore_mem>>
      %dma_start3A = arith.constant 0 : i32
      %dma_start3A_41 = tpu.memref_slice %arg5[%arg0, %mul3A_2, %dma_start3A] : memref<2x10240x128xf32, #tpu.memory_space<hbm>> -> memref<1x640x128xf32, #tpu.memory_space<hbm>>
      %dma_start3A_42 = tpu.memref_squeeze %dma_start3A_41 : memref<1x640x128xf32, #tpu.memory_space<hbm>> -> memref<640x128xf32, #tpu.memory_space<hbm>>
      %dma_start3A_43 = arith.constant 0 : i32
      %dma_start3A_44 = tpu.memref_slice %arg8[%mul3A_2, %dma_start3A_43] : memref<10240x128xf32, #tpu.memory_space<vmem_shared>> -> memref<640x128xf32, #tpu.memory_space<vmem_shared>>
      tpu.enqueue_dma source(%dma_start3A_44 : memref<640x128xf32, #tpu.memory_space<vmem_shared>>) target(%dma_start3A_42 : memref<640x128xf32, #tpu.memory_space<hbm>>) target_semaphore(%run_scoped3A : memref<!tpu.dma_semaphore, #tpu.memory_space<semaphore_mem>>)
      %dma_wait3A = arith.constant 0 : i32
      %dma_wait3A_45 = tpu.memref_slice %arg5[%arg0, %mul3A_2, %dma_wait3A] : memref<2x10240x128xf32, #tpu.memory_space<hbm>> -> memref<1x640x128xf32, #tpu.memory_space<hbm>>
      %dma_wait3A_46 = tpu.memref_squeeze %dma_wait3A_45 : memref<1x640x128xf32, #tpu.memory_space<hbm>> -> memref<640x128xf32, #tpu.memory_space<hbm>>
      %dma_wait3A_47 = arith.constant 0 : i32
      %dma_wait3A_48 = tpu.memref_slice %arg8[%mul3A_2, %dma_wait3A_47] : memref<10240x128xf32, #tpu.memory_space<vmem_shared>> -> memref<640x128xf32, #tpu.memory_space<vmem_shared>>
      tpu.wait_dma2 semaphore(%run_scoped3A : memref<!tpu.dma_semaphore, #tpu.memory_space<semaphore_mem>>) src(%dma_wait3A_48 : memref<640x128xf32, #tpu.memory_space<vmem_shared>>) dst(%dma_wait3A_46 : memref<640x128xf32, #tpu.memory_space<hbm>>)
      tpu.yield
    }) : () -> ()
    return
  }
}

#map = affine_map<(d0, d1) -> (0, 0)>
#map1 = affine_map<(d0, d1) -> (0, 0, 0)>
module attributes {stable_mosaic.version = 14 : i64} {
  func.func @_scatter_body(%arg0: i32, %arg1: i32, %arg2: memref<10240x128xf32, #tpu.memory_space<hbm>>, %arg3: memref<32x80x128xi32, #tpu.memory_space<hbm>>, %arg4: memref<32x80x128xi32, #tpu.memory_space<hbm>>, %arg5: memref<40x128xf32, #tpu.memory_space<hbm>>, %arg6: memref<2x10240x128xf32, #tpu.memory_space<hbm>>, %arg7: memref<80x128xi32, #tpu.memory_space<vmem>>, %arg8: memref<80x128xi32, #tpu.memory_space<vmem>>, %arg9: memref<128x128xf32, #tpu.memory_space<vmem>>, %arg10: memref<40x128xf32, #tpu.memory_space<vmem>>, %arg11: memref<10240x128xf32, #tpu.memory_space<vmem_shared>>, %arg12: memref<!tpu.dma_semaphore, #tpu.memory_space<semaphore_mem>>) attributes {dimension_semantics = [#tpu.dimension_semantics<core_parallel>, #tpu.dimension_semantics<subcore_parallel>], iteration_bounds = array<i64: 2, 16>, scalar_prefetch = 0 : i64, scratch_operands = 6 : i64, tpu.core_type = #tpu.core_type<sc_vector_subcore>, window_params = [{transform_indices = #map}, {transform_indices = #map1}, {transform_indices = #map1}, {transform_indices = #map}, {transform_indices = #map1}]} {
    %mul3A = arith.constant 16 : i32
    %mul3A_0 = arith.muli %arg0, %mul3A : i32
    %add3A = arith.addi %mul3A_0, %arg1 : i32
    %mul3A_1 = arith.constant 640 : i32
    %mul3A_2 = arith.muli %arg1, %mul3A_1 : i32
    "tpu.region"() ({
      %run_scoped3A = tpu.sem_alloc : memref<!tpu.dma_semaphore, #tpu.memory_space<semaphore_mem>>
      %dma_start3A = arith.constant 0 : i32
      %dma_start3A_15 = arith.constant 0 : i32
      %dma_start3A_16 = tpu.memref_slice %arg3[%add3A, %dma_start3A, %dma_start3A_15] : memref<32x80x128xi32, #tpu.memory_space<hbm>> -> memref<1x80x128xi32, #tpu.memory_space<hbm>>
      %dma_start3A_17 = tpu.memref_squeeze %dma_start3A_16 : memref<1x80x128xi32, #tpu.memory_space<hbm>> -> memref<80x128xi32, #tpu.memory_space<hbm>>
      %dma_start3A_18 = arith.constant 0 : i32
      %dma_start3A_19 = arith.constant 0 : i32
      %dma_start3A_20 = tpu.memref_slice %arg3[%add3A, %dma_start3A_18, %dma_start3A_19] : memref<32x80x128xi32, #tpu.memory_space<hbm>> -> memref<1x80x128xi32, #tpu.memory_space<hbm>>
      %dma_start3A_21 = tpu.memref_squeeze %dma_start3A_20 : memref<1x80x128xi32, #tpu.memory_space<hbm>> -> memref<80x128xi32, #tpu.memory_space<hbm>>
      tpu.enqueue_dma source(%dma_start3A_21 : memref<80x128xi32, #tpu.memory_space<hbm>>) target(%arg7 : memref<80x128xi32, #tpu.memory_space<vmem>>) target_semaphore(%run_scoped3A : memref<!tpu.dma_semaphore, #tpu.memory_space<semaphore_mem>>)
      %dma_wait3A = arith.constant 0 : i32
      %dma_wait3A_22 = arith.constant 0 : i32
      %dma_wait3A_23 = tpu.memref_slice %arg3[%add3A, %dma_wait3A, %dma_wait3A_22] : memref<32x80x128xi32, #tpu.memory_space<hbm>> -> memref<1x80x128xi32, #tpu.memory_space<hbm>>
      %dma_wait3A_24 = tpu.memref_squeeze %dma_wait3A_23 : memref<1x80x128xi32, #tpu.memory_space<hbm>> -> memref<80x128xi32, #tpu.memory_space<hbm>>
      %dma_wait3A_25 = arith.constant 0 : i32
      %dma_wait3A_26 = arith.constant 0 : i32
      %dma_wait3A_27 = tpu.memref_slice %arg3[%add3A, %dma_wait3A_25, %dma_wait3A_26] : memref<32x80x128xi32, #tpu.memory_space<hbm>> -> memref<1x80x128xi32, #tpu.memory_space<hbm>>
      %dma_wait3A_28 = tpu.memref_squeeze %dma_wait3A_27 : memref<1x80x128xi32, #tpu.memory_space<hbm>> -> memref<80x128xi32, #tpu.memory_space<hbm>>
      tpu.wait_dma2 semaphore(%run_scoped3A : memref<!tpu.dma_semaphore, #tpu.memory_space<semaphore_mem>>) src(%dma_wait3A_28 : memref<80x128xi32, #tpu.memory_space<hbm>>) dst(%arg7 : memref<80x128xi32, #tpu.memory_space<vmem>>)
      tpu.yield
    }) : () -> ()
    "tpu.region"() ({
      %run_scoped3A = tpu.sem_alloc : memref<!tpu.dma_semaphore, #tpu.memory_space<semaphore_mem>>
      %dma_start3A = arith.constant 0 : i32
      %dma_start3A_15 = arith.constant 0 : i32
      %dma_start3A_16 = tpu.memref_slice %arg4[%add3A, %dma_start3A, %dma_start3A_15] : memref<32x80x128xi32, #tpu.memory_space<hbm>> -> memref<1x80x128xi32, #tpu.memory_space<hbm>>
      %dma_start3A_17 = tpu.memref_squeeze %dma_start3A_16 : memref<1x80x128xi32, #tpu.memory_space<hbm>> -> memref<80x128xi32, #tpu.memory_space<hbm>>
      %dma_start3A_18 = arith.constant 0 : i32
      %dma_start3A_19 = arith.constant 0 : i32
      %dma_start3A_20 = tpu.memref_slice %arg4[%add3A, %dma_start3A_18, %dma_start3A_19] : memref<32x80x128xi32, #tpu.memory_space<hbm>> -> memref<1x80x128xi32, #tpu.memory_space<hbm>>
      %dma_start3A_21 = tpu.memref_squeeze %dma_start3A_20 : memref<1x80x128xi32, #tpu.memory_space<hbm>> -> memref<80x128xi32, #tpu.memory_space<hbm>>
      tpu.enqueue_dma source(%dma_start3A_21 : memref<80x128xi32, #tpu.memory_space<hbm>>) target(%arg8 : memref<80x128xi32, #tpu.memory_space<vmem>>) target_semaphore(%run_scoped3A : memref<!tpu.dma_semaphore, #tpu.memory_space<semaphore_mem>>)
      %dma_wait3A = arith.constant 0 : i32
      %dma_wait3A_22 = arith.constant 0 : i32
      %dma_wait3A_23 = tpu.memref_slice %arg4[%add3A, %dma_wait3A, %dma_wait3A_22] : memref<32x80x128xi32, #tpu.memory_space<hbm>> -> memref<1x80x128xi32, #tpu.memory_space<hbm>>
      %dma_wait3A_24 = tpu.memref_squeeze %dma_wait3A_23 : memref<1x80x128xi32, #tpu.memory_space<hbm>> -> memref<80x128xi32, #tpu.memory_space<hbm>>
      %dma_wait3A_25 = arith.constant 0 : i32
      %dma_wait3A_26 = arith.constant 0 : i32
      %dma_wait3A_27 = tpu.memref_slice %arg4[%add3A, %dma_wait3A_25, %dma_wait3A_26] : memref<32x80x128xi32, #tpu.memory_space<hbm>> -> memref<1x80x128xi32, #tpu.memory_space<hbm>>
      %dma_wait3A_28 = tpu.memref_squeeze %dma_wait3A_27 : memref<1x80x128xi32, #tpu.memory_space<hbm>> -> memref<80x128xi32, #tpu.memory_space<hbm>>
      tpu.wait_dma2 semaphore(%run_scoped3A : memref<!tpu.dma_semaphore, #tpu.memory_space<semaphore_mem>>) src(%dma_wait3A_28 : memref<80x128xi32, #tpu.memory_space<hbm>>) dst(%arg8 : memref<80x128xi32, #tpu.memory_space<vmem>>)
      tpu.yield
    }) : () -> ()
    %eq3A = arith.constant 0 : i32
    %eq3A_3 = arith.cmpi eq, %arg0, %eq3A : i32
    %convert_element_type3A = arith.extui %eq3A_3 : i1 to i32
    %cond3A = arith.constant 0 : i32
    %cond3A_4 = arith.cmpi ne, %convert_element_type3A, %cond3A : i32
    scf.if %cond3A_4 {
      "tpu.region"() ({
        %run_scoped3A = tpu.sem_alloc : memref<!tpu.dma_semaphore, #tpu.memory_space<semaphore_mem>>
        %dma_start3A = arith.constant 0 : i32
        %dma_start3A_15 = tpu.memref_slice %arg11[%mul3A_2, %dma_start3A] : memref<10240x128xf32, #tpu.memory_space<vmem_shared>> -> memref<640x128xf32, #tpu.memory_space<vmem_shared>>
        %dma_start3A_16 = arith.constant 0 : i32
        %dma_start3A_17 = tpu.memref_slice %arg2[%mul3A_2, %dma_start3A_16] : memref<10240x128xf32, #tpu.memory_space<hbm>> -> memref<640x128xf32, #tpu.memory_space<hbm>>
        tpu.enqueue_dma source(%dma_start3A_17 : memref<640x128xf32, #tpu.memory_space<hbm>>) target(%dma_start3A_15 : memref<640x128xf32, #tpu.memory_space<vmem_shared>>) target_semaphore(%run_scoped3A : memref<!tpu.dma_semaphore, #tpu.memory_space<semaphore_mem>>)
        %dma_wait3A = arith.constant 0 : i32
        %dma_wait3A_18 = tpu.memref_slice %arg11[%mul3A_2, %dma_wait3A] : memref<10240x128xf32, #tpu.memory_space<vmem_shared>> -> memref<640x128xf32, #tpu.memory_space<vmem_shared>>
        %dma_wait3A_19 = arith.constant 0 : i32
        %dma_wait3A_20 = tpu.memref_slice %arg2[%mul3A_2, %dma_wait3A_19] : memref<10240x128xf32, #tpu.memory_space<hbm>> -> memref<640x128xf32, #tpu.memory_space<hbm>>
        tpu.wait_dma2 semaphore(%run_scoped3A : memref<!tpu.dma_semaphore, #tpu.memory_space<semaphore_mem>>) src(%dma_wait3A_20 : memref<640x128xf32, #tpu.memory_space<hbm>>) dst(%dma_wait3A_18 : memref<640x128xf32, #tpu.memory_space<vmem_shared>>)
        tpu.yield
      }) : () -> ()
    } else {
    }
    %ne3A = arith.constant 0 : i32
    %ne3A_5 = arith.cmpi ne, %arg0, %ne3A : i32
    %convert_element_type3A_6 = arith.extui %ne3A_5 : i1 to i32
    %cond3A_7 = arith.constant 0 : i32
    %cond3A_8 = arith.cmpi ne, %convert_element_type3A_6, %cond3A_7 : i32
    scf.if %cond3A_8 {
      "tpu.region"() ({
        %run_scoped3A = tpu.sem_alloc : memref<!tpu.dma_semaphore, #tpu.memory_space<semaphore_mem>>
        tpu.enqueue_dma source(%arg5 : memref<40x128xf32, #tpu.memory_space<hbm>>) target(%arg10 : memref<40x128xf32, #tpu.memory_space<vmem>>) target_semaphore(%run_scoped3A : memref<!tpu.dma_semaphore, #tpu.memory_space<semaphore_mem>>)
        tpu.wait_dma2 semaphore(%run_scoped3A : memref<!tpu.dma_semaphore, #tpu.memory_space<semaphore_mem>>) src(%arg5 : memref<40x128xf32, #tpu.memory_space<hbm>>) dst(%arg10 : memref<40x128xf32, #tpu.memory_space<vmem>>)
        tpu.yield
      }) : () -> ()
      %add3A_15 = arith.constant 0 : i32
      %add3A_16 = arith.addi %mul3A_2, %add3A_15 : i32
      "tpu.region"() ({
        %run_scoped3A = tpu.sem_alloc : memref<!tpu.dma_semaphore, #tpu.memory_space<semaphore_mem>>
        %dma_start3A = arith.constant 0 : i32
        %dma_start3A_47 = tpu.memref_slice %arg11[%add3A_16, %dma_start3A] : memref<10240x128xf32, #tpu.memory_space<vmem_shared>> -> memref<40x128xf32, #tpu.memory_space<vmem_shared>>
        %dma_start3A_48 = arith.constant 0 : i32
        %dma_start3A_49 = tpu.memref_slice %arg11[%add3A_16, %dma_start3A_48] : memref<10240x128xf32, #tpu.memory_space<vmem_shared>> -> memref<40x128xf32, #tpu.memory_space<vmem_shared>>
        tpu.enqueue_dma source(%arg10 : memref<40x128xf32, #tpu.memory_space<vmem>>) target(%dma_start3A_49 : memref<40x128xf32, #tpu.memory_space<vmem_shared>>) target_semaphore(%run_scoped3A : memref<!tpu.dma_semaphore, #tpu.memory_space<semaphore_mem>>)
        %dma_wait3A = arith.constant 0 : i32
        %dma_wait3A_50 = tpu.memref_slice %arg11[%add3A_16, %dma_wait3A] : memref<10240x128xf32, #tpu.memory_space<vmem_shared>> -> memref<40x128xf32, #tpu.memory_space<vmem_shared>>
        %dma_wait3A_51 = arith.constant 0 : i32
        %dma_wait3A_52 = tpu.memref_slice %arg11[%add3A_16, %dma_wait3A_51] : memref<10240x128xf32, #tpu.memory_space<vmem_shared>> -> memref<40x128xf32, #tpu.memory_space<vmem_shared>>
        tpu.wait_dma2 semaphore(%run_scoped3A : memref<!tpu.dma_semaphore, #tpu.memory_space<semaphore_mem>>) src(%arg10 : memref<40x128xf32, #tpu.memory_space<vmem>>) dst(%dma_wait3A_52 : memref<40x128xf32, #tpu.memory_space<vmem_shared>>)
        tpu.yield
      }) : () -> ()
      %add3A_17 = arith.constant 40 : i32
      %add3A_18 = arith.addi %mul3A_2, %add3A_17 : i32
      "tpu.region"() ({
        %run_scoped3A = tpu.sem_alloc : memref<!tpu.dma_semaphore, #tpu.memory_space<semaphore_mem>>
        %dma_start3A = arith.constant 0 : i32
        %dma_start3A_47 = tpu.memref_slice %arg11[%add3A_18, %dma_start3A] : memref<10240x128xf32, #tpu.memory_space<vmem_shared>> -> memref<40x128xf32, #tpu.memory_space<vmem_shared>>
        %dma_start3A_48 = arith.constant 0 : i32
        %dma_start3A_49 = tpu.memref_slice %arg11[%add3A_18, %dma_start3A_48] : memref<10240x128xf32, #tpu.memory_space<vmem_shared>> -> memref<40x128xf32, #tpu.memory_space<vmem_shared>>
        tpu.enqueue_dma source(%arg10 : memref<40x128xf32, #tpu.memory_space<vmem>>) target(%dma_start3A_49 : memref<40x128xf32, #tpu.memory_space<vmem_shared>>) target_semaphore(%run_scoped3A : memref<!tpu.dma_semaphore, #tpu.memory_space<semaphore_mem>>)
        %dma_wait3A = arith.constant 0 : i32
        %dma_wait3A_50 = tpu.memref_slice %arg11[%add3A_18, %dma_wait3A] : memref<10240x128xf32, #tpu.memory_space<vmem_shared>> -> memref<40x128xf32, #tpu.memory_space<vmem_shared>>
        %dma_wait3A_51 = arith.constant 0 : i32
        %dma_wait3A_52 = tpu.memref_slice %arg11[%add3A_18, %dma_wait3A_51] : memref<10240x128xf32, #tpu.memory_space<vmem_shared>> -> memref<40x128xf32, #tpu.memory_space<vmem_shared>>
        tpu.wait_dma2 semaphore(%run_scoped3A : memref<!tpu.dma_semaphore, #tpu.memory_space<semaphore_mem>>) src(%arg10 : memref<40x128xf32, #tpu.memory_space<vmem>>) dst(%dma_wait3A_52 : memref<40x128xf32, #tpu.memory_space<vmem_shared>>)
        tpu.yield
      }) : () -> ()
      %add3A_19 = arith.constant 80 : i32
      %add3A_20 = arith.addi %mul3A_2, %add3A_19 : i32
      "tpu.region"() ({
        %run_scoped3A = tpu.sem_alloc : memref<!tpu.dma_semaphore, #tpu.memory_space<semaphore_mem>>
        %dma_start3A = arith.constant 0 : i32
        %dma_start3A_47 = tpu.memref_slice %arg11[%add3A_20, %dma_start3A] : memref<10240x128xf32, #tpu.memory_space<vmem_shared>> -> memref<40x128xf32, #tpu.memory_space<vmem_shared>>
        %dma_start3A_48 = arith.constant 0 : i32
        %dma_start3A_49 = tpu.memref_slice %arg11[%add3A_20, %dma_start3A_48] : memref<10240x128xf32, #tpu.memory_space<vmem_shared>> -> memref<40x128xf32, #tpu.memory_space<vmem_shared>>
        tpu.enqueue_dma source(%arg10 : memref<40x128xf32, #tpu.memory_space<vmem>>) target(%dma_start3A_49 : memref<40x128xf32, #tpu.memory_space<vmem_shared>>) target_semaphore(%run_scoped3A : memref<!tpu.dma_semaphore, #tpu.memory_space<semaphore_mem>>)
        %dma_wait3A = arith.constant 0 : i32
        %dma_wait3A_50 = tpu.memref_slice %arg11[%add3A_20, %dma_wait3A] : memref<10240x128xf32, #tpu.memory_space<vmem_shared>> -> memref<40x128xf32, #tpu.memory_space<vmem_shared>>
        %dma_wait3A_51 = arith.constant 0 : i32
        %dma_wait3A_52 = tpu.memref_slice %arg11[%add3A_20, %dma_wait3A_51] : memref<10240x128xf32, #tpu.memory_space<vmem_shared>> -> memref<40x128xf32, #tpu.memory_space<vmem_shared>>
        tpu.wait_dma2 semaphore(%run_scoped3A : memref<!tpu.dma_semaphore, #tpu.memory_space<semaphore_mem>>) src(%arg10 : memref<40x128xf32, #tpu.memory_space<vmem>>) dst(%dma_wait3A_52 : memref<40x128xf32, #tpu.memory_space<vmem_shared>>)
        tpu.yield
      }) : () -> ()
      %add3A_21 = arith.constant 120 : i32
      %add3A_22 = arith.addi %mul3A_2, %add3A_21 : i32
      "tpu.region"() ({
        %run_scoped3A = tpu.sem_alloc : memref<!tpu.dma_semaphore, #tpu.memory_space<semaphore_mem>>
        %dma_start3A = arith.constant 0 : i32
        %dma_start3A_47 = tpu.memref_slice %arg11[%add3A_22, %dma_start3A] : memref<10240x128xf32, #tpu.memory_space<vmem_shared>> -> memref<40x128xf32, #tpu.memory_space<vmem_shared>>
        %dma_start3A_48 = arith.constant 0 : i32
        %dma_start3A_49 = tpu.memref_slice %arg11[%add3A_22, %dma_start3A_48] : memref<10240x128xf32, #tpu.memory_space<vmem_shared>> -> memref<40x128xf32, #tpu.memory_space<vmem_shared>>
        tpu.enqueue_dma source(%arg10 : memref<40x128xf32, #tpu.memory_space<vmem>>) target(%dma_start3A_49 : memref<40x128xf32, #tpu.memory_space<vmem_shared>>) target_semaphore(%run_scoped3A : memref<!tpu.dma_semaphore, #tpu.memory_space<semaphore_mem>>)
        %dma_wait3A = arith.constant 0 : i32
        %dma_wait3A_50 = tpu.memref_slice %arg11[%add3A_22, %dma_wait3A] : memref<10240x128xf32, #tpu.memory_space<vmem_shared>> -> memref<40x128xf32, #tpu.memory_space<vmem_shared>>
        %dma_wait3A_51 = arith.constant 0 : i32
        %dma_wait3A_52 = tpu.memref_slice %arg11[%add3A_22, %dma_wait3A_51] : memref<10240x128xf32, #tpu.memory_space<vmem_shared>> -> memref<40x128xf32, #tpu.memory_space<vmem_shared>>
        tpu.wait_dma2 semaphore(%run_scoped3A : memref<!tpu.dma_semaphore, #tpu.memory_space<semaphore_mem>>) src(%arg10 : memref<40x128xf32, #tpu.memory_space<vmem>>) dst(%dma_wait3A_52 : memref<40x128xf32, #tpu.memory_space<vmem_shared>>)
        tpu.yield
      }) : () -> ()
      %add3A_23 = arith.constant 160 : i32
      %add3A_24 = arith.addi %mul3A_2, %add3A_23 : i32
      "tpu.region"() ({
        %run_scoped3A = tpu.sem_alloc : memref<!tpu.dma_semaphore, #tpu.memory_space<semaphore_mem>>
        %dma_start3A = arith.constant 0 : i32
        %dma_start3A_47 = tpu.memref_slice %arg11[%add3A_24, %dma_start3A] : memref<10240x128xf32, #tpu.memory_space<vmem_shared>> -> memref<40x128xf32, #tpu.memory_space<vmem_shared>>
        %dma_start3A_48 = arith.constant 0 : i32
        %dma_start3A_49 = tpu.memref_slice %arg11[%add3A_24, %dma_start3A_48] : memref<10240x128xf32, #tpu.memory_space<vmem_shared>> -> memref<40x128xf32, #tpu.memory_space<vmem_shared>>
        tpu.enqueue_dma source(%arg10 : memref<40x128xf32, #tpu.memory_space<vmem>>) target(%dma_start3A_49 : memref<40x128xf32, #tpu.memory_space<vmem_shared>>) target_semaphore(%run_scoped3A : memref<!tpu.dma_semaphore, #tpu.memory_space<semaphore_mem>>)
        %dma_wait3A = arith.constant 0 : i32
        %dma_wait3A_50 = tpu.memref_slice %arg11[%add3A_24, %dma_wait3A] : memref<10240x128xf32, #tpu.memory_space<vmem_shared>> -> memref<40x128xf32, #tpu.memory_space<vmem_shared>>
        %dma_wait3A_51 = arith.constant 0 : i32
        %dma_wait3A_52 = tpu.memref_slice %arg11[%add3A_24, %dma_wait3A_51] : memref<10240x128xf32, #tpu.memory_space<vmem_shared>> -> memref<40x128xf32, #tpu.memory_space<vmem_shared>>
        tpu.wait_dma2 semaphore(%run_scoped3A : memref<!tpu.dma_semaphore, #tpu.memory_space<semaphore_mem>>) src(%arg10 : memref<40x128xf32, #tpu.memory_space<vmem>>) dst(%dma_wait3A_52 : memref<40x128xf32, #tpu.memory_space<vmem_shared>>)
        tpu.yield
      }) : () -> ()
      %add3A_25 = arith.constant 200 : i32
      %add3A_26 = arith.addi %mul3A_2, %add3A_25 : i32
      "tpu.region"() ({
        %run_scoped3A = tpu.sem_alloc : memref<!tpu.dma_semaphore, #tpu.memory_space<semaphore_mem>>
        %dma_start3A = arith.constant 0 : i32
        %dma_start3A_47 = tpu.memref_slice %arg11[%add3A_26, %dma_start3A] : memref<10240x128xf32, #tpu.memory_space<vmem_shared>> -> memref<40x128xf32, #tpu.memory_space<vmem_shared>>
        %dma_start3A_48 = arith.constant 0 : i32
        %dma_start3A_49 = tpu.memref_slice %arg11[%add3A_26, %dma_start3A_48] : memref<10240x128xf32, #tpu.memory_space<vmem_shared>> -> memref<40x128xf32, #tpu.memory_space<vmem_shared>>
        tpu.enqueue_dma source(%arg10 : memref<40x128xf32, #tpu.memory_space<vmem>>) target(%dma_start3A_49 : memref<40x128xf32, #tpu.memory_space<vmem_shared>>) target_semaphore(%run_scoped3A : memref<!tpu.dma_semaphore, #tpu.memory_space<semaphore_mem>>)
        %dma_wait3A = arith.constant 0 : i32
        %dma_wait3A_50 = tpu.memref_slice %arg11[%add3A_26, %dma_wait3A] : memref<10240x128xf32, #tpu.memory_space<vmem_shared>> -> memref<40x128xf32, #tpu.memory_space<vmem_shared>>
        %dma_wait3A_51 = arith.constant 0 : i32
        %dma_wait3A_52 = tpu.memref_slice %arg11[%add3A_26, %dma_wait3A_51] : memref<10240x128xf32, #tpu.memory_space<vmem_shared>> -> memref<40x128xf32, #tpu.memory_space<vmem_shared>>
        tpu.wait_dma2 semaphore(%run_scoped3A : memref<!tpu.dma_semaphore, #tpu.memory_space<semaphore_mem>>) src(%arg10 : memref<40x128xf32, #tpu.memory_space<vmem>>) dst(%dma_wait3A_52 : memref<40x128xf32, #tpu.memory_space<vmem_shared>>)
        tpu.yield
      }) : () -> ()
      %add3A_27 = arith.constant 240 : i32
      %add3A_28 = arith.addi %mul3A_2, %add3A_27 : i32
      "tpu.region"() ({
        %run_scoped3A = tpu.sem_alloc : memref<!tpu.dma_semaphore, #tpu.memory_space<semaphore_mem>>
        %dma_start3A = arith.constant 0 : i32
        %dma_start3A_47 = tpu.memref_slice %arg11[%add3A_28, %dma_start3A] : memref<10240x128xf32, #tpu.memory_space<vmem_shared>> -> memref<40x128xf32, #tpu.memory_space<vmem_shared>>
        %dma_start3A_48 = arith.constant 0 : i32
        %dma_start3A_49 = tpu.memref_slice %arg11[%add3A_28, %dma_start3A_48] : memref<10240x128xf32, #tpu.memory_space<vmem_shared>> -> memref<40x128xf32, #tpu.memory_space<vmem_shared>>
        tpu.enqueue_dma source(%arg10 : memref<40x128xf32, #tpu.memory_space<vmem>>) target(%dma_start3A_49 : memref<40x128xf32, #tpu.memory_space<vmem_shared>>) target_semaphore(%run_scoped3A : memref<!tpu.dma_semaphore, #tpu.memory_space<semaphore_mem>>)
        %dma_wait3A = arith.constant 0 : i32
        %dma_wait3A_50 = tpu.memref_slice %arg11[%add3A_28, %dma_wait3A] : memref<10240x128xf32, #tpu.memory_space<vmem_shared>> -> memref<40x128xf32, #tpu.memory_space<vmem_shared>>
        %dma_wait3A_51 = arith.constant 0 : i32
        %dma_wait3A_52 = tpu.memref_slice %arg11[%add3A_28, %dma_wait3A_51] : memref<10240x128xf32, #tpu.memory_space<vmem_shared>> -> memref<40x128xf32, #tpu.memory_space<vmem_shared>>
        tpu.wait_dma2 semaphore(%run_scoped3A : memref<!tpu.dma_semaphore, #tpu.memory_space<semaphore_mem>>) src(%arg10 : memref<40x128xf32, #tpu.memory_space<vmem>>) dst(%dma_wait3A_52 : memref<40x128xf32, #tpu.memory_space<vmem_shared>>)
        tpu.yield
      }) : () -> ()
      %add3A_29 = arith.constant 280 : i32
      %add3A_30 = arith.addi %mul3A_2, %add3A_29 : i32
      "tpu.region"() ({
        %run_scoped3A = tpu.sem_alloc : memref<!tpu.dma_semaphore, #tpu.memory_space<semaphore_mem>>
        %dma_start3A = arith.constant 0 : i32
        %dma_start3A_47 = tpu.memref_slice %arg11[%add3A_30, %dma_start3A] : memref<10240x128xf32, #tpu.memory_space<vmem_shared>> -> memref<40x128xf32, #tpu.memory_space<vmem_shared>>
        %dma_start3A_48 = arith.constant 0 : i32
        %dma_start3A_49 = tpu.memref_slice %arg11[%add3A_30, %dma_start3A_48] : memref<10240x128xf32, #tpu.memory_space<vmem_shared>> -> memref<40x128xf32, #tpu.memory_space<vmem_shared>>
        tpu.enqueue_dma source(%arg10 : memref<40x128xf32, #tpu.memory_space<vmem>>) target(%dma_start3A_49 : memref<40x128xf32, #tpu.memory_space<vmem_shared>>) target_semaphore(%run_scoped3A : memref<!tpu.dma_semaphore, #tpu.memory_space<semaphore_mem>>)
        %dma_wait3A = arith.constant 0 : i32
        %dma_wait3A_50 = tpu.memref_slice %arg11[%add3A_30, %dma_wait3A] : memref<10240x128xf32, #tpu.memory_space<vmem_shared>> -> memref<40x128xf32, #tpu.memory_space<vmem_shared>>
        %dma_wait3A_51 = arith.constant 0 : i32
        %dma_wait3A_52 = tpu.memref_slice %arg11[%add3A_30, %dma_wait3A_51] : memref<10240x128xf32, #tpu.memory_space<vmem_shared>> -> memref<40x128xf32, #tpu.memory_space<vmem_shared>>
        tpu.wait_dma2 semaphore(%run_scoped3A : memref<!tpu.dma_semaphore, #tpu.memory_space<semaphore_mem>>) src(%arg10 : memref<40x128xf32, #tpu.memory_space<vmem>>) dst(%dma_wait3A_52 : memref<40x128xf32, #tpu.memory_space<vmem_shared>>)
        tpu.yield
      }) : () -> ()
      %add3A_31 = arith.constant 320 : i32
      %add3A_32 = arith.addi %mul3A_2, %add3A_31 : i32
      "tpu.region"() ({
        %run_scoped3A = tpu.sem_alloc : memref<!tpu.dma_semaphore, #tpu.memory_space<semaphore_mem>>
        %dma_start3A = arith.constant 0 : i32
        %dma_start3A_47 = tpu.memref_slice %arg11[%add3A_32, %dma_start3A] : memref<10240x128xf32, #tpu.memory_space<vmem_shared>> -> memref<40x128xf32, #tpu.memory_space<vmem_shared>>
        %dma_start3A_48 = arith.constant 0 : i32
        %dma_start3A_49 = tpu.memref_slice %arg11[%add3A_32, %dma_start3A_48] : memref<10240x128xf32, #tpu.memory_space<vmem_shared>> -> memref<40x128xf32, #tpu.memory_space<vmem_shared>>
        tpu.enqueue_dma source(%arg10 : memref<40x128xf32, #tpu.memory_space<vmem>>) target(%dma_start3A_49 : memref<40x128xf32, #tpu.memory_space<vmem_shared>>) target_semaphore(%run_scoped3A : memref<!tpu.dma_semaphore, #tpu.memory_space<semaphore_mem>>)
        %dma_wait3A = arith.constant 0 : i32
        %dma_wait3A_50 = tpu.memref_slice %arg11[%add3A_32, %dma_wait3A] : memref<10240x128xf32, #tpu.memory_space<vmem_shared>> -> memref<40x128xf32, #tpu.memory_space<vmem_shared>>
        %dma_wait3A_51 = arith.constant 0 : i32
        %dma_wait3A_52 = tpu.memref_slice %arg11[%add3A_32, %dma_wait3A_51] : memref<10240x128xf32, #tpu.memory_space<vmem_shared>> -> memref<40x128xf32, #tpu.memory_space<vmem_shared>>
        tpu.wait_dma2 semaphore(%run_scoped3A : memref<!tpu.dma_semaphore, #tpu.memory_space<semaphore_mem>>) src(%arg10 : memref<40x128xf32, #tpu.memory_space<vmem>>) dst(%dma_wait3A_52 : memref<40x128xf32, #tpu.memory_space<vmem_shared>>)
        tpu.yield
      }) : () -> ()
      %add3A_33 = arith.constant 360 : i32
      %add3A_34 = arith.addi %mul3A_2, %add3A_33 : i32
      "tpu.region"() ({
        %run_scoped3A = tpu.sem_alloc : memref<!tpu.dma_semaphore, #tpu.memory_space<semaphore_mem>>
        %dma_start3A = arith.constant 0 : i32
        %dma_start3A_47 = tpu.memref_slice %arg11[%add3A_34, %dma_start3A] : memref<10240x128xf32, #tpu.memory_space<vmem_shared>> -> memref<40x128xf32, #tpu.memory_space<vmem_shared>>
        %dma_start3A_48 = arith.constant 0 : i32
        %dma_start3A_49 = tpu.memref_slice %arg11[%add3A_34, %dma_start3A_48] : memref<10240x128xf32, #tpu.memory_space<vmem_shared>> -> memref<40x128xf32, #tpu.memory_space<vmem_shared>>
        tpu.enqueue_dma source(%arg10 : memref<40x128xf32, #tpu.memory_space<vmem>>) target(%dma_start3A_49 : memref<40x128xf32, #tpu.memory_space<vmem_shared>>) target_semaphore(%run_scoped3A : memref<!tpu.dma_semaphore, #tpu.memory_space<semaphore_mem>>)
        %dma_wait3A = arith.constant 0 : i32
        %dma_wait3A_50 = tpu.memref_slice %arg11[%add3A_34, %dma_wait3A] : memref<10240x128xf32, #tpu.memory_space<vmem_shared>> -> memref<40x128xf32, #tpu.memory_space<vmem_shared>>
        %dma_wait3A_51 = arith.constant 0 : i32
        %dma_wait3A_52 = tpu.memref_slice %arg11[%add3A_34, %dma_wait3A_51] : memref<10240x128xf32, #tpu.memory_space<vmem_shared>> -> memref<40x128xf32, #tpu.memory_space<vmem_shared>>
        tpu.wait_dma2 semaphore(%run_scoped3A : memref<!tpu.dma_semaphore, #tpu.memory_space<semaphore_mem>>) src(%arg10 : memref<40x128xf32, #tpu.memory_space<vmem>>) dst(%dma_wait3A_52 : memref<40x128xf32, #tpu.memory_space<vmem_shared>>)
        tpu.yield
      }) : () -> ()
      %add3A_35 = arith.constant 400 : i32
      %add3A_36 = arith.addi %mul3A_2, %add3A_35 : i32
      "tpu.region"() ({
        %run_scoped3A = tpu.sem_alloc : memref<!tpu.dma_semaphore, #tpu.memory_space<semaphore_mem>>
        %dma_start3A = arith.constant 0 : i32
        %dma_start3A_47 = tpu.memref_slice %arg11[%add3A_36, %dma_start3A] : memref<10240x128xf32, #tpu.memory_space<vmem_shared>> -> memref<40x128xf32, #tpu.memory_space<vmem_shared>>
        %dma_start3A_48 = arith.constant 0 : i32
        %dma_start3A_49 = tpu.memref_slice %arg11[%add3A_36, %dma_start3A_48] : memref<10240x128xf32, #tpu.memory_space<vmem_shared>> -> memref<40x128xf32, #tpu.memory_space<vmem_shared>>
        tpu.enqueue_dma source(%arg10 : memref<40x128xf32, #tpu.memory_space<vmem>>) target(%dma_start3A_49 : memref<40x128xf32, #tpu.memory_space<vmem_shared>>) target_semaphore(%run_scoped3A : memref<!tpu.dma_semaphore, #tpu.memory_space<semaphore_mem>>)
        %dma_wait3A = arith.constant 0 : i32
        %dma_wait3A_50 = tpu.memref_slice %arg11[%add3A_36, %dma_wait3A] : memref<10240x128xf32, #tpu.memory_space<vmem_shared>> -> memref<40x128xf32, #tpu.memory_space<vmem_shared>>
        %dma_wait3A_51 = arith.constant 0 : i32
        %dma_wait3A_52 = tpu.memref_slice %arg11[%add3A_36, %dma_wait3A_51] : memref<10240x128xf32, #tpu.memory_space<vmem_shared>> -> memref<40x128xf32, #tpu.memory_space<vmem_shared>>
        tpu.wait_dma2 semaphore(%run_scoped3A : memref<!tpu.dma_semaphore, #tpu.memory_space<semaphore_mem>>) src(%arg10 : memref<40x128xf32, #tpu.memory_space<vmem>>) dst(%dma_wait3A_52 : memref<40x128xf32, #tpu.memory_space<vmem_shared>>)
        tpu.yield
      }) : () -> ()
      %add3A_37 = arith.constant 440 : i32
      %add3A_38 = arith.addi %mul3A_2, %add3A_37 : i32
      "tpu.region"() ({
        %run_scoped3A = tpu.sem_alloc : memref<!tpu.dma_semaphore, #tpu.memory_space<semaphore_mem>>
        %dma_start3A = arith.constant 0 : i32
        %dma_start3A_47 = tpu.memref_slice %arg11[%add3A_38, %dma_start3A] : memref<10240x128xf32, #tpu.memory_space<vmem_shared>> -> memref<40x128xf32, #tpu.memory_space<vmem_shared>>
        %dma_start3A_48 = arith.constant 0 : i32
        %dma_start3A_49 = tpu.memref_slice %arg11[%add3A_38, %dma_start3A_48] : memref<10240x128xf32, #tpu.memory_space<vmem_shared>> -> memref<40x128xf32, #tpu.memory_space<vmem_shared>>
        tpu.enqueue_dma source(%arg10 : memref<40x128xf32, #tpu.memory_space<vmem>>) target(%dma_start3A_49 : memref<40x128xf32, #tpu.memory_space<vmem_shared>>) target_semaphore(%run_scoped3A : memref<!tpu.dma_semaphore, #tpu.memory_space<semaphore_mem>>)
        %dma_wait3A = arith.constant 0 : i32
        %dma_wait3A_50 = tpu.memref_slice %arg11[%add3A_38, %dma_wait3A] : memref<10240x128xf32, #tpu.memory_space<vmem_shared>> -> memref<40x128xf32, #tpu.memory_space<vmem_shared>>
        %dma_wait3A_51 = arith.constant 0 : i32
        %dma_wait3A_52 = tpu.memref_slice %arg11[%add3A_38, %dma_wait3A_51] : memref<10240x128xf32, #tpu.memory_space<vmem_shared>> -> memref<40x128xf32, #tpu.memory_space<vmem_shared>>
        tpu.wait_dma2 semaphore(%run_scoped3A : memref<!tpu.dma_semaphore, #tpu.memory_space<semaphore_mem>>) src(%arg10 : memref<40x128xf32, #tpu.memory_space<vmem>>) dst(%dma_wait3A_52 : memref<40x128xf32, #tpu.memory_space<vmem_shared>>)
        tpu.yield
      }) : () -> ()
      %add3A_39 = arith.constant 480 : i32
      %add3A_40 = arith.addi %mul3A_2, %add3A_39 : i32
      "tpu.region"() ({
        %run_scoped3A = tpu.sem_alloc : memref<!tpu.dma_semaphore, #tpu.memory_space<semaphore_mem>>
        %dma_start3A = arith.constant 0 : i32
        %dma_start3A_47 = tpu.memref_slice %arg11[%add3A_40, %dma_start3A] : memref<10240x128xf32, #tpu.memory_space<vmem_shared>> -> memref<40x128xf32, #tpu.memory_space<vmem_shared>>
        %dma_start3A_48 = arith.constant 0 : i32
        %dma_start3A_49 = tpu.memref_slice %arg11[%add3A_40, %dma_start3A_48] : memref<10240x128xf32, #tpu.memory_space<vmem_shared>> -> memref<40x128xf32, #tpu.memory_space<vmem_shared>>
        tpu.enqueue_dma source(%arg10 : memref<40x128xf32, #tpu.memory_space<vmem>>) target(%dma_start3A_49 : memref<40x128xf32, #tpu.memory_space<vmem_shared>>) target_semaphore(%run_scoped3A : memref<!tpu.dma_semaphore, #tpu.memory_space<semaphore_mem>>)
        %dma_wait3A = arith.constant 0 : i32
        %dma_wait3A_50 = tpu.memref_slice %arg11[%add3A_40, %dma_wait3A] : memref<10240x128xf32, #tpu.memory_space<vmem_shared>> -> memref<40x128xf32, #tpu.memory_space<vmem_shared>>
        %dma_wait3A_51 = arith.constant 0 : i32
        %dma_wait3A_52 = tpu.memref_slice %arg11[%add3A_40, %dma_wait3A_51] : memref<10240x128xf32, #tpu.memory_space<vmem_shared>> -> memref<40x128xf32, #tpu.memory_space<vmem_shared>>
        tpu.wait_dma2 semaphore(%run_scoped3A : memref<!tpu.dma_semaphore, #tpu.memory_space<semaphore_mem>>) src(%arg10 : memref<40x128xf32, #tpu.memory_space<vmem>>) dst(%dma_wait3A_52 : memref<40x128xf32, #tpu.memory_space<vmem_shared>>)
        tpu.yield
      }) : () -> ()
      %add3A_41 = arith.constant 520 : i32
      %add3A_42 = arith.addi %mul3A_2, %add3A_41 : i32
      "tpu.region"() ({
        %run_scoped3A = tpu.sem_alloc : memref<!tpu.dma_semaphore, #tpu.memory_space<semaphore_mem>>
        %dma_start3A = arith.constant 0 : i32
        %dma_start3A_47 = tpu.memref_slice %arg11[%add3A_42, %dma_start3A] : memref<10240x128xf32, #tpu.memory_space<vmem_shared>> -> memref<40x128xf32, #tpu.memory_space<vmem_shared>>
        %dma_start3A_48 = arith.constant 0 : i32
        %dma_start3A_49 = tpu.memref_slice %arg11[%add3A_42, %dma_start3A_48] : memref<10240x128xf32, #tpu.memory_space<vmem_shared>> -> memref<40x128xf32, #tpu.memory_space<vmem_shared>>
        tpu.enqueue_dma source(%arg10 : memref<40x128xf32, #tpu.memory_space<vmem>>) target(%dma_start3A_49 : memref<40x128xf32, #tpu.memory_space<vmem_shared>>) target_semaphore(%run_scoped3A : memref<!tpu.dma_semaphore, #tpu.memory_space<semaphore_mem>>)
        %dma_wait3A = arith.constant 0 : i32
        %dma_wait3A_50 = tpu.memref_slice %arg11[%add3A_42, %dma_wait3A] : memref<10240x128xf32, #tpu.memory_space<vmem_shared>> -> memref<40x128xf32, #tpu.memory_space<vmem_shared>>
        %dma_wait3A_51 = arith.constant 0 : i32
        %dma_wait3A_52 = tpu.memref_slice %arg11[%add3A_42, %dma_wait3A_51] : memref<10240x128xf32, #tpu.memory_space<vmem_shared>> -> memref<40x128xf32, #tpu.memory_space<vmem_shared>>
        tpu.wait_dma2 semaphore(%run_scoped3A : memref<!tpu.dma_semaphore, #tpu.memory_space<semaphore_mem>>) src(%arg10 : memref<40x128xf32, #tpu.memory_space<vmem>>) dst(%dma_wait3A_52 : memref<40x128xf32, #tpu.memory_space<vmem_shared>>)
        tpu.yield
      }) : () -> ()
      %add3A_43 = arith.constant 560 : i32
      %add3A_44 = arith.addi %mul3A_2, %add3A_43 : i32
      "tpu.region"() ({
        %run_scoped3A = tpu.sem_alloc : memref<!tpu.dma_semaphore, #tpu.memory_space<semaphore_mem>>
        %dma_start3A = arith.constant 0 : i32
        %dma_start3A_47 = tpu.memref_slice %arg11[%add3A_44, %dma_start3A] : memref<10240x128xf32, #tpu.memory_space<vmem_shared>> -> memref<40x128xf32, #tpu.memory_space<vmem_shared>>
        %dma_start3A_48 = arith.constant 0 : i32
        %dma_start3A_49 = tpu.memref_slice %arg11[%add3A_44, %dma_start3A_48] : memref<10240x128xf32, #tpu.memory_space<vmem_shared>> -> memref<40x128xf32, #tpu.memory_space<vmem_shared>>
        tpu.enqueue_dma source(%arg10 : memref<40x128xf32, #tpu.memory_space<vmem>>) target(%dma_start3A_49 : memref<40x128xf32, #tpu.memory_space<vmem_shared>>) target_semaphore(%run_scoped3A : memref<!tpu.dma_semaphore, #tpu.memory_space<semaphore_mem>>)
        %dma_wait3A = arith.constant 0 : i32
        %dma_wait3A_50 = tpu.memref_slice %arg11[%add3A_44, %dma_wait3A] : memref<10240x128xf32, #tpu.memory_space<vmem_shared>> -> memref<40x128xf32, #tpu.memory_space<vmem_shared>>
        %dma_wait3A_51 = arith.constant 0 : i32
        %dma_wait3A_52 = tpu.memref_slice %arg11[%add3A_44, %dma_wait3A_51] : memref<10240x128xf32, #tpu.memory_space<vmem_shared>> -> memref<40x128xf32, #tpu.memory_space<vmem_shared>>
        tpu.wait_dma2 semaphore(%run_scoped3A : memref<!tpu.dma_semaphore, #tpu.memory_space<semaphore_mem>>) src(%arg10 : memref<40x128xf32, #tpu.memory_space<vmem>>) dst(%dma_wait3A_52 : memref<40x128xf32, #tpu.memory_space<vmem_shared>>)
        tpu.yield
      }) : () -> ()
      %add3A_45 = arith.constant 600 : i32
      %add3A_46 = arith.addi %mul3A_2, %add3A_45 : i32
      "tpu.region"() ({
        %run_scoped3A = tpu.sem_alloc : memref<!tpu.dma_semaphore, #tpu.memory_space<semaphore_mem>>
        %dma_start3A = arith.constant 0 : i32
        %dma_start3A_47 = tpu.memref_slice %arg11[%add3A_46, %dma_start3A] : memref<10240x128xf32, #tpu.memory_space<vmem_shared>> -> memref<40x128xf32, #tpu.memory_space<vmem_shared>>
        %dma_start3A_48 = arith.constant 0 : i32
        %dma_start3A_49 = tpu.memref_slice %arg11[%add3A_46, %dma_start3A_48] : memref<10240x128xf32, #tpu.memory_space<vmem_shared>> -> memref<40x128xf32, #tpu.memory_space<vmem_shared>>
        tpu.enqueue_dma source(%arg10 : memref<40x128xf32, #tpu.memory_space<vmem>>) target(%dma_start3A_49 : memref<40x128xf32, #tpu.memory_space<vmem_shared>>) target_semaphore(%run_scoped3A : memref<!tpu.dma_semaphore, #tpu.memory_space<semaphore_mem>>)
        %dma_wait3A = arith.constant 0 : i32
        %dma_wait3A_50 = tpu.memref_slice %arg11[%add3A_46, %dma_wait3A] : memref<10240x128xf32, #tpu.memory_space<vmem_shared>> -> memref<40x128xf32, #tpu.memory_space<vmem_shared>>
        %dma_wait3A_51 = arith.constant 0 : i32
        %dma_wait3A_52 = tpu.memref_slice %arg11[%add3A_46, %dma_wait3A_51] : memref<10240x128xf32, #tpu.memory_space<vmem_shared>> -> memref<40x128xf32, #tpu.memory_space<vmem_shared>>
        tpu.wait_dma2 semaphore(%run_scoped3A : memref<!tpu.dma_semaphore, #tpu.memory_space<semaphore_mem>>) src(%arg10 : memref<40x128xf32, #tpu.memory_space<vmem>>) dst(%dma_wait3A_52 : memref<40x128xf32, #tpu.memory_space<vmem_shared>>)
        tpu.yield
      }) : () -> ()
    } else {
    }
    %barrier3A = arith.constant 0 : index
    tpu.barrier barrier_id(%barrier3A)
    %scan3A = arith.constant 0 : i32
    %scan3A_9 = arith.constant 0 : i32
    %scan3A_10 = arith.constant 80 : i32
    %scan3A_11 = arith.addi %scan3A_9, %scan3A_10 : i32
    %scan3A_12 = arith.constant 1 : i32
    scf.for %scan3A_15 = %scan3A_9 to %scan3A_11 step %scan3A_12  : i32 {
      %dma_start3A = arith.constant 0 : i32
      %dma_start3A_16 = tpu.memref_slice %arg7[%scan3A_15, %dma_start3A] : memref<80x128xi32, #tpu.memory_space<vmem>> -> memref<1x128xi32, #tpu.memory_space<vmem>>
      %dma_start3A_17 = tpu.memref_squeeze %dma_start3A_16 : memref<1x128xi32, #tpu.memory_space<vmem>> -> memref<128xi32, #tpu.memory_space<vmem>>
      %dma_start3A_18 = arith.constant 0 : i32
      %dma_start3A_19 = arith.constant 0 : i32
      %dma_start3A_20 = tpu.memref_slice %arg2[%dma_start3A_18, %dma_start3A_19] : memref<10240x128xf32, #tpu.memory_space<hbm>> -> memref<10240x128xf32, #tpu.memory_space<hbm>>
      tpu.enqueue_indirect_dma source(%dma_start3A_20 : memref<10240x128xf32, #tpu.memory_space<hbm>>) target(%arg9 : memref<128x128xf32, #tpu.memory_space<vmem>>) offsets(%dma_start3A_17 : memref<128xi32, #tpu.memory_space<vmem>>) semaphore(%arg12 : memref<!tpu.dma_semaphore, #tpu.memory_space<semaphore_mem>>)
      %dma_wait3A = arith.constant 0 : i32
      %dma_wait3A_21 = tpu.memref_slice %arg7[%scan3A_15, %dma_wait3A] : memref<80x128xi32, #tpu.memory_space<vmem>> -> memref<1x128xi32, #tpu.memory_space<vmem>>
      %dma_wait3A_22 = tpu.memref_squeeze %dma_wait3A_21 : memref<1x128xi32, #tpu.memory_space<vmem>> -> memref<128xi32, #tpu.memory_space<vmem>>
      %dma_wait3A_23 = arith.constant 0 : i32
      %dma_wait3A_24 = arith.constant 0 : i32
      %dma_wait3A_25 = tpu.memref_slice %arg2[%dma_wait3A_23, %dma_wait3A_24] : memref<10240x128xf32, #tpu.memory_space<hbm>> -> memref<10240x128xf32, #tpu.memory_space<hbm>>
      tpu.wait_indirect_dma semaphore(%arg12 : memref<!tpu.dma_semaphore, #tpu.memory_space<semaphore_mem>>) src(%dma_wait3A_25 : memref<10240x128xf32, #tpu.memory_space<hbm>>) dst(%arg9 : memref<128x128xf32, #tpu.memory_space<vmem>>)
      "tpu.region"() ({
        %run_scoped3A = tpu.sem_alloc : memref<!tpu.dma_semaphore, #tpu.memory_space<semaphore_mem>>
        %dma_start3A_26 = arith.constant 0 : i32
        %dma_start3A_27 = tpu.memref_slice %arg8[%scan3A_15, %dma_start3A_26] : memref<80x128xi32, #tpu.memory_space<vmem>> -> memref<1x128xi32, #tpu.memory_space<vmem>>
        %dma_start3A_28 = tpu.memref_squeeze %dma_start3A_27 : memref<1x128xi32, #tpu.memory_space<vmem>> -> memref<128xi32, #tpu.memory_space<vmem>>
        %dma_start3A_29 = arith.constant 0 : i32
        %dma_start3A_30 = arith.constant 0 : i32
        %dma_start3A_31 = tpu.memref_slice %arg11[%dma_start3A_29, %dma_start3A_30] : memref<10240x128xf32, #tpu.memory_space<vmem_shared>> -> memref<10240x128xf32, #tpu.memory_space<vmem_shared>>
        tpu.enqueue_indirect_dma source(%arg9 : memref<128x128xf32, #tpu.memory_space<vmem>>) target(%dma_start3A_31 : memref<10240x128xf32, #tpu.memory_space<vmem_shared>>) offsets(%dma_start3A_28 : memref<128xi32, #tpu.memory_space<vmem>>) semaphore(%run_scoped3A : memref<!tpu.dma_semaphore, #tpu.memory_space<semaphore_mem>>) {add = true}
        %dma_wait3A_32 = arith.constant 0 : i32
        %dma_wait3A_33 = tpu.memref_slice %arg8[%scan3A_15, %dma_wait3A_32] : memref<80x128xi32, #tpu.memory_space<vmem>> -> memref<1x128xi32, #tpu.memory_space<vmem>>
        %dma_wait3A_34 = tpu.memref_squeeze %dma_wait3A_33 : memref<1x128xi32, #tpu.memory_space<vmem>> -> memref<128xi32, #tpu.memory_space<vmem>>
        %dma_wait3A_35 = arith.constant 0 : i32
        %dma_wait3A_36 = arith.constant 0 : i32
        %dma_wait3A_37 = tpu.memref_slice %arg11[%dma_wait3A_35, %dma_wait3A_36] : memref<10240x128xf32, #tpu.memory_space<vmem_shared>> -> memref<10240x128xf32, #tpu.memory_space<vmem_shared>>
        tpu.wait_indirect_dma semaphore(%run_scoped3A : memref<!tpu.dma_semaphore, #tpu.memory_space<semaphore_mem>>) src(%arg9 : memref<128x128xf32, #tpu.memory_space<vmem>>) dst(%dma_wait3A_37 : memref<10240x128xf32, #tpu.memory_space<vmem_shared>>)
        tpu.yield
      }) : () -> ()
    }
    %scan3A_13 = arith.constant 80 : i32
    %barrier3A_14 = arith.constant 0 : index
    tpu.barrier barrier_id(%barrier3A_14)
    "tpu.region"() ({
      %run_scoped3A = tpu.sem_alloc : memref<!tpu.dma_semaphore, #tpu.memory_space<semaphore_mem>>
      %dma_start3A = arith.constant 0 : i32
      %dma_start3A_15 = tpu.memref_slice %arg6[%arg0, %mul3A_2, %dma_start3A] : memref<2x10240x128xf32, #tpu.memory_space<hbm>> -> memref<1x640x128xf32, #tpu.memory_space<hbm>>
      %dma_start3A_16 = tpu.memref_squeeze %dma_start3A_15 : memref<1x640x128xf32, #tpu.memory_space<hbm>> -> memref<640x128xf32, #tpu.memory_space<hbm>>
      %dma_start3A_17 = arith.constant 0 : i32
      %dma_start3A_18 = tpu.memref_slice %arg11[%mul3A_2, %dma_start3A_17] : memref<10240x128xf32, #tpu.memory_space<vmem_shared>> -> memref<640x128xf32, #tpu.memory_space<vmem_shared>>
      tpu.enqueue_dma source(%dma_start3A_18 : memref<640x128xf32, #tpu.memory_space<vmem_shared>>) target(%dma_start3A_16 : memref<640x128xf32, #tpu.memory_space<hbm>>) target_semaphore(%run_scoped3A : memref<!tpu.dma_semaphore, #tpu.memory_space<semaphore_mem>>)
      %dma_wait3A = arith.constant 0 : i32
      %dma_wait3A_19 = tpu.memref_slice %arg6[%arg0, %mul3A_2, %dma_wait3A] : memref<2x10240x128xf32, #tpu.memory_space<hbm>> -> memref<1x640x128xf32, #tpu.memory_space<hbm>>
      %dma_wait3A_20 = tpu.memref_squeeze %dma_wait3A_19 : memref<1x640x128xf32, #tpu.memory_space<hbm>> -> memref<640x128xf32, #tpu.memory_space<hbm>>
      %dma_wait3A_21 = arith.constant 0 : i32
      %dma_wait3A_22 = tpu.memref_slice %arg11[%mul3A_2, %dma_wait3A_21] : memref<10240x128xf32, #tpu.memory_space<vmem_shared>> -> memref<640x128xf32, #tpu.memory_space<vmem_shared>>
      tpu.wait_dma2 semaphore(%run_scoped3A : memref<!tpu.dma_semaphore, #tpu.memory_space<semaphore_mem>>) src(%dma_wait3A_22 : memref<640x128xf32, #tpu.memory_space<vmem_shared>>) dst(%dma_wait3A_20 : memref<640x128xf32, #tpu.memory_space<hbm>>)
      tpu.yield
    }) : () -> ()
    return
  }
}

#map = affine_map<(d0, d1) -> (0, 0)>
#map1 = affine_map<(d0, d1) -> (0, 0, 0)>
module attributes {stable_mosaic.version = 14 : i64} {
  func.func @_scatter_body(%arg0: i32, %arg1: i32, %arg2: memref<10240x128xf32, #tpu.memory_space<hbm>>, %arg3: memref<32x80x128xi32, #tpu.memory_space<hbm>>, %arg4: memref<32x80x128xi32, #tpu.memory_space<hbm>>, %arg5: memref<40x128xf32, #tpu.memory_space<hbm>>, %arg6: memref<2x10240x128xf32, #tpu.memory_space<hbm>>, %arg7: memref<80x128xi32, #tpu.memory_space<vmem>>, %arg8: memref<80x128xi32, #tpu.memory_space<vmem>>, %arg9: memref<128x128xf32, #tpu.memory_space<vmem>>, %arg10: memref<40x128xf32, #tpu.memory_space<vmem>>, %arg11: memref<10240x128xf32, #tpu.memory_space<vmem_shared>>, %arg12: memref<!tpu.dma_semaphore, #tpu.memory_space<semaphore_mem>>) attributes {dimension_semantics = [#tpu.dimension_semantics<core_parallel>, #tpu.dimension_semantics<subcore_parallel>], iteration_bounds = array<i64: 2, 16>, scalar_prefetch = 0 : i64, scratch_operands = 6 : i64, tpu.core_type = #tpu.core_type<sc_vector_subcore>, window_params = [{transform_indices = #map}, {transform_indices = #map1}, {transform_indices = #map1}, {transform_indices = #map}, {transform_indices = #map1}]} {
    %mul3A = arith.constant 16 : i32
    %mul3A_0 = arith.muli %arg0, %mul3A : i32
    %add3A = arith.addi %mul3A_0, %arg1 : i32
    %mul3A_1 = arith.constant 640 : i32
    %mul3A_2 = arith.muli %arg1, %mul3A_1 : i32
    "tpu.region"() ({
      %run_scoped3A = tpu.sem_alloc : memref<!tpu.dma_semaphore, #tpu.memory_space<semaphore_mem>>
      %dma_start3A = arith.constant 0 : i32
      %dma_start3A_15 = arith.constant 0 : i32
      %dma_start3A_16 = tpu.memref_slice %arg3[%add3A, %dma_start3A, %dma_start3A_15] : memref<32x80x128xi32, #tpu.memory_space<hbm>> -> memref<1x80x128xi32, #tpu.memory_space<hbm>>
      %dma_start3A_17 = tpu.memref_squeeze %dma_start3A_16 : memref<1x80x128xi32, #tpu.memory_space<hbm>> -> memref<80x128xi32, #tpu.memory_space<hbm>>
      %dma_start3A_18 = arith.constant 0 : i32
      %dma_start3A_19 = arith.constant 0 : i32
      %dma_start3A_20 = tpu.memref_slice %arg3[%add3A, %dma_start3A_18, %dma_start3A_19] : memref<32x80x128xi32, #tpu.memory_space<hbm>> -> memref<1x80x128xi32, #tpu.memory_space<hbm>>
      %dma_start3A_21 = tpu.memref_squeeze %dma_start3A_20 : memref<1x80x128xi32, #tpu.memory_space<hbm>> -> memref<80x128xi32, #tpu.memory_space<hbm>>
      tpu.enqueue_dma source(%dma_start3A_21 : memref<80x128xi32, #tpu.memory_space<hbm>>) target(%arg7 : memref<80x128xi32, #tpu.memory_space<vmem>>) target_semaphore(%run_scoped3A : memref<!tpu.dma_semaphore, #tpu.memory_space<semaphore_mem>>)
      %dma_wait3A = arith.constant 0 : i32
      %dma_wait3A_22 = arith.constant 0 : i32
      %dma_wait3A_23 = tpu.memref_slice %arg3[%add3A, %dma_wait3A, %dma_wait3A_22] : memref<32x80x128xi32, #tpu.memory_space<hbm>> -> memref<1x80x128xi32, #tpu.memory_space<hbm>>
      %dma_wait3A_24 = tpu.memref_squeeze %dma_wait3A_23 : memref<1x80x128xi32, #tpu.memory_space<hbm>> -> memref<80x128xi32, #tpu.memory_space<hbm>>
      %dma_wait3A_25 = arith.constant 0 : i32
      %dma_wait3A_26 = arith.constant 0 : i32
      %dma_wait3A_27 = tpu.memref_slice %arg3[%add3A, %dma_wait3A_25, %dma_wait3A_26] : memref<32x80x128xi32, #tpu.memory_space<hbm>> -> memref<1x80x128xi32, #tpu.memory_space<hbm>>
      %dma_wait3A_28 = tpu.memref_squeeze %dma_wait3A_27 : memref<1x80x128xi32, #tpu.memory_space<hbm>> -> memref<80x128xi32, #tpu.memory_space<hbm>>
      tpu.wait_dma2 semaphore(%run_scoped3A : memref<!tpu.dma_semaphore, #tpu.memory_space<semaphore_mem>>) src(%dma_wait3A_28 : memref<80x128xi32, #tpu.memory_space<hbm>>) dst(%arg7 : memref<80x128xi32, #tpu.memory_space<vmem>>)
      tpu.yield
    }) : () -> ()
    "tpu.region"() ({
      %run_scoped3A = tpu.sem_alloc : memref<!tpu.dma_semaphore, #tpu.memory_space<semaphore_mem>>
      %dma_start3A = arith.constant 0 : i32
      %dma_start3A_15 = arith.constant 0 : i32
      %dma_start3A_16 = tpu.memref_slice %arg4[%add3A, %dma_start3A, %dma_start3A_15] : memref<32x80x128xi32, #tpu.memory_space<hbm>> -> memref<1x80x128xi32, #tpu.memory_space<hbm>>
      %dma_start3A_17 = tpu.memref_squeeze %dma_start3A_16 : memref<1x80x128xi32, #tpu.memory_space<hbm>> -> memref<80x128xi32, #tpu.memory_space<hbm>>
      %dma_start3A_18 = arith.constant 0 : i32
      %dma_start3A_19 = arith.constant 0 : i32
      %dma_start3A_20 = tpu.memref_slice %arg4[%add3A, %dma_start3A_18, %dma_start3A_19] : memref<32x80x128xi32, #tpu.memory_space<hbm>> -> memref<1x80x128xi32, #tpu.memory_space<hbm>>
      %dma_start3A_21 = tpu.memref_squeeze %dma_start3A_20 : memref<1x80x128xi32, #tpu.memory_space<hbm>> -> memref<80x128xi32, #tpu.memory_space<hbm>>
      tpu.enqueue_dma source(%dma_start3A_21 : memref<80x128xi32, #tpu.memory_space<hbm>>) target(%arg8 : memref<80x128xi32, #tpu.memory_space<vmem>>) target_semaphore(%run_scoped3A : memref<!tpu.dma_semaphore, #tpu.memory_space<semaphore_mem>>)
      %dma_wait3A = arith.constant 0 : i32
      %dma_wait3A_22 = arith.constant 0 : i32
      %dma_wait3A_23 = tpu.memref_slice %arg4[%add3A, %dma_wait3A, %dma_wait3A_22] : memref<32x80x128xi32, #tpu.memory_space<hbm>> -> memref<1x80x128xi32, #tpu.memory_space<hbm>>
      %dma_wait3A_24 = tpu.memref_squeeze %dma_wait3A_23 : memref<1x80x128xi32, #tpu.memory_space<hbm>> -> memref<80x128xi32, #tpu.memory_space<hbm>>
      %dma_wait3A_25 = arith.constant 0 : i32
      %dma_wait3A_26 = arith.constant 0 : i32
      %dma_wait3A_27 = tpu.memref_slice %arg4[%add3A, %dma_wait3A_25, %dma_wait3A_26] : memref<32x80x128xi32, #tpu.memory_space<hbm>> -> memref<1x80x128xi32, #tpu.memory_space<hbm>>
      %dma_wait3A_28 = tpu.memref_squeeze %dma_wait3A_27 : memref<1x80x128xi32, #tpu.memory_space<hbm>> -> memref<80x128xi32, #tpu.memory_space<hbm>>
      tpu.wait_dma2 semaphore(%run_scoped3A : memref<!tpu.dma_semaphore, #tpu.memory_space<semaphore_mem>>) src(%dma_wait3A_28 : memref<80x128xi32, #tpu.memory_space<hbm>>) dst(%arg8 : memref<80x128xi32, #tpu.memory_space<vmem>>)
      tpu.yield
    }) : () -> ()
    %eq3A = arith.constant 0 : i32
    %eq3A_3 = arith.cmpi eq, %arg0, %eq3A : i32
    %convert_element_type3A = arith.extui %eq3A_3 : i1 to i32
    %cond3A = arith.constant 0 : i32
    %cond3A_4 = arith.cmpi ne, %convert_element_type3A, %cond3A : i32
    scf.if %cond3A_4 {
      "tpu.region"() ({
        %run_scoped3A = tpu.sem_alloc : memref<!tpu.dma_semaphore, #tpu.memory_space<semaphore_mem>>
        %dma_start3A = arith.constant 0 : i32
        %dma_start3A_15 = tpu.memref_slice %arg11[%mul3A_2, %dma_start3A] : memref<10240x128xf32, #tpu.memory_space<vmem_shared>> -> memref<640x128xf32, #tpu.memory_space<vmem_shared>>
        %dma_start3A_16 = arith.constant 0 : i32
        %dma_start3A_17 = tpu.memref_slice %arg2[%mul3A_2, %dma_start3A_16] : memref<10240x128xf32, #tpu.memory_space<hbm>> -> memref<640x128xf32, #tpu.memory_space<hbm>>
        tpu.enqueue_dma source(%dma_start3A_17 : memref<640x128xf32, #tpu.memory_space<hbm>>) target(%dma_start3A_15 : memref<640x128xf32, #tpu.memory_space<vmem_shared>>) target_semaphore(%run_scoped3A : memref<!tpu.dma_semaphore, #tpu.memory_space<semaphore_mem>>)
        %dma_wait3A = arith.constant 0 : i32
        %dma_wait3A_18 = tpu.memref_slice %arg11[%mul3A_2, %dma_wait3A] : memref<10240x128xf32, #tpu.memory_space<vmem_shared>> -> memref<640x128xf32, #tpu.memory_space<vmem_shared>>
        %dma_wait3A_19 = arith.constant 0 : i32
        %dma_wait3A_20 = tpu.memref_slice %arg2[%mul3A_2, %dma_wait3A_19] : memref<10240x128xf32, #tpu.memory_space<hbm>> -> memref<640x128xf32, #tpu.memory_space<hbm>>
        tpu.wait_dma2 semaphore(%run_scoped3A : memref<!tpu.dma_semaphore, #tpu.memory_space<semaphore_mem>>) src(%dma_wait3A_20 : memref<640x128xf32, #tpu.memory_space<hbm>>) dst(%dma_wait3A_18 : memref<640x128xf32, #tpu.memory_space<vmem_shared>>)
        tpu.yield
      }) : () -> ()
    } else {
    }
    %ne3A = arith.constant 0 : i32
    %ne3A_5 = arith.cmpi ne, %arg0, %ne3A : i32
    %convert_element_type3A_6 = arith.extui %ne3A_5 : i1 to i32
    %cond3A_7 = arith.constant 0 : i32
    %cond3A_8 = arith.cmpi ne, %convert_element_type3A_6, %cond3A_7 : i32
    scf.if %cond3A_8 {
      "tpu.region"() ({
        %run_scoped3A = tpu.sem_alloc : memref<!tpu.dma_semaphore, #tpu.memory_space<semaphore_mem>>
        tpu.enqueue_dma source(%arg5 : memref<40x128xf32, #tpu.memory_space<hbm>>) target(%arg10 : memref<40x128xf32, #tpu.memory_space<vmem>>) target_semaphore(%run_scoped3A : memref<!tpu.dma_semaphore, #tpu.memory_space<semaphore_mem>>)
        tpu.wait_dma2 semaphore(%run_scoped3A : memref<!tpu.dma_semaphore, #tpu.memory_space<semaphore_mem>>) src(%arg5 : memref<40x128xf32, #tpu.memory_space<hbm>>) dst(%arg10 : memref<40x128xf32, #tpu.memory_space<vmem>>)
        tpu.yield
      }) : () -> ()
      %add3A_15 = arith.constant 0 : i32
      %add3A_16 = arith.addi %mul3A_2, %add3A_15 : i32
      "tpu.region"() ({
        %run_scoped3A = tpu.sem_alloc : memref<!tpu.dma_semaphore, #tpu.memory_space<semaphore_mem>>
        %dma_start3A = arith.constant 0 : i32
        %dma_start3A_47 = tpu.memref_slice %arg11[%add3A_16, %dma_start3A] : memref<10240x128xf32, #tpu.memory_space<vmem_shared>> -> memref<40x128xf32, #tpu.memory_space<vmem_shared>>
        %dma_start3A_48 = arith.constant 0 : i32
        %dma_start3A_49 = tpu.memref_slice %arg11[%add3A_16, %dma_start3A_48] : memref<10240x128xf32, #tpu.memory_space<vmem_shared>> -> memref<40x128xf32, #tpu.memory_space<vmem_shared>>
        tpu.enqueue_dma source(%arg10 : memref<40x128xf32, #tpu.memory_space<vmem>>) target(%dma_start3A_49 : memref<40x128xf32, #tpu.memory_space<vmem_shared>>) target_semaphore(%run_scoped3A : memref<!tpu.dma_semaphore, #tpu.memory_space<semaphore_mem>>)
        %dma_wait3A = arith.constant 0 : i32
        %dma_wait3A_50 = tpu.memref_slice %arg11[%add3A_16, %dma_wait3A] : memref<10240x128xf32, #tpu.memory_space<vmem_shared>> -> memref<40x128xf32, #tpu.memory_space<vmem_shared>>
        %dma_wait3A_51 = arith.constant 0 : i32
        %dma_wait3A_52 = tpu.memref_slice %arg11[%add3A_16, %dma_wait3A_51] : memref<10240x128xf32, #tpu.memory_space<vmem_shared>> -> memref<40x128xf32, #tpu.memory_space<vmem_shared>>
        tpu.wait_dma2 semaphore(%run_scoped3A : memref<!tpu.dma_semaphore, #tpu.memory_space<semaphore_mem>>) src(%arg10 : memref<40x128xf32, #tpu.memory_space<vmem>>) dst(%dma_wait3A_52 : memref<40x128xf32, #tpu.memory_space<vmem_shared>>)
        tpu.yield
      }) : () -> ()
      %add3A_17 = arith.constant 40 : i32
      %add3A_18 = arith.addi %mul3A_2, %add3A_17 : i32
      "tpu.region"() ({
        %run_scoped3A = tpu.sem_alloc : memref<!tpu.dma_semaphore, #tpu.memory_space<semaphore_mem>>
        %dma_start3A = arith.constant 0 : i32
        %dma_start3A_47 = tpu.memref_slice %arg11[%add3A_18, %dma_start3A] : memref<10240x128xf32, #tpu.memory_space<vmem_shared>> -> memref<40x128xf32, #tpu.memory_space<vmem_shared>>
        %dma_start3A_48 = arith.constant 0 : i32
        %dma_start3A_49 = tpu.memref_slice %arg11[%add3A_18, %dma_start3A_48] : memref<10240x128xf32, #tpu.memory_space<vmem_shared>> -> memref<40x128xf32, #tpu.memory_space<vmem_shared>>
        tpu.enqueue_dma source(%arg10 : memref<40x128xf32, #tpu.memory_space<vmem>>) target(%dma_start3A_49 : memref<40x128xf32, #tpu.memory_space<vmem_shared>>) target_semaphore(%run_scoped3A : memref<!tpu.dma_semaphore, #tpu.memory_space<semaphore_mem>>)
        %dma_wait3A = arith.constant 0 : i32
        %dma_wait3A_50 = tpu.memref_slice %arg11[%add3A_18, %dma_wait3A] : memref<10240x128xf32, #tpu.memory_space<vmem_shared>> -> memref<40x128xf32, #tpu.memory_space<vmem_shared>>
        %dma_wait3A_51 = arith.constant 0 : i32
        %dma_wait3A_52 = tpu.memref_slice %arg11[%add3A_18, %dma_wait3A_51] : memref<10240x128xf32, #tpu.memory_space<vmem_shared>> -> memref<40x128xf32, #tpu.memory_space<vmem_shared>>
        tpu.wait_dma2 semaphore(%run_scoped3A : memref<!tpu.dma_semaphore, #tpu.memory_space<semaphore_mem>>) src(%arg10 : memref<40x128xf32, #tpu.memory_space<vmem>>) dst(%dma_wait3A_52 : memref<40x128xf32, #tpu.memory_space<vmem_shared>>)
        tpu.yield
      }) : () -> ()
      %add3A_19 = arith.constant 80 : i32
      %add3A_20 = arith.addi %mul3A_2, %add3A_19 : i32
      "tpu.region"() ({
        %run_scoped3A = tpu.sem_alloc : memref<!tpu.dma_semaphore, #tpu.memory_space<semaphore_mem>>
        %dma_start3A = arith.constant 0 : i32
        %dma_start3A_47 = tpu.memref_slice %arg11[%add3A_20, %dma_start3A] : memref<10240x128xf32, #tpu.memory_space<vmem_shared>> -> memref<40x128xf32, #tpu.memory_space<vmem_shared>>
        %dma_start3A_48 = arith.constant 0 : i32
        %dma_start3A_49 = tpu.memref_slice %arg11[%add3A_20, %dma_start3A_48] : memref<10240x128xf32, #tpu.memory_space<vmem_shared>> -> memref<40x128xf32, #tpu.memory_space<vmem_shared>>
        tpu.enqueue_dma source(%arg10 : memref<40x128xf32, #tpu.memory_space<vmem>>) target(%dma_start3A_49 : memref<40x128xf32, #tpu.memory_space<vmem_shared>>) target_semaphore(%run_scoped3A : memref<!tpu.dma_semaphore, #tpu.memory_space<semaphore_mem>>)
        %dma_wait3A = arith.constant 0 : i32
        %dma_wait3A_50 = tpu.memref_slice %arg11[%add3A_20, %dma_wait3A] : memref<10240x128xf32, #tpu.memory_space<vmem_shared>> -> memref<40x128xf32, #tpu.memory_space<vmem_shared>>
        %dma_wait3A_51 = arith.constant 0 : i32
        %dma_wait3A_52 = tpu.memref_slice %arg11[%add3A_20, %dma_wait3A_51] : memref<10240x128xf32, #tpu.memory_space<vmem_shared>> -> memref<40x128xf32, #tpu.memory_space<vmem_shared>>
        tpu.wait_dma2 semaphore(%run_scoped3A : memref<!tpu.dma_semaphore, #tpu.memory_space<semaphore_mem>>) src(%arg10 : memref<40x128xf32, #tpu.memory_space<vmem>>) dst(%dma_wait3A_52 : memref<40x128xf32, #tpu.memory_space<vmem_shared>>)
        tpu.yield
      }) : () -> ()
      %add3A_21 = arith.constant 120 : i32
      %add3A_22 = arith.addi %mul3A_2, %add3A_21 : i32
      "tpu.region"() ({
        %run_scoped3A = tpu.sem_alloc : memref<!tpu.dma_semaphore, #tpu.memory_space<semaphore_mem>>
        %dma_start3A = arith.constant 0 : i32
        %dma_start3A_47 = tpu.memref_slice %arg11[%add3A_22, %dma_start3A] : memref<10240x128xf32, #tpu.memory_space<vmem_shared>> -> memref<40x128xf32, #tpu.memory_space<vmem_shared>>
        %dma_start3A_48 = arith.constant 0 : i32
        %dma_start3A_49 = tpu.memref_slice %arg11[%add3A_22, %dma_start3A_48] : memref<10240x128xf32, #tpu.memory_space<vmem_shared>> -> memref<40x128xf32, #tpu.memory_space<vmem_shared>>
        tpu.enqueue_dma source(%arg10 : memref<40x128xf32, #tpu.memory_space<vmem>>) target(%dma_start3A_49 : memref<40x128xf32, #tpu.memory_space<vmem_shared>>) target_semaphore(%run_scoped3A : memref<!tpu.dma_semaphore, #tpu.memory_space<semaphore_mem>>)
        %dma_wait3A = arith.constant 0 : i32
        %dma_wait3A_50 = tpu.memref_slice %arg11[%add3A_22, %dma_wait3A] : memref<10240x128xf32, #tpu.memory_space<vmem_shared>> -> memref<40x128xf32, #tpu.memory_space<vmem_shared>>
        %dma_wait3A_51 = arith.constant 0 : i32
        %dma_wait3A_52 = tpu.memref_slice %arg11[%add3A_22, %dma_wait3A_51] : memref<10240x128xf32, #tpu.memory_space<vmem_shared>> -> memref<40x128xf32, #tpu.memory_space<vmem_shared>>
        tpu.wait_dma2 semaphore(%run_scoped3A : memref<!tpu.dma_semaphore, #tpu.memory_space<semaphore_mem>>) src(%arg10 : memref<40x128xf32, #tpu.memory_space<vmem>>) dst(%dma_wait3A_52 : memref<40x128xf32, #tpu.memory_space<vmem_shared>>)
        tpu.yield
      }) : () -> ()
      %add3A_23 = arith.constant 160 : i32
      %add3A_24 = arith.addi %mul3A_2, %add3A_23 : i32
      "tpu.region"() ({
        %run_scoped3A = tpu.sem_alloc : memref<!tpu.dma_semaphore, #tpu.memory_space<semaphore_mem>>
        %dma_start3A = arith.constant 0 : i32
        %dma_start3A_47 = tpu.memref_slice %arg11[%add3A_24, %dma_start3A] : memref<10240x128xf32, #tpu.memory_space<vmem_shared>> -> memref<40x128xf32, #tpu.memory_space<vmem_shared>>
        %dma_start3A_48 = arith.constant 0 : i32
        %dma_start3A_49 = tpu.memref_slice %arg11[%add3A_24, %dma_start3A_48] : memref<10240x128xf32, #tpu.memory_space<vmem_shared>> -> memref<40x128xf32, #tpu.memory_space<vmem_shared>>
        tpu.enqueue_dma source(%arg10 : memref<40x128xf32, #tpu.memory_space<vmem>>) target(%dma_start3A_49 : memref<40x128xf32, #tpu.memory_space<vmem_shared>>) target_semaphore(%run_scoped3A : memref<!tpu.dma_semaphore, #tpu.memory_space<semaphore_mem>>)
        %dma_wait3A = arith.constant 0 : i32
        %dma_wait3A_50 = tpu.memref_slice %arg11[%add3A_24, %dma_wait3A] : memref<10240x128xf32, #tpu.memory_space<vmem_shared>> -> memref<40x128xf32, #tpu.memory_space<vmem_shared>>
        %dma_wait3A_51 = arith.constant 0 : i32
        %dma_wait3A_52 = tpu.memref_slice %arg11[%add3A_24, %dma_wait3A_51] : memref<10240x128xf32, #tpu.memory_space<vmem_shared>> -> memref<40x128xf32, #tpu.memory_space<vmem_shared>>
        tpu.wait_dma2 semaphore(%run_scoped3A : memref<!tpu.dma_semaphore, #tpu.memory_space<semaphore_mem>>) src(%arg10 : memref<40x128xf32, #tpu.memory_space<vmem>>) dst(%dma_wait3A_52 : memref<40x128xf32, #tpu.memory_space<vmem_shared>>)
        tpu.yield
      }) : () -> ()
      %add3A_25 = arith.constant 200 : i32
      %add3A_26 = arith.addi %mul3A_2, %add3A_25 : i32
      "tpu.region"() ({
        %run_scoped3A = tpu.sem_alloc : memref<!tpu.dma_semaphore, #tpu.memory_space<semaphore_mem>>
        %dma_start3A = arith.constant 0 : i32
        %dma_start3A_47 = tpu.memref_slice %arg11[%add3A_26, %dma_start3A] : memref<10240x128xf32, #tpu.memory_space<vmem_shared>> -> memref<40x128xf32, #tpu.memory_space<vmem_shared>>
        %dma_start3A_48 = arith.constant 0 : i32
        %dma_start3A_49 = tpu.memref_slice %arg11[%add3A_26, %dma_start3A_48] : memref<10240x128xf32, #tpu.memory_space<vmem_shared>> -> memref<40x128xf32, #tpu.memory_space<vmem_shared>>
        tpu.enqueue_dma source(%arg10 : memref<40x128xf32, #tpu.memory_space<vmem>>) target(%dma_start3A_49 : memref<40x128xf32, #tpu.memory_space<vmem_shared>>) target_semaphore(%run_scoped3A : memref<!tpu.dma_semaphore, #tpu.memory_space<semaphore_mem>>)
        %dma_wait3A = arith.constant 0 : i32
        %dma_wait3A_50 = tpu.memref_slice %arg11[%add3A_26, %dma_wait3A] : memref<10240x128xf32, #tpu.memory_space<vmem_shared>> -> memref<40x128xf32, #tpu.memory_space<vmem_shared>>
        %dma_wait3A_51 = arith.constant 0 : i32
        %dma_wait3A_52 = tpu.memref_slice %arg11[%add3A_26, %dma_wait3A_51] : memref<10240x128xf32, #tpu.memory_space<vmem_shared>> -> memref<40x128xf32, #tpu.memory_space<vmem_shared>>
        tpu.wait_dma2 semaphore(%run_scoped3A : memref<!tpu.dma_semaphore, #tpu.memory_space<semaphore_mem>>) src(%arg10 : memref<40x128xf32, #tpu.memory_space<vmem>>) dst(%dma_wait3A_52 : memref<40x128xf32, #tpu.memory_space<vmem_shared>>)
        tpu.yield
      }) : () -> ()
      %add3A_27 = arith.constant 240 : i32
      %add3A_28 = arith.addi %mul3A_2, %add3A_27 : i32
      "tpu.region"() ({
        %run_scoped3A = tpu.sem_alloc : memref<!tpu.dma_semaphore, #tpu.memory_space<semaphore_mem>>
        %dma_start3A = arith.constant 0 : i32
        %dma_start3A_47 = tpu.memref_slice %arg11[%add3A_28, %dma_start3A] : memref<10240x128xf32, #tpu.memory_space<vmem_shared>> -> memref<40x128xf32, #tpu.memory_space<vmem_shared>>
        %dma_start3A_48 = arith.constant 0 : i32
        %dma_start3A_49 = tpu.memref_slice %arg11[%add3A_28, %dma_start3A_48] : memref<10240x128xf32, #tpu.memory_space<vmem_shared>> -> memref<40x128xf32, #tpu.memory_space<vmem_shared>>
        tpu.enqueue_dma source(%arg10 : memref<40x128xf32, #tpu.memory_space<vmem>>) target(%dma_start3A_49 : memref<40x128xf32, #tpu.memory_space<vmem_shared>>) target_semaphore(%run_scoped3A : memref<!tpu.dma_semaphore, #tpu.memory_space<semaphore_mem>>)
        %dma_wait3A = arith.constant 0 : i32
        %dma_wait3A_50 = tpu.memref_slice %arg11[%add3A_28, %dma_wait3A] : memref<10240x128xf32, #tpu.memory_space<vmem_shared>> -> memref<40x128xf32, #tpu.memory_space<vmem_shared>>
        %dma_wait3A_51 = arith.constant 0 : i32
        %dma_wait3A_52 = tpu.memref_slice %arg11[%add3A_28, %dma_wait3A_51] : memref<10240x128xf32, #tpu.memory_space<vmem_shared>> -> memref<40x128xf32, #tpu.memory_space<vmem_shared>>
        tpu.wait_dma2 semaphore(%run_scoped3A : memref<!tpu.dma_semaphore, #tpu.memory_space<semaphore_mem>>) src(%arg10 : memref<40x128xf32, #tpu.memory_space<vmem>>) dst(%dma_wait3A_52 : memref<40x128xf32, #tpu.memory_space<vmem_shared>>)
        tpu.yield
      }) : () -> ()
      %add3A_29 = arith.constant 280 : i32
      %add3A_30 = arith.addi %mul3A_2, %add3A_29 : i32
      "tpu.region"() ({
        %run_scoped3A = tpu.sem_alloc : memref<!tpu.dma_semaphore, #tpu.memory_space<semaphore_mem>>
        %dma_start3A = arith.constant 0 : i32
        %dma_start3A_47 = tpu.memref_slice %arg11[%add3A_30, %dma_start3A] : memref<10240x128xf32, #tpu.memory_space<vmem_shared>> -> memref<40x128xf32, #tpu.memory_space<vmem_shared>>
        %dma_start3A_48 = arith.constant 0 : i32
        %dma_start3A_49 = tpu.memref_slice %arg11[%add3A_30, %dma_start3A_48] : memref<10240x128xf32, #tpu.memory_space<vmem_shared>> -> memref<40x128xf32, #tpu.memory_space<vmem_shared>>
        tpu.enqueue_dma source(%arg10 : memref<40x128xf32, #tpu.memory_space<vmem>>) target(%dma_start3A_49 : memref<40x128xf32, #tpu.memory_space<vmem_shared>>) target_semaphore(%run_scoped3A : memref<!tpu.dma_semaphore, #tpu.memory_space<semaphore_mem>>)
        %dma_wait3A = arith.constant 0 : i32
        %dma_wait3A_50 = tpu.memref_slice %arg11[%add3A_30, %dma_wait3A] : memref<10240x128xf32, #tpu.memory_space<vmem_shared>> -> memref<40x128xf32, #tpu.memory_space<vmem_shared>>
        %dma_wait3A_51 = arith.constant 0 : i32
        %dma_wait3A_52 = tpu.memref_slice %arg11[%add3A_30, %dma_wait3A_51] : memref<10240x128xf32, #tpu.memory_space<vmem_shared>> -> memref<40x128xf32, #tpu.memory_space<vmem_shared>>
        tpu.wait_dma2 semaphore(%run_scoped3A : memref<!tpu.dma_semaphore, #tpu.memory_space<semaphore_mem>>) src(%arg10 : memref<40x128xf32, #tpu.memory_space<vmem>>) dst(%dma_wait3A_52 : memref<40x128xf32, #tpu.memory_space<vmem_shared>>)
        tpu.yield
      }) : () -> ()
      %add3A_31 = arith.constant 320 : i32
      %add3A_32 = arith.addi %mul3A_2, %add3A_31 : i32
      "tpu.region"() ({
        %run_scoped3A = tpu.sem_alloc : memref<!tpu.dma_semaphore, #tpu.memory_space<semaphore_mem>>
        %dma_start3A = arith.constant 0 : i32
        %dma_start3A_47 = tpu.memref_slice %arg11[%add3A_32, %dma_start3A] : memref<10240x128xf32, #tpu.memory_space<vmem_shared>> -> memref<40x128xf32, #tpu.memory_space<vmem_shared>>
        %dma_start3A_48 = arith.constant 0 : i32
        %dma_start3A_49 = tpu.memref_slice %arg11[%add3A_32, %dma_start3A_48] : memref<10240x128xf32, #tpu.memory_space<vmem_shared>> -> memref<40x128xf32, #tpu.memory_space<vmem_shared>>
        tpu.enqueue_dma source(%arg10 : memref<40x128xf32, #tpu.memory_space<vmem>>) target(%dma_start3A_49 : memref<40x128xf32, #tpu.memory_space<vmem_shared>>) target_semaphore(%run_scoped3A : memref<!tpu.dma_semaphore, #tpu.memory_space<semaphore_mem>>)
        %dma_wait3A = arith.constant 0 : i32
        %dma_wait3A_50 = tpu.memref_slice %arg11[%add3A_32, %dma_wait3A] : memref<10240x128xf32, #tpu.memory_space<vmem_shared>> -> memref<40x128xf32, #tpu.memory_space<vmem_shared>>
        %dma_wait3A_51 = arith.constant 0 : i32
        %dma_wait3A_52 = tpu.memref_slice %arg11[%add3A_32, %dma_wait3A_51] : memref<10240x128xf32, #tpu.memory_space<vmem_shared>> -> memref<40x128xf32, #tpu.memory_space<vmem_shared>>
        tpu.wait_dma2 semaphore(%run_scoped3A : memref<!tpu.dma_semaphore, #tpu.memory_space<semaphore_mem>>) src(%arg10 : memref<40x128xf32, #tpu.memory_space<vmem>>) dst(%dma_wait3A_52 : memref<40x128xf32, #tpu.memory_space<vmem_shared>>)
        tpu.yield
      }) : () -> ()
      %add3A_33 = arith.constant 360 : i32
      %add3A_34 = arith.addi %mul3A_2, %add3A_33 : i32
      "tpu.region"() ({
        %run_scoped3A = tpu.sem_alloc : memref<!tpu.dma_semaphore, #tpu.memory_space<semaphore_mem>>
        %dma_start3A = arith.constant 0 : i32
        %dma_start3A_47 = tpu.memref_slice %arg11[%add3A_34, %dma_start3A] : memref<10240x128xf32, #tpu.memory_space<vmem_shared>> -> memref<40x128xf32, #tpu.memory_space<vmem_shared>>
        %dma_start3A_48 = arith.constant 0 : i32
        %dma_start3A_49 = tpu.memref_slice %arg11[%add3A_34, %dma_start3A_48] : memref<10240x128xf32, #tpu.memory_space<vmem_shared>> -> memref<40x128xf32, #tpu.memory_space<vmem_shared>>
        tpu.enqueue_dma source(%arg10 : memref<40x128xf32, #tpu.memory_space<vmem>>) target(%dma_start3A_49 : memref<40x128xf32, #tpu.memory_space<vmem_shared>>) target_semaphore(%run_scoped3A : memref<!tpu.dma_semaphore, #tpu.memory_space<semaphore_mem>>)
        %dma_wait3A = arith.constant 0 : i32
        %dma_wait3A_50 = tpu.memref_slice %arg11[%add3A_34, %dma_wait3A] : memref<10240x128xf32, #tpu.memory_space<vmem_shared>> -> memref<40x128xf32, #tpu.memory_space<vmem_shared>>
        %dma_wait3A_51 = arith.constant 0 : i32
        %dma_wait3A_52 = tpu.memref_slice %arg11[%add3A_34, %dma_wait3A_51] : memref<10240x128xf32, #tpu.memory_space<vmem_shared>> -> memref<40x128xf32, #tpu.memory_space<vmem_shared>>
        tpu.wait_dma2 semaphore(%run_scoped3A : memref<!tpu.dma_semaphore, #tpu.memory_space<semaphore_mem>>) src(%arg10 : memref<40x128xf32, #tpu.memory_space<vmem>>) dst(%dma_wait3A_52 : memref<40x128xf32, #tpu.memory_space<vmem_shared>>)
        tpu.yield
      }) : () -> ()
      %add3A_35 = arith.constant 400 : i32
      %add3A_36 = arith.addi %mul3A_2, %add3A_35 : i32
      "tpu.region"() ({
        %run_scoped3A = tpu.sem_alloc : memref<!tpu.dma_semaphore, #tpu.memory_space<semaphore_mem>>
        %dma_start3A = arith.constant 0 : i32
        %dma_start3A_47 = tpu.memref_slice %arg11[%add3A_36, %dma_start3A] : memref<10240x128xf32, #tpu.memory_space<vmem_shared>> -> memref<40x128xf32, #tpu.memory_space<vmem_shared>>
        %dma_start3A_48 = arith.constant 0 : i32
        %dma_start3A_49 = tpu.memref_slice %arg11[%add3A_36, %dma_start3A_48] : memref<10240x128xf32, #tpu.memory_space<vmem_shared>> -> memref<40x128xf32, #tpu.memory_space<vmem_shared>>
        tpu.enqueue_dma source(%arg10 : memref<40x128xf32, #tpu.memory_space<vmem>>) target(%dma_start3A_49 : memref<40x128xf32, #tpu.memory_space<vmem_shared>>) target_semaphore(%run_scoped3A : memref<!tpu.dma_semaphore, #tpu.memory_space<semaphore_mem>>)
        %dma_wait3A = arith.constant 0 : i32
        %dma_wait3A_50 = tpu.memref_slice %arg11[%add3A_36, %dma_wait3A] : memref<10240x128xf32, #tpu.memory_space<vmem_shared>> -> memref<40x128xf32, #tpu.memory_space<vmem_shared>>
        %dma_wait3A_51 = arith.constant 0 : i32
        %dma_wait3A_52 = tpu.memref_slice %arg11[%add3A_36, %dma_wait3A_51] : memref<10240x128xf32, #tpu.memory_space<vmem_shared>> -> memref<40x128xf32, #tpu.memory_space<vmem_shared>>
        tpu.wait_dma2 semaphore(%run_scoped3A : memref<!tpu.dma_semaphore, #tpu.memory_space<semaphore_mem>>) src(%arg10 : memref<40x128xf32, #tpu.memory_space<vmem>>) dst(%dma_wait3A_52 : memref<40x128xf32, #tpu.memory_space<vmem_shared>>)
        tpu.yield
      }) : () -> ()
      %add3A_37 = arith.constant 440 : i32
      %add3A_38 = arith.addi %mul3A_2, %add3A_37 : i32
      "tpu.region"() ({
        %run_scoped3A = tpu.sem_alloc : memref<!tpu.dma_semaphore, #tpu.memory_space<semaphore_mem>>
        %dma_start3A = arith.constant 0 : i32
        %dma_start3A_47 = tpu.memref_slice %arg11[%add3A_38, %dma_start3A] : memref<10240x128xf32, #tpu.memory_space<vmem_shared>> -> memref<40x128xf32, #tpu.memory_space<vmem_shared>>
        %dma_start3A_48 = arith.constant 0 : i32
        %dma_start3A_49 = tpu.memref_slice %arg11[%add3A_38, %dma_start3A_48] : memref<10240x128xf32, #tpu.memory_space<vmem_shared>> -> memref<40x128xf32, #tpu.memory_space<vmem_shared>>
        tpu.enqueue_dma source(%arg10 : memref<40x128xf32, #tpu.memory_space<vmem>>) target(%dma_start3A_49 : memref<40x128xf32, #tpu.memory_space<vmem_shared>>) target_semaphore(%run_scoped3A : memref<!tpu.dma_semaphore, #tpu.memory_space<semaphore_mem>>)
        %dma_wait3A = arith.constant 0 : i32
        %dma_wait3A_50 = tpu.memref_slice %arg11[%add3A_38, %dma_wait3A] : memref<10240x128xf32, #tpu.memory_space<vmem_shared>> -> memref<40x128xf32, #tpu.memory_space<vmem_shared>>
        %dma_wait3A_51 = arith.constant 0 : i32
        %dma_wait3A_52 = tpu.memref_slice %arg11[%add3A_38, %dma_wait3A_51] : memref<10240x128xf32, #tpu.memory_space<vmem_shared>> -> memref<40x128xf32, #tpu.memory_space<vmem_shared>>
        tpu.wait_dma2 semaphore(%run_scoped3A : memref<!tpu.dma_semaphore, #tpu.memory_space<semaphore_mem>>) src(%arg10 : memref<40x128xf32, #tpu.memory_space<vmem>>) dst(%dma_wait3A_52 : memref<40x128xf32, #tpu.memory_space<vmem_shared>>)
        tpu.yield
      }) : () -> ()
      %add3A_39 = arith.constant 480 : i32
      %add3A_40 = arith.addi %mul3A_2, %add3A_39 : i32
      "tpu.region"() ({
        %run_scoped3A = tpu.sem_alloc : memref<!tpu.dma_semaphore, #tpu.memory_space<semaphore_mem>>
        %dma_start3A = arith.constant 0 : i32
        %dma_start3A_47 = tpu.memref_slice %arg11[%add3A_40, %dma_start3A] : memref<10240x128xf32, #tpu.memory_space<vmem_shared>> -> memref<40x128xf32, #tpu.memory_space<vmem_shared>>
        %dma_start3A_48 = arith.constant 0 : i32
        %dma_start3A_49 = tpu.memref_slice %arg11[%add3A_40, %dma_start3A_48] : memref<10240x128xf32, #tpu.memory_space<vmem_shared>> -> memref<40x128xf32, #tpu.memory_space<vmem_shared>>
        tpu.enqueue_dma source(%arg10 : memref<40x128xf32, #tpu.memory_space<vmem>>) target(%dma_start3A_49 : memref<40x128xf32, #tpu.memory_space<vmem_shared>>) target_semaphore(%run_scoped3A : memref<!tpu.dma_semaphore, #tpu.memory_space<semaphore_mem>>)
        %dma_wait3A = arith.constant 0 : i32
        %dma_wait3A_50 = tpu.memref_slice %arg11[%add3A_40, %dma_wait3A] : memref<10240x128xf32, #tpu.memory_space<vmem_shared>> -> memref<40x128xf32, #tpu.memory_space<vmem_shared>>
        %dma_wait3A_51 = arith.constant 0 : i32
        %dma_wait3A_52 = tpu.memref_slice %arg11[%add3A_40, %dma_wait3A_51] : memref<10240x128xf32, #tpu.memory_space<vmem_shared>> -> memref<40x128xf32, #tpu.memory_space<vmem_shared>>
        tpu.wait_dma2 semaphore(%run_scoped3A : memref<!tpu.dma_semaphore, #tpu.memory_space<semaphore_mem>>) src(%arg10 : memref<40x128xf32, #tpu.memory_space<vmem>>) dst(%dma_wait3A_52 : memref<40x128xf32, #tpu.memory_space<vmem_shared>>)
        tpu.yield
      }) : () -> ()
      %add3A_41 = arith.constant 520 : i32
      %add3A_42 = arith.addi %mul3A_2, %add3A_41 : i32
      "tpu.region"() ({
        %run_scoped3A = tpu.sem_alloc : memref<!tpu.dma_semaphore, #tpu.memory_space<semaphore_mem>>
        %dma_start3A = arith.constant 0 : i32
        %dma_start3A_47 = tpu.memref_slice %arg11[%add3A_42, %dma_start3A] : memref<10240x128xf32, #tpu.memory_space<vmem_shared>> -> memref<40x128xf32, #tpu.memory_space<vmem_shared>>
        %dma_start3A_48 = arith.constant 0 : i32
        %dma_start3A_49 = tpu.memref_slice %arg11[%add3A_42, %dma_start3A_48] : memref<10240x128xf32, #tpu.memory_space<vmem_shared>> -> memref<40x128xf32, #tpu.memory_space<vmem_shared>>
        tpu.enqueue_dma source(%arg10 : memref<40x128xf32, #tpu.memory_space<vmem>>) target(%dma_start3A_49 : memref<40x128xf32, #tpu.memory_space<vmem_shared>>) target_semaphore(%run_scoped3A : memref<!tpu.dma_semaphore, #tpu.memory_space<semaphore_mem>>)
        %dma_wait3A = arith.constant 0 : i32
        %dma_wait3A_50 = tpu.memref_slice %arg11[%add3A_42, %dma_wait3A] : memref<10240x128xf32, #tpu.memory_space<vmem_shared>> -> memref<40x128xf32, #tpu.memory_space<vmem_shared>>
        %dma_wait3A_51 = arith.constant 0 : i32
        %dma_wait3A_52 = tpu.memref_slice %arg11[%add3A_42, %dma_wait3A_51] : memref<10240x128xf32, #tpu.memory_space<vmem_shared>> -> memref<40x128xf32, #tpu.memory_space<vmem_shared>>
        tpu.wait_dma2 semaphore(%run_scoped3A : memref<!tpu.dma_semaphore, #tpu.memory_space<semaphore_mem>>) src(%arg10 : memref<40x128xf32, #tpu.memory_space<vmem>>) dst(%dma_wait3A_52 : memref<40x128xf32, #tpu.memory_space<vmem_shared>>)
        tpu.yield
      }) : () -> ()
      %add3A_43 = arith.constant 560 : i32
      %add3A_44 = arith.addi %mul3A_2, %add3A_43 : i32
      "tpu.region"() ({
        %run_scoped3A = tpu.sem_alloc : memref<!tpu.dma_semaphore, #tpu.memory_space<semaphore_mem>>
        %dma_start3A = arith.constant 0 : i32
        %dma_start3A_47 = tpu.memref_slice %arg11[%add3A_44, %dma_start3A] : memref<10240x128xf32, #tpu.memory_space<vmem_shared>> -> memref<40x128xf32, #tpu.memory_space<vmem_shared>>
        %dma_start3A_48 = arith.constant 0 : i32
        %dma_start3A_49 = tpu.memref_slice %arg11[%add3A_44, %dma_start3A_48] : memref<10240x128xf32, #tpu.memory_space<vmem_shared>> -> memref<40x128xf32, #tpu.memory_space<vmem_shared>>
        tpu.enqueue_dma source(%arg10 : memref<40x128xf32, #tpu.memory_space<vmem>>) target(%dma_start3A_49 : memref<40x128xf32, #tpu.memory_space<vmem_shared>>) target_semaphore(%run_scoped3A : memref<!tpu.dma_semaphore, #tpu.memory_space<semaphore_mem>>)
        %dma_wait3A = arith.constant 0 : i32
        %dma_wait3A_50 = tpu.memref_slice %arg11[%add3A_44, %dma_wait3A] : memref<10240x128xf32, #tpu.memory_space<vmem_shared>> -> memref<40x128xf32, #tpu.memory_space<vmem_shared>>
        %dma_wait3A_51 = arith.constant 0 : i32
        %dma_wait3A_52 = tpu.memref_slice %arg11[%add3A_44, %dma_wait3A_51] : memref<10240x128xf32, #tpu.memory_space<vmem_shared>> -> memref<40x128xf32, #tpu.memory_space<vmem_shared>>
        tpu.wait_dma2 semaphore(%run_scoped3A : memref<!tpu.dma_semaphore, #tpu.memory_space<semaphore_mem>>) src(%arg10 : memref<40x128xf32, #tpu.memory_space<vmem>>) dst(%dma_wait3A_52 : memref<40x128xf32, #tpu.memory_space<vmem_shared>>)
        tpu.yield
      }) : () -> ()
      %add3A_45 = arith.constant 600 : i32
      %add3A_46 = arith.addi %mul3A_2, %add3A_45 : i32
      "tpu.region"() ({
        %run_scoped3A = tpu.sem_alloc : memref<!tpu.dma_semaphore, #tpu.memory_space<semaphore_mem>>
        %dma_start3A = arith.constant 0 : i32
        %dma_start3A_47 = tpu.memref_slice %arg11[%add3A_46, %dma_start3A] : memref<10240x128xf32, #tpu.memory_space<vmem_shared>> -> memref<40x128xf32, #tpu.memory_space<vmem_shared>>
        %dma_start3A_48 = arith.constant 0 : i32
        %dma_start3A_49 = tpu.memref_slice %arg11[%add3A_46, %dma_start3A_48] : memref<10240x128xf32, #tpu.memory_space<vmem_shared>> -> memref<40x128xf32, #tpu.memory_space<vmem_shared>>
        tpu.enqueue_dma source(%arg10 : memref<40x128xf32, #tpu.memory_space<vmem>>) target(%dma_start3A_49 : memref<40x128xf32, #tpu.memory_space<vmem_shared>>) target_semaphore(%run_scoped3A : memref<!tpu.dma_semaphore, #tpu.memory_space<semaphore_mem>>)
        %dma_wait3A = arith.constant 0 : i32
        %dma_wait3A_50 = tpu.memref_slice %arg11[%add3A_46, %dma_wait3A] : memref<10240x128xf32, #tpu.memory_space<vmem_shared>> -> memref<40x128xf32, #tpu.memory_space<vmem_shared>>
        %dma_wait3A_51 = arith.constant 0 : i32
        %dma_wait3A_52 = tpu.memref_slice %arg11[%add3A_46, %dma_wait3A_51] : memref<10240x128xf32, #tpu.memory_space<vmem_shared>> -> memref<40x128xf32, #tpu.memory_space<vmem_shared>>
        tpu.wait_dma2 semaphore(%run_scoped3A : memref<!tpu.dma_semaphore, #tpu.memory_space<semaphore_mem>>) src(%arg10 : memref<40x128xf32, #tpu.memory_space<vmem>>) dst(%dma_wait3A_52 : memref<40x128xf32, #tpu.memory_space<vmem_shared>>)
        tpu.yield
      }) : () -> ()
    } else {
    }
    %barrier3A = arith.constant 0 : index
    tpu.barrier barrier_id(%barrier3A)
    %scan3A = arith.constant 0 : i32
    %scan3A_9 = arith.constant 0 : i32
    %scan3A_10 = arith.constant 80 : i32
    %scan3A_11 = arith.addi %scan3A_9, %scan3A_10 : i32
    %scan3A_12 = arith.constant 1 : i32
    scf.for %scan3A_15 = %scan3A_9 to %scan3A_11 step %scan3A_12  : i32 {
      %dma_start3A = arith.constant 0 : i32
      %dma_start3A_16 = tpu.memref_slice %arg7[%scan3A_15, %dma_start3A] : memref<80x128xi32, #tpu.memory_space<vmem>> -> memref<1x128xi32, #tpu.memory_space<vmem>>
      %dma_start3A_17 = tpu.memref_squeeze %dma_start3A_16 : memref<1x128xi32, #tpu.memory_space<vmem>> -> memref<128xi32, #tpu.memory_space<vmem>>
      %dma_start3A_18 = arith.constant 0 : i32
      %dma_start3A_19 = arith.constant 0 : i32
      %dma_start3A_20 = tpu.memref_slice %arg2[%dma_start3A_18, %dma_start3A_19] : memref<10240x128xf32, #tpu.memory_space<hbm>> -> memref<10240x128xf32, #tpu.memory_space<hbm>>
      tpu.enqueue_indirect_dma source(%dma_start3A_20 : memref<10240x128xf32, #tpu.memory_space<hbm>>) target(%arg9 : memref<128x128xf32, #tpu.memory_space<vmem>>) offsets(%dma_start3A_17 : memref<128xi32, #tpu.memory_space<vmem>>) semaphore(%arg12 : memref<!tpu.dma_semaphore, #tpu.memory_space<semaphore_mem>>)
      %dma_wait3A = arith.constant 0 : i32
      %dma_wait3A_21 = tpu.memref_slice %arg7[%scan3A_15, %dma_wait3A] : memref<80x128xi32, #tpu.memory_space<vmem>> -> memref<1x128xi32, #tpu.memory_space<vmem>>
      %dma_wait3A_22 = tpu.memref_squeeze %dma_wait3A_21 : memref<1x128xi32, #tpu.memory_space<vmem>> -> memref<128xi32, #tpu.memory_space<vmem>>
      %dma_wait3A_23 = arith.constant 0 : i32
      %dma_wait3A_24 = arith.constant 0 : i32
      %dma_wait3A_25 = tpu.memref_slice %arg2[%dma_wait3A_23, %dma_wait3A_24] : memref<10240x128xf32, #tpu.memory_space<hbm>> -> memref<10240x128xf32, #tpu.memory_space<hbm>>
      tpu.wait_indirect_dma semaphore(%arg12 : memref<!tpu.dma_semaphore, #tpu.memory_space<semaphore_mem>>) src(%dma_wait3A_25 : memref<10240x128xf32, #tpu.memory_space<hbm>>) dst(%arg9 : memref<128x128xf32, #tpu.memory_space<vmem>>)
      "tpu.region"() ({
        %run_scoped3A = tpu.sem_alloc : memref<!tpu.dma_semaphore, #tpu.memory_space<semaphore_mem>>
        %dma_start3A_26 = arith.constant 0 : i32
        %dma_start3A_27 = tpu.memref_slice %arg8[%scan3A_15, %dma_start3A_26] : memref<80x128xi32, #tpu.memory_space<vmem>> -> memref<1x128xi32, #tpu.memory_space<vmem>>
        %dma_start3A_28 = tpu.memref_squeeze %dma_start3A_27 : memref<1x128xi32, #tpu.memory_space<vmem>> -> memref<128xi32, #tpu.memory_space<vmem>>
        %dma_start3A_29 = arith.constant 0 : i32
        %dma_start3A_30 = arith.constant 0 : i32
        %dma_start3A_31 = tpu.memref_slice %arg11[%dma_start3A_29, %dma_start3A_30] : memref<10240x128xf32, #tpu.memory_space<vmem_shared>> -> memref<10240x128xf32, #tpu.memory_space<vmem_shared>>
        tpu.enqueue_indirect_dma source(%arg9 : memref<128x128xf32, #tpu.memory_space<vmem>>) target(%dma_start3A_31 : memref<10240x128xf32, #tpu.memory_space<vmem_shared>>) offsets(%dma_start3A_28 : memref<128xi32, #tpu.memory_space<vmem>>) semaphore(%run_scoped3A : memref<!tpu.dma_semaphore, #tpu.memory_space<semaphore_mem>>) {add = true}
        %dma_wait3A_32 = arith.constant 0 : i32
        %dma_wait3A_33 = tpu.memref_slice %arg8[%scan3A_15, %dma_wait3A_32] : memref<80x128xi32, #tpu.memory_space<vmem>> -> memref<1x128xi32, #tpu.memory_space<vmem>>
        %dma_wait3A_34 = tpu.memref_squeeze %dma_wait3A_33 : memref<1x128xi32, #tpu.memory_space<vmem>> -> memref<128xi32, #tpu.memory_space<vmem>>
        %dma_wait3A_35 = arith.constant 0 : i32
        %dma_wait3A_36 = arith.constant 0 : i32
        %dma_wait3A_37 = tpu.memref_slice %arg11[%dma_wait3A_35, %dma_wait3A_36] : memref<10240x128xf32, #tpu.memory_space<vmem_shared>> -> memref<10240x128xf32, #tpu.memory_space<vmem_shared>>
        tpu.wait_indirect_dma semaphore(%run_scoped3A : memref<!tpu.dma_semaphore, #tpu.memory_space<semaphore_mem>>) src(%arg9 : memref<128x128xf32, #tpu.memory_space<vmem>>) dst(%dma_wait3A_37 : memref<10240x128xf32, #tpu.memory_space<vmem_shared>>)
        tpu.yield
      }) : () -> ()
    }
    %scan3A_13 = arith.constant 80 : i32
    %barrier3A_14 = arith.constant 0 : index
    tpu.barrier barrier_id(%barrier3A_14)
    "tpu.region"() ({
      %run_scoped3A = tpu.sem_alloc : memref<!tpu.dma_semaphore, #tpu.memory_space<semaphore_mem>>
      %dma_start3A = arith.constant 0 : i32
      %dma_start3A_15 = tpu.memref_slice %arg6[%arg0, %mul3A_2, %dma_start3A] : memref<2x10240x128xf32, #tpu.memory_space<hbm>> -> memref<1x640x128xf32, #tpu.memory_space<hbm>>
      %dma_start3A_16 = tpu.memref_squeeze %dma_start3A_15 : memref<1x640x128xf32, #tpu.memory_space<hbm>> -> memref<640x128xf32, #tpu.memory_space<hbm>>
      %dma_start3A_17 = arith.constant 0 : i32
      %dma_start3A_18 = tpu.memref_slice %arg11[%mul3A_2, %dma_start3A_17] : memref<10240x128xf32, #tpu.memory_space<vmem_shared>> -> memref<640x128xf32, #tpu.memory_space<vmem_shared>>
      tpu.enqueue_dma source(%dma_start3A_18 : memref<640x128xf32, #tpu.memory_space<vmem_shared>>) target(%dma_start3A_16 : memref<640x128xf32, #tpu.memory_space<hbm>>) target_semaphore(%run_scoped3A : memref<!tpu.dma_semaphore, #tpu.memory_space<semaphore_mem>>)
      %dma_wait3A = arith.constant 0 : i32
      %dma_wait3A_19 = tpu.memref_slice %arg6[%arg0, %mul3A_2, %dma_wait3A] : memref<2x10240x128xf32, #tpu.memory_space<hbm>> -> memref<1x640x128xf32, #tpu.memory_space<hbm>>
      %dma_wait3A_20 = tpu.memref_squeeze %dma_wait3A_19 : memref<1x640x128xf32, #tpu.memory_space<hbm>> -> memref<640x128xf32, #tpu.memory_space<hbm>>
      %dma_wait3A_21 = arith.constant 0 : i32
      %dma_wait3A_22 = tpu.memref_slice %arg11[%mul3A_2, %dma_wait3A_21] : memref<10240x128xf32, #tpu.memory_space<vmem_shared>> -> memref<640x128xf32, #tpu.memory_space<vmem_shared>>
      tpu.wait_dma2 semaphore(%run_scoped3A : memref<!tpu.dma_semaphore, #tpu.memory_space<semaphore_mem>>) src(%dma_wait3A_22 : memref<640x128xf32, #tpu.memory_space<vmem_shared>>) dst(%dma_wait3A_20 : memref<640x128xf32, #tpu.memory_space<hbm>>)
      tpu.yield
    }) : () -> ()
    return
  }
}

module attributes {stable_mosaic.version = 14 : i64} {
  func.func @_embed_body(%arg0: memref<10000x64xi32, #tpu.memory_space<vmem>>, %arg1: memref<64x128xf32, #tpu.memory_space<vmem>>, %arg2: memref<1x128xf32, #tpu.memory_space<vmem>>, %arg3: memref<128x128xf32, #tpu.memory_space<vmem>>, %arg4: memref<10000x128xf32, #tpu.memory_space<vmem>>) attributes {dimension_semantics = [], scalar_prefetch = 0 : i64, scratch_operands = 0 : i64, tpu.core_type = #tpu.core_type<tc>} {
    %get3A = arith.constant 0 : index
    %get3A_0 = arith.constant 0 : index
    %get3A_1 = vector.load %arg0[%get3A, %get3A_0] : memref<10000x64xi32, #tpu.memory_space<vmem>>, vector<10000x64xi32>
    %convert_element_type3A = arith.sitofp %get3A_1 : vector<10000x64xi32> to vector<10000x64xf32>
    %get3A_2 = arith.constant 0 : index
    %get3A_3 = arith.constant 0 : index
    %get3A_4 = vector.load %arg1[%get3A_2, %get3A_3] : memref<64x128xf32, #tpu.memory_space<vmem>>, vector<64x128xf32>
    %dot_general3A = arith.constant dense<0.000000e+00> : vector<10000x128xf32>
    %dot_general3A_5 = tpu.matmul %convert_element_type3A, %get3A_4, %dot_general3A {dimension_numbers = #tpu.dot_dimension_numbers<[1], [0], [0], [1], [0, 0, 1, 1], [], []>, transpose_lhs_hint = false} : vector<10000x64xf32>, vector<64x128xf32>, vector<10000x128xf32> -> vector<10000x128xf32>
    %get3A_6 = arith.constant 0 : index
    %get3A_7 = arith.constant 0 : index
    %get3A_8 = vector.load %arg2[%get3A_6, %get3A_7] : memref<1x128xf32, #tpu.memory_space<vmem>>, vector<1x128xf32>
    %add3A = vector.broadcast %get3A_8 : vector<1x128xf32> to vector<10000x128xf32>
    %add3A_9 = arith.addf %dot_general3A_5, %add3A : vector<10000x128xf32>
    %get3A_10 = arith.constant 0 : index
    %get3A_11 = arith.constant 0 : index
    %get3A_12 = vector.load %arg3[%get3A_10, %get3A_11] : memref<128x128xf32, #tpu.memory_space<vmem>>, vector<128x128xf32>
    %dot_general3A_13 = arith.constant dense<0.000000e+00> : vector<10000x128xf32>
    %dot_general3A_14 = tpu.matmul %add3A_9, %get3A_12, %dot_general3A_13 {dimension_numbers = #tpu.dot_dimension_numbers<[1], [0], [0], [1], [0, 0, 1, 1], [], []>, transpose_lhs_hint = false} : vector<10000x128xf32>, vector<128x128xf32>, vector<10000x128xf32> -> vector<10000x128xf32>
    %swap3A = arith.constant 0 : index
    %swap3A_15 = arith.constant 0 : index
    %swap3A_16 = vector.load %arg4[%swap3A, %swap3A_15] : memref<10000x128xf32, #tpu.memory_space<vmem>>, vector<10000x128xf32>
    tpu.vector_store %arg4[%swap3A, %swap3A_15], %dot_general3A_14 {strides = array<i32>} : memref<10000x128xf32, #tpu.memory_space<vmem>>, vector<10000x128xf32>,
    return
  }
}

module attributes {stable_mosaic.version = 14 : i64} {
  func.func @_scale_body(%arg0: memref<10000x128xf32, #tpu.memory_space<vmem>>, %arg1: memref<2x10240x128xf32, #tpu.memory_space<vmem>>, %arg2: memref<10240x128xf32, #tpu.memory_space<vmem>>, %arg3: memref<10000x1xf32, #tpu.memory_space<vmem>>) attributes {dimension_semantics = [], scalar_prefetch = 0 : i64, scratch_operands = 0 : i64, tpu.core_type = #tpu.core_type<tc>} {
    %get3A = arith.constant 0 : index
    %get3A_0 = arith.constant 0 : index
    %get3A_1 = arith.constant 0 : index
    %get3A_2 = vector.load %arg1[%get3A, %get3A_0, %get3A_1] : memref<2x10240x128xf32, #tpu.memory_space<vmem>>, vector<1x10000x1xf32>
    %get3A_3 = vector.shape_cast %get3A_2 : vector<1x10000x1xf32> to vector<10000x1xf32>
    %get3A_4 = arith.constant 1 : index
    %get3A_5 = arith.constant 0 : index
    %get3A_6 = arith.constant 0 : index
    %get3A_7 = vector.load %arg1[%get3A_4, %get3A_5, %get3A_6] : memref<2x10240x128xf32, #tpu.memory_space<vmem>>, vector<1x10000x1xf32>
    %get3A_8 = vector.shape_cast %get3A_7 : vector<1x10000x1xf32> to vector<10000x1xf32>
    %add3A = arith.addf %get3A_3, %get3A_8 : vector<10000x1xf32>
    %add3A_9 = arith.constant 1.000000e+00 : f32
    %add3A_10 = vector.broadcast %add3A_9 : f32 to vector<10000x1xf32>
    %add3A_11 = arith.addf %add3A, %add3A_10 : vector<10000x1xf32>
    %rsqrt3A = math.rsqrt %add3A_11 : vector<10000x1xf32>
    %swap3A = arith.constant 0 : index
    %swap3A_12 = arith.constant 0 : index
    %swap3A_13 = vector.load %arg3[%swap3A, %swap3A_12] : memref<10000x1xf32, #tpu.memory_space<vmem>>, vector<10000x1xf32>
    tpu.vector_store %arg3[%swap3A, %swap3A_12], %rsqrt3A {strides = array<i32>} : memref<10000x1xf32, #tpu.memory_space<vmem>>, vector<10000x1xf32>,
    %get3A_14 = arith.constant 0 : index
    %get3A_15 = arith.constant 0 : index
    %get3A_16 = vector.load %arg0[%get3A_14, %get3A_15] : memref<10000x128xf32, #tpu.memory_space<vmem>>, vector<10000x128xf32>
    %mul3A = vector.broadcast %rsqrt3A : vector<10000x1xf32> to vector<10000x128xf32>
    %mul3A_17 = arith.mulf %get3A_16, %mul3A : vector<10000x128xf32>
    %swap3A_18 = arith.constant 0 : index
    %swap3A_19 = arith.constant 0 : index
    %swap3A_20 = vector.load %arg2[%swap3A_18, %swap3A_19] : memref<10240x128xf32, #tpu.memory_space<vmem>>, vector<10000x128xf32>
    tpu.vector_store %arg2[%swap3A_18, %swap3A_19], %mul3A_17 {strides = array<i32>} : memref<10240x128xf32, #tpu.memory_space<vmem>>, vector<10000x128xf32>,
    %broadcast_in_dim3A = arith.constant 0.000000e+00 : f32
    %broadcast_in_dim3A_21 = vector.broadcast %broadcast_in_dim3A : f32 to vector<240x128xf32>
    %swap3A_22 = arith.constant 10000 : index
    %swap3A_23 = arith.constant 0 : index
    %swap3A_24 = vector.load %arg2[%swap3A_22, %swap3A_23] : memref<10240x128xf32, #tpu.memory_space<vmem>>, vector<240x128xf32>
    tpu.vector_store %arg2[%swap3A_22, %swap3A_23], %broadcast_in_dim3A_21 {strides = array<i32>} : memref<10240x128xf32, #tpu.memory_space<vmem>>, vector<240x128xf32>,
    return
  }
}

module attributes {stable_mosaic.version = 14 : i64} {
  func.func @_mid_body(%arg0: memref<2x10240x128xf32, #tpu.memory_space<vmem>>, %arg1: memref<10000x1xf32, #tpu.memory_space<vmem>>, %arg2: memref<1x128xf32, #tpu.memory_space<vmem>>, %arg3: memref<1x128xf32, #tpu.memory_space<vmem>>, %arg4: memref<1x128xf32, #tpu.memory_space<vmem>>, %arg5: memref<128x128xf32, #tpu.memory_space<vmem>>, %arg6: memref<10240x128xf32, #tpu.memory_space<vmem>>) attributes {dimension_semantics = [], scalar_prefetch = 0 : i64, scratch_operands = 0 : i64, tpu.core_type = #tpu.core_type<tc>} {
    %get3A = arith.constant 0 : index
    %get3A_0 = arith.constant 0 : index
    %get3A_1 = vector.load %arg1[%get3A, %get3A_0] : memref<10000x1xf32, #tpu.memory_space<vmem>>, vector<10000x1xf32>
    %get3A_2 = arith.constant 0 : index
    %get3A_3 = arith.constant 0 : index
    %get3A_4 = arith.constant 0 : index
    %get3A_5 = vector.load %arg0[%get3A_2, %get3A_3, %get3A_4] : memref<2x10240x128xf32, #tpu.memory_space<vmem>>, vector<1x10000x128xf32>
    %get3A_6 = vector.shape_cast %get3A_5 : vector<1x10000x128xf32> to vector<10000x128xf32>
    %get3A_7 = arith.constant 1 : index
    %get3A_8 = arith.constant 0 : index
    %get3A_9 = arith.constant 0 : index
    %get3A_10 = vector.load %arg0[%get3A_7, %get3A_8, %get3A_9] : memref<2x10240x128xf32, #tpu.memory_space<vmem>>, vector<1x10000x128xf32>
    %get3A_11 = vector.shape_cast %get3A_10 : vector<1x10000x128xf32> to vector<10000x128xf32>
    %add3A = arith.addf %get3A_6, %get3A_11 : vector<10000x128xf32>
    %mul3A = vector.broadcast %get3A_1 : vector<10000x1xf32> to vector<10000x128xf32>
    %mul3A_12 = arith.mulf %add3A, %mul3A : vector<10000x128xf32>
    %get3A_13 = arith.constant 0 : index
    %get3A_14 = arith.constant 0 : index
    %get3A_15 = vector.load %arg2[%get3A_13, %get3A_14] : memref<1x128xf32, #tpu.memory_space<vmem>>, vector<1x128xf32>
    %add3A_16 = vector.broadcast %get3A_15 : vector<1x128xf32> to vector<10000x128xf32>
    %add3A_17 = arith.addf %mul3A_12, %add3A_16 : vector<10000x128xf32>
    %reduce_sum3A = arith.constant dense<0.000000e+00> : vector<128xf32>
    %reduce_sum3A_18 = vector.multi_reduction <add>, %add3A_17, %reduce_sum3A [0] : vector<10000x128xf32> to vector<128xf32>
    %broadcast_in_dim3A = vector.shape_cast %reduce_sum3A_18 : vector<128xf32> to vector<1x128xf32>
    %div3A = arith.constant 1.000000e+04 : f32
    %div3A_19 = vector.broadcast %div3A : f32 to vector<1x128xf32>
    %div3A_20 = arith.divf %broadcast_in_dim3A, %div3A_19 : vector<1x128xf32>
    %sub3A = vector.broadcast %div3A_20 : vector<1x128xf32> to vector<10000x128xf32>
    %sub3A_21 = arith.subf %add3A_17, %sub3A : vector<10000x128xf32>
    %integer_pow3A = arith.mulf %sub3A_21, %sub3A_21 : vector<10000x128xf32>
    %reduce_sum3A_22 = arith.constant dense<0.000000e+00> : vector<128xf32>
    %reduce_sum3A_23 = vector.multi_reduction <add>, %integer_pow3A, %reduce_sum3A_22 [0] : vector<10000x128xf32> to vector<128xf32>
    %broadcast_in_dim3A_24 = vector.shape_cast %reduce_sum3A_23 : vector<128xf32> to vector<1x128xf32>
    %div3A_25 = arith.constant 1.000000e+04 : f32
    %div3A_26 = vector.broadcast %div3A_25 : f32 to vector<1x128xf32>
    %div3A_27 = arith.divf %broadcast_in_dim3A_24, %div3A_26 : vector<1x128xf32>
    %get3A_28 = arith.constant 0 : index
    %get3A_29 = arith.constant 0 : index
    %get3A_30 = vector.load %arg3[%get3A_28, %get3A_29] : memref<1x128xf32, #tpu.memory_space<vmem>>, vector<1x128xf32>
    %sub3A_31 = vector.broadcast %div3A_20 : vector<1x128xf32> to vector<10000x128xf32>
    %sub3A_32 = arith.subf %add3A_17, %sub3A_31 : vector<10000x128xf32>
    %mul3A_33 = vector.broadcast %get3A_30 : vector<1x128xf32> to vector<10000x128xf32>
    %mul3A_34 = arith.mulf %mul3A_33, %sub3A_32 : vector<10000x128xf32>
    %add3A_35 = arith.constant 9.99999974E-6 : f32
    %add3A_36 = vector.broadcast %add3A_35 : f32 to vector<1x128xf32>
    %add3A_37 = arith.addf %div3A_27, %add3A_36 : vector<1x128xf32>
    %sqrt3A = math.sqrt %add3A_37 : vector<1x128xf32>
    %div3A_38 = vector.broadcast %sqrt3A : vector<1x128xf32> to vector<10000x128xf32>
    %div3A_39 = arith.divf %mul3A_34, %div3A_38 : vector<10000x128xf32>
    %get3A_40 = arith.constant 0 : index
    %get3A_41 = arith.constant 0 : index
    %get3A_42 = vector.load %arg4[%get3A_40, %get3A_41] : memref<1x128xf32, #tpu.memory_space<vmem>>, vector<1x128xf32>
    %add3A_43 = vector.broadcast %get3A_42 : vector<1x128xf32> to vector<10000x128xf32>
    %add3A_44 = arith.addf %div3A_39, %add3A_43 : vector<10000x128xf32>
    %max3A = arith.constant 0.000000e+00 : f32
    %max3A_45 = vector.broadcast %max3A : f32 to vector<10000x128xf32>
    %max3A_46 = arith.maximumf %add3A_44, %max3A_45 : vector<10000x128xf32>
    %get3A_47 = arith.constant 0 : index
    %get3A_48 = arith.constant 0 : index
    %get3A_49 = vector.load %arg5[%get3A_47, %get3A_48] : memref<128x128xf32, #tpu.memory_space<vmem>>, vector<128x128xf32>
    %dot_general3A = arith.constant dense<0.000000e+00> : vector<10000x128xf32>
    %dot_general3A_50 = tpu.matmul %max3A_46, %get3A_49, %dot_general3A {dimension_numbers = #tpu.dot_dimension_numbers<[1], [0], [0], [1], [0, 0, 1, 1], [], []>, transpose_lhs_hint = false} : vector<10000x128xf32>, vector<128x128xf32>, vector<10000x128xf32> -> vector<10000x128xf32>
    %mul3A_51 = vector.broadcast %get3A_1 : vector<10000x1xf32> to vector<10000x128xf32>
    %mul3A_52 = arith.mulf %dot_general3A_50, %mul3A_51 : vector<10000x128xf32>
    %swap3A = arith.constant 0 : index
    %swap3A_53 = arith.constant 0 : index
    %swap3A_54 = vector.load %arg6[%swap3A, %swap3A_53] : memref<10240x128xf32, #tpu.memory_space<vmem>>, vector<10000x128xf32>
    tpu.vector_store %arg6[%swap3A, %swap3A_53], %mul3A_52 {strides = array<i32>} : memref<10240x128xf32, #tpu.memory_space<vmem>>, vector<10000x128xf32>,
    %broadcast_in_dim3A_55 = arith.constant 0.000000e+00 : f32
    %broadcast_in_dim3A_56 = vector.broadcast %broadcast_in_dim3A_55 : f32 to vector<240x128xf32>
    %swap3A_57 = arith.constant 10000 : index
    %swap3A_58 = arith.constant 0 : index
    %swap3A_59 = vector.load %arg6[%swap3A_57, %swap3A_58] : memref<10240x128xf32, #tpu.memory_space<vmem>>, vector<240x128xf32>
    tpu.vector_store %arg6[%swap3A_57, %swap3A_58], %broadcast_in_dim3A_56 {strides = array<i32>} : memref<10240x128xf32, #tpu.memory_space<vmem>>, vector<240x128xf32>,
    return
  }
}

module attributes {stable_mosaic.version = 14 : i64} {
  func.func @_final_body(%arg0: memref<2x10240x128xf32, #tpu.memory_space<vmem>>, %arg1: memref<10000x1xf32, #tpu.memory_space<vmem>>, %arg2: memref<1x128xf32, #tpu.memory_space<vmem>>, %arg3: memref<1x10000xi32, #tpu.memory_space<vmem>>, %arg4: memref<128x1xf32, #tpu.memory_space<vmem>>, %arg5: memref<1x1xf32, #tpu.memory_space<vmem>>, %arg6: memref<128x1xf32, #tpu.memory_space<vmem>>) attributes {dimension_semantics = [], scalar_prefetch = 0 : i64, scratch_operands = 0 : i64, tpu.core_type = #tpu.core_type<tc>} {
    %get3A = arith.constant 0 : index
    %get3A_0 = arith.constant 0 : index
    %get3A_1 = arith.constant 0 : index
    %get3A_2 = vector.load %arg0[%get3A, %get3A_0, %get3A_1] : memref<2x10240x128xf32, #tpu.memory_space<vmem>>, vector<1x10000x128xf32>
    %get3A_3 = vector.shape_cast %get3A_2 : vector<1x10000x128xf32> to vector<10000x128xf32>
    %get3A_4 = arith.constant 1 : index
    %get3A_5 = arith.constant 0 : index
    %get3A_6 = arith.constant 0 : index
    %get3A_7 = vector.load %arg0[%get3A_4, %get3A_5, %get3A_6] : memref<2x10240x128xf32, #tpu.memory_space<vmem>>, vector<1x10000x128xf32>
    %get3A_8 = vector.shape_cast %get3A_7 : vector<1x10000x128xf32> to vector<10000x128xf32>
    %add3A = arith.addf %get3A_3, %get3A_8 : vector<10000x128xf32>
    %get3A_9 = arith.constant 0 : index
    %get3A_10 = arith.constant 0 : index
    %get3A_11 = vector.load %arg1[%get3A_9, %get3A_10] : memref<10000x1xf32, #tpu.memory_space<vmem>>, vector<10000x1xf32>
    %mul3A = vector.broadcast %get3A_11 : vector<10000x1xf32> to vector<10000x128xf32>
    %mul3A_12 = arith.mulf %add3A, %mul3A : vector<10000x128xf32>
    %get3A_13 = arith.constant 0 : index
    %get3A_14 = arith.constant 0 : index
    %get3A_15 = vector.load %arg2[%get3A_13, %get3A_14] : memref<1x128xf32, #tpu.memory_space<vmem>>, vector<1x128xf32>
    %add3A_16 = vector.broadcast %get3A_15 : vector<1x128xf32> to vector<10000x128xf32>
    %add3A_17 = arith.addf %mul3A_12, %add3A_16 : vector<10000x128xf32>
    %iota3A = tpu.iota {dimensions = array<i32: 0>} : vector<128x10000xi32>
    %get3A_18 = arith.constant 0 : index
    %get3A_19 = arith.constant 0 : index
    %get3A_20 = vector.load %arg3[%get3A_18, %get3A_19] : memref<1x10000xi32, #tpu.memory_space<vmem>>, vector<1x10000xi32>
    %eq3A = vector.broadcast %get3A_20 : vector<1x10000xi32> to vector<128x10000xi32>
    %eq3A_21 = arith.cmpi eq, %iota3A, %eq3A : vector<128x10000xi32>
    %convert_element_type3A = arith.extui %eq3A_21 : vector<128x10000xi1> to vector<128x10000xi32>
    %convert_element_type3A_22 = arith.sitofp %convert_element_type3A : vector<128x10000xi32> to vector<128x10000xf32>
    %dot_general3A = arith.constant dense<0.000000e+00> : vector<128x128xf32>
    %dot_general3A_23 = tpu.matmul %convert_element_type3A_22, %add3A_17, %dot_general3A {dimension_numbers = #tpu.dot_dimension_numbers<[1], [0], [0], [1], [0, 0, 1, 1], [], []>, transpose_lhs_hint = false} : vector<128x10000xf32>, vector<10000x128xf32>, vector<128x128xf32> -> vector<128x128xf32>
    %reduce_sum3A = arith.constant dense<0.000000e+00> : vector<128xf32>
    %reduce_sum3A_24 = vector.multi_reduction <add>, %convert_element_type3A_22, %reduce_sum3A [1] : vector<128x10000xf32> to vector<128xf32>
    %broadcast_in_dim3A = vector.shape_cast %reduce_sum3A_24 : vector<128xf32> to vector<128x1xf32>
    %max3A = arith.constant 1.000000e+00 : f32
    %max3A_25 = vector.broadcast %max3A : f32 to vector<128x1xf32>
    %max3A_26 = arith.maximumf %broadcast_in_dim3A, %max3A_25 : vector<128x1xf32>
    %div3A = vector.broadcast %max3A_26 : vector<128x1xf32> to vector<128x128xf32>
    %div3A_27 = arith.divf %dot_general3A_23, %div3A : vector<128x128xf32>
    %get3A_28 = arith.constant 0 : index
    %get3A_29 = arith.constant 0 : index
    %get3A_30 = vector.load %arg4[%get3A_28, %get3A_29] : memref<128x1xf32, #tpu.memory_space<vmem>>, vector<128x1xf32>
    %dot_general3A_31 = arith.constant dense<0.000000e+00> : vector<128x1xf32>
    %dot_general3A_32 = tpu.matmul %div3A_27, %get3A_30, %dot_general3A_31 {dimension_numbers = #tpu.dot_dimension_numbers<[1], [0], [0], [1], [0, 0, 1, 1], [], []>, transpose_lhs_hint = false} : vector<128x128xf32>, vector<128x1xf32>, vector<128x1xf32> -> vector<128x1xf32>
    %get3A_33 = arith.constant 0 : index
    %get3A_34 = arith.constant 0 : index
    %get3A_35 = vector.load %arg5[%get3A_33, %get3A_34] : memref<1x1xf32, #tpu.memory_space<vmem>>, vector<1x1xf32>
    %add3A_36 = vector.broadcast %get3A_35 : vector<1x1xf32> to vector<128x1xf32>
    %add3A_37 = arith.addf %dot_general3A_32, %add3A_36 : vector<128x1xf32>
    %swap3A = arith.constant 0 : index
    %swap3A_38 = arith.constant 0 : index
    %swap3A_39 = vector.load %arg6[%swap3A, %swap3A_38] : memref<128x1xf32, #tpu.memory_space<vmem>>, vector<128x1xf32>
    tpu.vector_store %arg6[%swap3A, %swap3A_38], %add3A_37 {strides = array<i32>} : memref<128x1xf32, #tpu.memory_space<vmem>>, vector<128x1xf32>,
    return
  }
}

</mosaic_0001>

<sc_bundles>
// kernel: kernel.11.cloned.1.call-start
scs
__scs_entry_jumppad:
0x0: {  	(pc) =	sbr.rel $0x88, $3  }
0x1: {  	(tag) =	ssettag $0x0;
	lr =	simm.s32 $0x1  }
0x2: {  	[smem:$0x3F91] =	sst lr;
	_ =	strace $0xD0000000  }
0x3: {  	_ = 	snop  }
0x4: {  	_ = 	snop  }
0x5: {  	_ = 	snop  }
0x6: {  	_ = 	snop  }
0x7: {  	_ = 	snop  }
__scs_overlays_trampoline_lowered:
0x8: {  	[smem:$0x3FA0] =	sst s0  }
0x9: {  	[smem:$0x3FA1] =	sst s1  }
0xa: {  	[smem:$0x3FA2] =	sst s2  }
0xb: {  	[smem:$0x3FA3] =	sst s3  }
0xc: {  	[smem:$0x3FA4] =	sst s4  }
0xd: {  	[smem:$0x3FA5] =	sst s5  }
0xe: {  	[smem:$0x3FA6] =	sst s6  }
0xf: {  	[smem:$0x3FA7] =	sst s7  }
0x10: {  	[smem:$0x3FA8] =	sst s8  }
0x11: {  	[smem:$0x3FA9] =	sst s9;
	s0 =	simm.s32 @!p0 $0x0  }
0x12: {  	s1 =	sld [smem:$0x3F8F];
	s0 =	simm.s32 @p0 $0x1  }
0x13: {  	[smem:$0x3FAA] =	sst s0;
	s0 =	simm.s32 @!p1 $0x0  }
0x14: {  	s2 =	sld [smem:$0x3F8E];
	s0 =	simm.s32 @p1 $0x1  }
0x15: {  	[smem:$0x3FAB] =	sst s0;
	s0 =	simm.s32 @!p2 $0x0  }
0x16: {  	s3 =	sld [smem:$0x3FDB];
	s0 =	simm.s32 @p2 $0x1  }
0x17: {  	s4 =	simm.s32 $0x1BF5;
	[smem:$0x3FAD] =	sst s0  }
0x18: {  	s0 =	sld [smem:$0x3F90];
	_ =	swait.ge [sflag:s4], $0x0  }
0x19: {  	s7 =	sld [smem:$0x3F91]  }
0x1a: {  	s8 =	sadd.s32 $0xFFFFE003, lr  }
0x1b: {  	s9 =	sadd.s32 $0xFFFFFEF7, lr;
	s5 =	simm.s32 $0xFFFFFFFF;
	p2 =	slt.u32 s8, $0xFFFFF086  }
0x1c: {  	p1 =	slt.u32 s9, $0xF7A;
	s5 =	simm.s32 @!p2 $0x0  }
0x1d: {  	s5 =	simm.s32 @p1 $0x1;
	p0 =	seq.s32 s7, s2  }
0x1e: {  	s7 =	smul.u32 @!p0 $0xF7A, s2;
	p2 =	seq.s32 @!p0 s5, $0x0  }
0x1f: {  	s9 =	smul.u32 $0xF7A, s1;
	s8 =	simm.s32 @!p0 $0x1BF5;
	p2 =	por !p2, p0  }
0x20: {  	[sflag:s8] =	ssyncset.s32 @!p0 $0xFFFFF086;
	s6 =	sadd.s32 @!p0 s3, s7;
	s7 =	simm.s32 @!p0 $0x108  }
0x21: {  	s3 =	sadd.s32 s3, s9;
	s6 =	sadd.s32 @!p0 $0x88, s6;
	s7 =	simm.s32 @p2 $0x1082  }
0x22: {  	[simem:s7], [sflag:s8] =	dma.local @!p0 [hbm:s6], $0xF7A  }
0x23: {  	s9 =	sor.u32 $0xD0000000, s2;
	s6 =	simm.s32 $0x108;
	_ =	swait.ge @!p0 [sflag:s8], $0x0  }
0x24: {  	s3 =	sadd.s32 $0x88, s3;
	s6 =	simm.s32 @!p1 $0x1082;
	[sflag:s4] =	ssyncset.s32 $0xFFFFF086  }
0x25: {  	[simem:s6], [sflag:s4] =	dma.local [hbm:s3], $0xF7A  }
0x26: {  	[smem:$0x3F91] =	sst s1;
	(tag) =	ssettag s2;
	_ =	strace s9  }
0x27: {  	s1 =	sld [smem:$0x3FA1]  }
0x28: {  	s2 =	sld [smem:$0x3FA2]  }
0x29: {  	s4 =	sld [smem:$0x3FA4]  }
0x2a: {  	p0 =	seq.s32 s5, $0x0;
	s5 =	sld [smem:$0x3FA5]  }
0x2b: {  	s6 =	sld [smem:$0x3FA6]  }
0x2c: {  	s7 =	sld [smem:$0x3FA7]  }
0x2d: {  	s3 =	simm.s32 $0x108;
	s8 =	sld [smem:$0x3FA8]  }
0x2e: {  	s3 =	simm.s32 @!p0 $0x1082;
	s9 =	sld [smem:$0x3FA9]  }
0x2f: {  	lr =	sadd.s32 s0, s3;
	s0 =	sld [smem:$0x3FA0]  }
0x30: {  	s3 =	sld [smem:$0x3FA3]  }
0x31: {  	[smem:$0x3FAC] =	sst s10  }
0x32: {  	s10 =	sld [smem:$0x3FAA];
	_ =	sdelay $0x3  }
0x33: {  	p0 =	seq.s32 s10, $0x1;
	s10 =	sld [smem:$0x3FAC];
	_ =	sdelay $0x3  }
0x34: {  	[smem:$0x3FAC] =	sst s10  }
0x35: {  	s10 =	sld [smem:$0x3FAB];
	_ =	sdelay $0x3  }
0x36: {  	p1 =	seq.s32 s10, $0x1;
	s10 =	sld [smem:$0x3FAC];
	_ =	sdelay $0x3  }
0x37: {  	[smem:$0x3FAC] =	sst s10  }
0x38: {  	s10 =	sld [smem:$0x3FAD]  }
0x39: {  	_ = 	snop;
	(pc) =	sbr.ind lr, $3  }
0x3a: {  	_ = 	snop  }
0x3b: {  	_ = 	snop  }
0x3c: {  	p2 =	seq.s32 s10, $0x1;
	s10 =	sld [smem:$0x3FAC]  }
0x3d: {  	_ =	shalt  }
0x3e: {  	_ =	shalt  }
0x3f: {  	_ =	shalt  }
0x40: {  	_ =	shalt  }
0x41: {  	_ =	shalt  }
0x42: {  	_ =	shalt  }
0x43: {  	_ =	shalt  }
0x44: {  	_ =	shalt  }
0x45: {  	_ =	shalt  }
0x46: {  	_ =	shalt  }
0x47: {  	_ =	shalt  }
0x48: {  	_ =	shalt  }
0x49: {  	_ =	shalt  }
0x4a: {  	_ =	shalt  }
0x4b: {  	_ =	shalt  }
0x4c: {  	_ =	shalt  }
0x4d: {  	_ =	shalt  }
0x4e: {  	_ =	shalt  }
0x4f: {  	_ =	shalt  }
0x50: {  	_ =	shalt  }
0x51: {  	_ =	shalt  }
0x52: {  	_ =	shalt  }
0x53: {  	_ =	shalt  }
0x54: {  	_ =	shalt  }
0x55: {  	_ =	shalt  }
0x56: {  	_ =	shalt  }
0x57: {  	_ =	shalt  }
0x58: {  	_ =	shalt  }
0x59: {  	_ =	shalt  }
0x5a: {  	_ =	shalt  }
0x5b: {  	_ =	shalt  }
0x5c: {  	_ =	shalt  }
0x5d: {  	_ =	shalt  }
0x5e: {  	_ =	shalt  }
0x5f: {  	_ =	shalt  }
0x60: {  	_ =	shalt  }
0x61: {  	_ =	shalt  }
0x62: {  	_ =	shalt  }
0x63: {  	_ =	shalt  }
0x64: {  	_ =	shalt  }
0x65: {  	_ =	shalt  }
0x66: {  	_ =	shalt  }
0x67: {  	_ =	shalt  }
0x68: {  	_ =	shalt  }
0x69: {  	_ =	shalt  }
0x6a: {  	_ =	shalt  }
0x6b: {  	_ =	shalt  }
0x6c: {  	_ =	shalt  }
0x6d: {  	_ =	shalt  }
0x6e: {  	_ =	shalt  }
0x6f: {  	_ =	shalt  }
0x70: {  	_ =	shalt  }
0x71: {  	_ =	shalt  }
0x72: {  	_ =	shalt  }
0x73: {  	_ =	shalt  }
0x74: {  	_ =	shalt  }
0x75: {  	_ =	shalt  }
0x76: {  	_ =	shalt  }
0x77: {  	_ =	shalt  }
0x78: {  	_ =	shalt  }
0x79: {  	_ =	shalt  }
0x7a: {  	_ =	shalt  }
0x7b: {  	_ =	shalt  }
0x7c: {  	_ =	shalt  }
0x7d: {  	_ =	shalt  }
0x7e: {  	_ =	shalt  }
0x7f: {  	_ =	shalt  }
0x80: {  	_ =	shalt  }
0x81: {  	_ =	shalt  }
0x82: {  	_ =	shalt  }
0x83: {  	_ =	shalt  }
0x84: {  	_ =	shalt  }
0x85: {  	_ =	shalt  }
0x86: {  	_ =	shalt  }
0x87: {  	_ =	shalt  }
.Lfunc_end0:
.L_simem_size_0:
called_computation_lowered:
.L_overlay_start_0:
0x88: {  	s2 =	sld [smem:$0x3FD9]  }
0x89: {  	s3 =	sld [smem:$0x3FFE];
	_ =	sdelay $0x1  }
0x8a: {  	s1 =	srdreg.scid  }
0x8b: {  	s0 =	sand.u32 $0x1, s1  }
0x8c: {  	s16 =	sshll.u32 s0, $0xA;
	s2 =	sadd.s32 s3, s2  }
0x8d: {  	s2 =	sadd.s32 s2, s16  }
0x8e: {  	[smem:$0x3FB8] =	sst s2  }
0x8f: {  	_ = 	snop  }
0x90: {  	(tm) =	ssettm $0x1  }
0x91: {  	s17 =	sld [smem:$0x3FFB];
	_ =	sdelay $0x3  }
0x92: {  	_ =	strace s17  }
0x93: {  	s2 =	sld [smem:$0x3FFC];
	_ =	sdelay $0x3  }
0x94: {  	_ =	strace s2  }
0x95: {  	s2 =	sld [smem:$0x3FFD];
	_ =	sdelay $0x3  }
0x96: {  	_ =	strace s2  }
0x97: {  	_ =	strace $0x8FFFFFFF  }
0x98: {  	s18 =	sld [smem:$0x3FDB];
	_ =	sdelay $0x1  }
0x99: {  	s19 =	simm.s32 $_scs_section_size  }
0x9a: {  	s4 =	simm.s32 $_size__tile_overlayer_lowered;
	s5 =	simm.s32 $_tile_overlayer_lowered  }
0x9b: {  	s22 =	simm.s32 $0x1BFF;
	s21 =	sshll.u32 s5, $0x1;
	s2 =	sadd.s32 s19, s18  }
0x9c: {  	s6 =	simm.s32 $0x0;
	s20 =	sshll.u32 s4, $0x1;
	s4 =	sadd.s32 s21, s2  }
0x9d: {  	[timem:s6], [sflag:s22] =	dma.local [hbm:s4], s20  }
0x9e: {  	_ =	swait.ge [sflag:s22], s20  }
0x9f: {  	s3 =	ssub.s32 $0x0, s20;
	[sflag:s22] =	ssyncset.done $0x0  }
0xa0: {  	[sflag:s22] =	ssyncadd.s32 s3;
	_ =	sdelay $0x1  }
0xa1: {  	s23 =	simm.s32 $0x1B8B  }
0xa2: {  	_ =	swait.ge [sflag:s23], $0x1  }
0xa3: {  	[sflag:s23] =	ssyncset.done $0x0  }
0xa4: {  	s25 =	simm.s32 $0x1B8E;
	s24 =	sld [smem:$0x3FFE];
	[sflag:s23] =	ssyncadd.s32 $0xFFFFFFFF  }
0xa5: {  	s26 =	simm.s32 $execute0_lowered;
	[smem:$0x3FD2] =	sst s25  }
0xa6: {  	s4 =	sshll.u32 s26, $0x1;
	_ =	strace $0x80000046;
	[dreg:$0x1] =	wrdreg $0xFFFFFFFF  }
0xa7: {  	s28 =	simm.s32 $_size_execute0_lowered;
	s2 =	sadd.s32 s2, s4;
	[dreg:$0x0] =	wrdreg $0x0  }
0xa8: {  	s4 =	sshll.u32 s28, $0x1;
	[dreg:$0x2] =	wrdreg s2  }
0xa9: {  	[dreg:$0x3] =	wrdreg s4  }
0xaa: {  	[dreg:$0x4] =	wrdreg $0xC0  }
0xab: {  	_ =	task [dreg:s6], $0x5FFFF  }
0xac: {  	[dreg:$0x1] =	wrdreg $0xFFFFFFFF  }
0xad: {  	[dreg:$0x0] =	wrdreg $0x60  }
0xae: {  	[dreg:$0x2] =	wrdreg s24  }
0xaf: {  	[dreg:$0x3] =	wrdreg $0x68000  }
0xb0: {  	[dreg:$0x4] =	wrdreg $0x9  }
0xb1: {  	_ =	task.clear_ibuf [dreg:s6], $0x5FFFF;
	_ =	strace $0x90000046  }
0xb2: {  	s29 =	simm.s32 $0x9;
	_ =	strace $0x80000048  }
0xb3: {  	_ =	swait.ge [sflag:s29], $0x1  }
0xb4: {  	[sflag:s29] =	ssyncadd.s32 $0xFFFFFFFF  }
0xb5: {  	_ =	strace $0x90000048  }
0xb6: {  	_ =	sfence  }
0xb7: {  	s30 =	sld [smem:$0x0];
	_ =	sdelay $0x2  }
0xb8: {  	s31 =	sshll.u32 s1, $0xD;
	s1 =	sshrl.u32 s1, $0x2  }
0xb9: {  	s3 =	sand.u32 $0x4000, s31;
	s1 =	sadd.s32 s1, s30  }
0xba: {  	s0 =	sor.u32 s3, s0;
	s1 =	sshll.u32 s1, $0x11  }
0xbb: {  	s0 =	sor.u32 s1, s0  }
0xbc: {  	s0 =	sadd.s32 $0x8F2B, s0  }
0xbd: {  	[sflag:s0] =	ssyncadd.remote.s32 $0x1  }
0xbe: {  	_ =	sfence.sel $0xFFFF  }
0xbf: {  	[dreg:$0x0] =	wrdreg $0xFFFFFFFF;
	(pc) =	sbr.abs _section_cstart, $3  }
0xc0: {  	[dreg:$0x1] =	wrdreg $0xFFFFFFFF  }
0xc1: {  	_ =	task.clear_ibuf [dreg:s6], $0x2FFFF;
	_ =	strace $0x9FFFFFFF  }
0xc2: {  	(tm) =	ssettm $0x7FFFFFFF  }
0xc3: {  	_ =	shalt  }
tec
execute0_lowered:
.L_overlay_start_1:
0x0: {  	(tag) =	ssettag $0x1  }
0x1: {  	s0 =	srdreg.scid;
	s6 =	rddreg [dreg:$0x0]  }
0x2: {  	s31 =	stileid.u32;
	s2 =	rddreg [dreg:$0x1]  }
0x3: {  	s28 =	simm.s32 $0x2800;
	s29 =	simm.s32 $0x80;
	s8 =	smul.u32 $0x14000, s31  }
0x4: {  	s30 =	simm.s32 $0x0;
	s1 =	sand.u32 $0x1, s0;
	s10 =	smul.u32 $0x50000, s31  }
0x5: {  	s5 =	sadd.s32 $0xCE00, s6;
	s3 =	sshll.u32 s1, $0x4;
	s7 =	smul.u32 $0x140000, s1  }
0x6: {  	s1 =	ssub.s32 $0x2, s1;
	s4 =	sor.u32 s31, s3;
	s3 =	simm.s32 $0x0  }
0x7: {  	s26 =	sshrl.u32 s1, $0x1;
	s10 =	sshrl.u32 s10, $0x2;
	s31 =	sshll.u32 s31, $0x6  }
0x8: {  	s4 =	smul.u32 $0x500, s4;
	[smem:$0x7FF] =	sst s3;
	s7 =	sadd.s32 s8, s7  }
0x9: {  	s1 =	ssub.s32 s1, s26;
	_ =	strace $0x80000047;
	s7 =	sshrl.u32 s7, $0x3  }
0xa: {  	s9 =	sadd.s32 s4, s6;
	s4 =	sadd.s32 $0xCA00, s6;
	s11 =	sadd.s32 s7, s6  }
0xb: {  	s6 =	sadd.s32 s10, s2;
	s10 =	sor.u32 $0x1C01, s31;
	s7 =	sadd.s32 $0x2A00, s9  }
0xc: {  	s12 =	sadd.s32 $0x1400, s6;
	s13 =	sadd.s32 $0x2800, s6;
	s14 =	sadd.s32 $0x3C00, s6  }
0xd: {  	s15 =	sadd.s32 $0x5000, s6;
	s16 =	sadd.s32 $0x6400, s6;
	s17 =	sadd.s32 $0x7800, s6  }
0xe: {  	s18 =	sadd.s32 $0x8C00, s6;
	s19 =	sadd.s32 $0xA000, s6;
	s20 =	sadd.s32 $0xB400, s6  }
0xf: {  	s21 =	sadd.s32 $0xC800, s6;
	s22 =	sadd.s32 $0xDC00, s6;
	s23 =	sadd.s32 $0xF000, s6  }
0x10: {  	s24 =	sadd.s32 $0x10400, s6;
	s25 =	sadd.s32 $0x11800, s6;
	s26 =	sadd.s32 $0x12C00, s6  }
0x11: {  	s8 =	sadd.s32 $0xD600, s11;
	s9 =	smax.u32 s1, $0x1;
	s11 =	sshrl.u32 s12, $0x3  }
0x12: {  	s12 =	sshrl.u32 s13, $0x3;
	s13 =	sshrl.u32 s14, $0x3;
	s14 =	sshrl.u32 s15, $0x3  }
0x13: {  	s15 =	sshrl.u32 s16, $0x3;
	s16 =	sshrl.u32 s17, $0x3;
	s17 =	sshrl.u32 s18, $0x3  }
0x14: {  	s18 =	sshrl.u32 s19, $0x3;
	s19 =	sshrl.u32 s20, $0x3;
	s20 =	sshrl.u32 s21, $0x3  }
0x15: {  	s21 =	sshrl.u32 s22, $0x3;
	s22 =	sshrl.u32 s23, $0x3;
	s23 =	sshrl.u32 s24, $0x3  }
0x16: {  	s24 =	sshrl.u32 s25, $0x3;
	s25 =	sshrl.u32 s26, $0x3;
	s26 =	simm.s32 $0x1  }
.LBB2_1:
0x17: {  	[tilespmem:s3], [sflag:$0x1] =	stream.linear.gather [hbm4b:s7+s3], $0x2800, $0x38;
	[tilespmem:$0x1A800] =	vst v63  }
0x18: {  	_ =	swait.ge [sflag:s26], $0x2800  }
0x19: {  	[sflag:s26] =	ssyncset.done $0x0  }
0x1a: {  	[sflag:s26] =	ssyncadd.s32 $0xFFFFD800  }
0x1b: {  	[tilespmem:s28], [sflag:$0x1] =	stream.linear.gather [hbm4b:s5+s3], $0x4000, $0x38;
	[tilespmem:$0x1A800] =	vst v63  }
0x1c: {  	_ =	swait.ge [sflag:s26], $0x4000  }
0x1d: {  	[sflag:s26] =	ssyncset.done $0x0  }
0x1e: {  	s31 =	sshrl.u32 s6, $0x3;
	[sflag:s26] =	ssyncadd.s32 $0xFFFFC000  }
0x1f: {  	[spmem:s31], [sflag:s10] =	dma.local [hbm:s4], $0x280  }
0x20: {  	_ =	swait.ge [sflag:s26], $0x280  }
0x21: {  	[sflag:s26] =	ssyncset.done $0x0  }
0x22: {  	[sflag:s26] =	ssyncadd.s32 $0xFFFFFD80  }
0x23: {  	[spmem:s11], [sflag:s10] =	dma.local [hbm:s4], $0x280  }
0x24: {  	_ =	swait.ge [sflag:s26], $0x280  }
0x25: {  	[sflag:s26] =	ssyncset.done $0x0  }
0x26: {  	[sflag:s26] =	ssyncadd.s32 $0xFFFFFD80  }
0x27: {  	[spmem:s12], [sflag:s10] =	dma.local [hbm:s4], $0x280  }
0x28: {  	_ =	swait.ge [sflag:s26], $0x280  }
0x29: {  	[sflag:s26] =	ssyncset.done $0x0  }
0x2a: {  	[sflag:s26] =	ssyncadd.s32 $0xFFFFFD80  }
0x2b: {  	[spmem:s13], [sflag:s10] =	dma.local [hbm:s4], $0x280  }
0x2c: {  	_ =	swait.ge [sflag:s26], $0x280  }
0x2d: {  	[sflag:s26] =	ssyncset.done $0x0  }
0x2e: {  	[sflag:s26] =	ssyncadd.s32 $0xFFFFFD80  }
0x2f: {  	[spmem:s14], [sflag:s10] =	dma.local [hbm:s4], $0x280  }
0x30: {  	_ =	swait.ge [sflag:s26], $0x280  }
0x31: {  	[sflag:s26] =	ssyncset.done $0x0  }
0x32: {  	[sflag:s26] =	ssyncadd.s32 $0xFFFFFD80  }
0x33: {  	[spmem:s15], [sflag:s10] =	dma.local [hbm:s4], $0x280  }
0x34: {  	_ =	swait.ge [sflag:s26], $0x280  }
0x35: {  	[sflag:s26] =	ssyncset.done $0x0  }
0x36: {  	[sflag:s26] =	ssyncadd.s32 $0xFFFFFD80  }
0x37: {  	[spmem:s16], [sflag:s10] =	dma.local [hbm:s4], $0x280  }
0x38: {  	_ =	swait.ge [sflag:s26], $0x280  }
0x39: {  	[sflag:s26] =	ssyncset.done $0x0  }
0x3a: {  	[sflag:s26] =	ssyncadd.s32 $0xFFFFFD80  }
0x3b: {  	[spmem:s17], [sflag:s10] =	dma.local [hbm:s4], $0x280  }
0x3c: {  	_ =	swait.ge [sflag:s26], $0x280  }
0x3d: {  	[sflag:s26] =	ssyncset.done $0x0  }
0x3e: {  	[sflag:s26] =	ssyncadd.s32 $0xFFFFFD80  }
0x3f: {  	[spmem:s18], [sflag:s10] =	dma.local [hbm:s4], $0x280  }
0x40: {  	_ =	swait.ge [sflag:s26], $0x280  }
0x41: {  	[sflag:s26] =	ssyncset.done $0x0  }
0x42: {  	[sflag:s26] =	ssyncadd.s32 $0xFFFFFD80  }
0x43: {  	[spmem:s19], [sflag:s10] =	dma.local [hbm:s4], $0x280  }
0x44: {  	_ =	swait.ge [sflag:s26], $0x280  }
0x45: {  	[sflag:s26] =	ssyncset.done $0x0  }
0x46: {  	[sflag:s26] =	ssyncadd.s32 $0xFFFFFD80  }
0x47: {  	[spmem:s20], [sflag:s10] =	dma.local [hbm:s4], $0x280  }
0x48: {  	_ =	swait.ge [sflag:s26], $0x280  }
0x49: {  	[sflag:s26] =	ssyncset.done $0x0  }
0x4a: {  	[sflag:s26] =	ssyncadd.s32 $0xFFFFFD80  }
0x4b: {  	[spmem:s21], [sflag:s10] =	dma.local [hbm:s4], $0x280  }
0x4c: {  	_ =	swait.ge [sflag:s26], $0x280  }
0x4d: {  	[sflag:s26] =	ssyncset.done $0x0  }
0x4e: {  	[sflag:s26] =	ssyncadd.s32 $0xFFFFFD80  }
0x4f: {  	[spmem:s22], [sflag:s10] =	dma.local [hbm:s4], $0x280  }
0x50: {  	_ =	swait.ge [sflag:s26], $0x280  }
0x51: {  	[sflag:s26] =	ssyncset.done $0x0  }
0x52: {  	[sflag:s26] =	ssyncadd.s32 $0xFFFFFD80  }
0x53: {  	[spmem:s23], [sflag:s10] =	dma.local [hbm:s4], $0x280  }
0x54: {  	_ =	swait.ge [sflag:s26], $0x280  }
0x55: {  	[sflag:s26] =	ssyncset.done $0x0  }
0x56: {  	[sflag:s26] =	ssyncadd.s32 $0xFFFFFD80  }
0x57: {  	[spmem:s24], [sflag:s10] =	dma.local [hbm:s4], $0x280  }
0x58: {  	_ =	swait.ge [sflag:s26], $0x280  }
0x59: {  	[sflag:s26] =	ssyncset.done $0x0  }
0x5a: {  	[sflag:s26] =	ssyncadd.s32 $0xFFFFFD80  }
0x5b: {  	[spmem:s25], [sflag:s10] =	dma.local [hbm:s4], $0x280  }
0x5c: {  	_ =	swait.ge [sflag:s26], $0x280  }
0x5d: {  	[sflag:s26] =	ssyncset.done $0x0  }
0x5e: {  	[sflag:s26] =	ssyncadd.s32 $0xFFFFFD80  }
0x5f: {  	s1 =	simm.s32 $0x0;
	[bflag:$0x0] =	sbarrier.arrive $0xFFFF  }
0x60: {  	[spmem:s2] =	stream.indirect.scatter.add.f32 [tilespmem:s28], [sflag:$0x1], $0x80, s1, s29, $0xb8;
	[tilespmem:$0x1A800] =	vst v63  }
0x61: {  	_ =	swait.ge [sflag:s26], $0x4000  }
0x62: {  	s1 =	simm.s32 $0x200;
	[sflag:s26] =	ssyncset.done $0x0  }
.LBB2_2:
0x63: {  	s0 =	sshra.s32 s1, $0x2;
	[sflag:s26] =	ssyncadd.s32 $0xFFFFC000;
	p0 =	sne.s32 s1, $0x9E00  }
0x64: {  	[spmem:s2] =	stream.indirect.scatter.add.f32 [tilespmem:s28], [sflag:$0x1], $0x80, s0, s29, $0xb8;
	[tilespmem:$0x1A800] =	vst v63  }
.Ltmp0:
0x65: {  	_ = 	snop;
	(pc) =	sbr.rel @p0 .LBB2_2-.Ltmp0, $4  }
0x66: {  	_ = 	snop  }
0x67: {  	s1 =	sadd.s32 $0x200, s1  }
0x68: {  	_ =	swait.ge [sflag:s26], $0x4000  }
0x69: {  	[sflag:s26] =	ssyncset.done $0x0  }
0x6a: {  	s30 =	sadd.s32 $0x1, s30  }
0x6b: {  	[sflag:s26] =	ssyncadd.s32 $0xFFFFC000;
	p0 =	sne.s32 s30, s9  }
.Ltmp1:
0x6c: {  	[bflag:$0x0] =	sbarrier.arrive $0xFFFF;
	(pc) =	sbr.rel @p0 .LBB2_1-.Ltmp1, $4  }
0x6d: {  	[hbm:s8], [sflag:s10] =	dma.local [spmem:s31], $0x2800  }
0x6e: {  	_ =	swait.ge [sflag:s26], $0x2800  }
0x6f: {  	[sflag:s26] =	ssyncset.done $0x0  }
0x70: {  	[sflag:s26] =	ssyncadd.s32 $0xFFFFD800  }
0x71: {  	_ =	sfence.sel $0x180000  }
0x72: {  	[bflag:$0x0] =	sbarrier.arrive $0xFFFF  }
0x73: {  	_ =	strace $0x90000047  }
0x74: {  	s0 =	stileid.u32;
	[bflag:$0x2] =	sbarrier.arrive $0xFFFF  }
0x75: {  	p0 =	sne.s32 s0, $0x0;
	s0 =	rddreg [dreg:$0x2]  }
0x76: {  	s0 =	sadd.s32 @!p0 $0x100000, s0  }
0x77: {  	[sflag:s0] =	ssyncadd.tile.s32 @!p0 $0x1;
	_ =	shalt  }
.Lfunc_end2:
_tile_overlayer_lowered:
.L_overlay_start_2:
0x78: {  	(tag) =	ssettag $0x2  }
0x79: {  	s0 =	rddreg [dreg:$0x0];
	s2 =	stileid.u32  }
0x7a: {  	s1 =	rddreg [dreg:$0x1];
	p0 =	sne.s32 s2, $0x0  }
0x7b: {  	s3 =	rddreg [dreg:$0x2];
	[bflag:$0x3] =	sbarrier.arrive $0xFFFF;
	s2 =	simm.s32 @!p0 $0x1C01  }
0x7c: {  	[timem:s3], [sflag:s2] =	dma.local @!p0 [hbm:s0], s1  }
0x7d: {  	s0 =	simm.s32 @!p0 $0x1  }
0x7e: {  	_ =	swait.ge @!p0 [sflag:s0], s1  }
0x7f: {  	s1 =	ssub.s32 @!p0 $0x0, s1;
	[sflag:s0] =	ssyncset.done @!p0 $0x0  }
0x80: {  	[sflag:s0] =	ssyncadd.s32 @!p0 s1  }
0x81: {  	[bflag:$0x3] =	sbarrier.arrive $0xFFFF  }
0x82: {  	_ =	shalt  }

// kernel: kernel.14.cloned.1.call-start
scs
__scs_entry_jumppad:
0x0: {  	(pc) =	sbr.rel $0x88, $3  }
0x1: {  	(tag) =	ssettag $0x0;
	lr =	simm.s32 $0x1  }
0x2: {  	[smem:$0x3F91] =	sst lr;
	_ =	strace $0xD0000000  }
0x3: {  	_ = 	snop  }
0x4: {  	_ = 	snop  }
0x5: {  	_ = 	snop  }
0x6: {  	_ = 	snop  }
0x7: {  	_ = 	snop  }
__scs_overlays_trampoline_lowered:
0x8: {  	[smem:$0x3FA0] =	sst s0  }
0x9: {  	[smem:$0x3FA1] =	sst s1  }
0xa: {  	[smem:$0x3FA2] =	sst s2  }
0xb: {  	[smem:$0x3FA3] =	sst s3  }
0xc: {  	[smem:$0x3FA4] =	sst s4  }
0xd: {  	[smem:$0x3FA5] =	sst s5  }
0xe: {  	[smem:$0x3FA6] =	sst s6  }
0xf: {  	[smem:$0x3FA7] =	sst s7  }
0x10: {  	[smem:$0x3FA8] =	sst s8  }
0x11: {  	[smem:$0x3FA9] =	sst s9;
	s0 =	simm.s32 @!p0 $0x0  }
0x12: {  	s1 =	sld [smem:$0x3F8F];
	s0 =	simm.s32 @p0 $0x1  }
0x13: {  	[smem:$0x3FAA] =	sst s0;
	s0 =	simm.s32 @!p1 $0x0  }
0x14: {  	s2 =	sld [smem:$0x3F8E];
	s0 =	simm.s32 @p1 $0x1  }
0x15: {  	[smem:$0x3FAB] =	sst s0;
	s0 =	simm.s32 @!p2 $0x0  }
0x16: {  	s3 =	sld [smem:$0x3FDB];
	s0 =	simm.s32 @p2 $0x1  }
0x17: {  	s4 =	simm.s32 $0x1BF5;
	[smem:$0x3FAD] =	sst s0  }
0x18: {  	s0 =	sld [smem:$0x3F90];
	_ =	swait.ge [sflag:s4], $0x0  }
0x19: {  	s7 =	sld [smem:$0x3F91]  }
0x1a: {  	s8 =	sadd.s32 $0xFFFFE003, lr  }
0x1b: {  	s9 =	sadd.s32 $0xFFFFFEF7, lr;
	s5 =	simm.s32 $0xFFFFFFFF;
	p2 =	slt.u32 s8, $0xFFFFF086  }
0x1c: {  	p1 =	slt.u32 s9, $0xF7A;
	s5 =	simm.s32 @!p2 $0x0  }
0x1d: {  	s5 =	simm.s32 @p1 $0x1;
	p0 =	seq.s32 s7, s2  }
0x1e: {  	s7 =	smul.u32 @!p0 $0xF7A, s2;
	p2 =	seq.s32 @!p0 s5, $0x0  }
0x1f: {  	s9 =	smul.u32 $0xF7A, s1;
	s8 =	simm.s32 @!p0 $0x1BF5;
	p2 =	por !p2, p0  }
0x20: {  	[sflag:s8] =	ssyncset.s32 @!p0 $0xFFFFF086;
	s6 =	sadd.s32 @!p0 s3, s7;
	s7 =	simm.s32 @!p0 $0x108  }
0x21: {  	s3 =	sadd.s32 s3, s9;
	s6 =	sadd.s32 @!p0 $0x88, s6;
	s7 =	simm.s32 @p2 $0x1082  }
0x22: {  	[simem:s7], [sflag:s8] =	dma.local @!p0 [hbm:s6], $0xF7A  }
0x23: {  	s9 =	sor.u32 $0xD0000000, s2;
	s6 =	simm.s32 $0x108;
	_ =	swait.ge @!p0 [sflag:s8], $0x0  }
0x24: {  	s3 =	sadd.s32 $0x88, s3;
	s6 =	simm.s32 @!p1 $0x1082;
	[sflag:s4] =	ssyncset.s32 $0xFFFFF086  }
0x25: {  	[simem:s6], [sflag:s4] =	dma.local [hbm:s3], $0xF7A  }
0x26: {  	[smem:$0x3F91] =	sst s1;
	(tag) =	ssettag s2;
	_ =	strace s9  }
0x27: {  	s1 =	sld [smem:$0x3FA1]  }
0x28: {  	s2 =	sld [smem:$0x3FA2]  }
0x29: {  	s4 =	sld [smem:$0x3FA4]  }
0x2a: {  	p0 =	seq.s32 s5, $0x0;
	s5 =	sld [smem:$0x3FA5]  }
0x2b: {  	s6 =	sld [smem:$0x3FA6]  }
0x2c: {  	s7 =	sld [smem:$0x3FA7]  }
0x2d: {  	s3 =	simm.s32 $0x108;
	s8 =	sld [smem:$0x3FA8]  }
0x2e: {  	s3 =	simm.s32 @!p0 $0x1082;
	s9 =	sld [smem:$0x3FA9]  }
0x2f: {  	lr =	sadd.s32 s0, s3;
	s0 =	sld [smem:$0x3FA0]  }
0x30: {  	s3 =	sld [smem:$0x3FA3]  }
0x31: {  	[smem:$0x3FAC] =	sst s10  }
0x32: {  	s10 =	sld [smem:$0x3FAA];
	_ =	sdelay $0x3  }
0x33: {  	p0 =	seq.s32 s10, $0x1;
	s10 =	sld [smem:$0x3FAC];
	_ =	sdelay $0x3  }
0x34: {  	[smem:$0x3FAC] =	sst s10  }
0x35: {  	s10 =	sld [smem:$0x3FAB];
	_ =	sdelay $0x3  }
0x36: {  	p1 =	seq.s32 s10, $0x1;
	s10 =	sld [smem:$0x3FAC];
	_ =	sdelay $0x3  }
0x37: {  	[smem:$0x3FAC] =	sst s10  }
0x38: {  	s10 =	sld [smem:$0x3FAD]  }
0x39: {  	_ = 	snop;
	(pc) =	sbr.ind lr, $3  }
0x3a: {  	_ = 	snop  }
0x3b: {  	_ = 	snop  }
0x3c: {  	p2 =	seq.s32 s10, $0x1;
	s10 =	sld [smem:$0x3FAC]  }
0x3d: {  	_ =	shalt  }
0x3e: {  	_ =	shalt  }
0x3f: {  	_ =	shalt  }
0x40: {  	_ =	shalt  }
0x41: {  	_ =	shalt  }
0x42: {  	_ =	shalt  }
0x43: {  	_ =	shalt  }
0x44: {  	_ =	shalt  }
0x45: {  	_ =	shalt  }
0x46: {  	_ =	shalt  }
0x47: {  	_ =	shalt  }
0x48: {  	_ =	shalt  }
0x49: {  	_ =	shalt  }
0x4a: {  	_ =	shalt  }
0x4b: {  	_ =	shalt  }
0x4c: {  	_ =	shalt  }
0x4d: {  	_ =	shalt  }
0x4e: {  	_ =	shalt  }
0x4f: {  	_ =	shalt  }
0x50: {  	_ =	shalt  }
0x51: {  	_ =	shalt  }
0x52: {  	_ =	shalt  }
0x53: {  	_ =	shalt  }
0x54: {  	_ =	shalt  }
0x55: {  	_ =	shalt  }
0x56: {  	_ =	shalt  }
0x57: {  	_ =	shalt  }
0x58: {  	_ =	shalt  }
0x59: {  	_ =	shalt  }
0x5a: {  	_ =	shalt  }
0x5b: {  	_ =	shalt  }
0x5c: {  	_ =	shalt  }
0x5d: {  	_ =	shalt  }
0x5e: {  	_ =	shalt  }
0x5f: {  	_ =	shalt  }
0x60: {  	_ =	shalt  }
0x61: {  	_ =	shalt  }
0x62: {  	_ =	shalt  }
0x63: {  	_ =	shalt  }
0x64: {  	_ =	shalt  }
0x65: {  	_ =	shalt  }
0x66: {  	_ =	shalt  }
0x67: {  	_ =	shalt  }
0x68: {  	_ =	shalt  }
0x69: {  	_ =	shalt  }
0x6a: {  	_ =	shalt  }
0x6b: {  	_ =	shalt  }
0x6c: {  	_ =	shalt  }
0x6d: {  	_ =	shalt  }
0x6e: {  	_ =	shalt  }
0x6f: {  	_ =	shalt  }
0x70: {  	_ =	shalt  }
0x71: {  	_ =	shalt  }
0x72: {  	_ =	shalt  }
0x73: {  	_ =	shalt  }
0x74: {  	_ =	shalt  }
0x75: {  	_ =	shalt  }
0x76: {  	_ =	shalt  }
0x77: {  	_ =	shalt  }
0x78: {  	_ =	shalt  }
0x79: {  	_ =	shalt  }
0x7a: {  	_ =	shalt  }
0x7b: {  	_ =	shalt  }
0x7c: {  	_ =	shalt  }
0x7d: {  	_ =	shalt  }
0x7e: {  	_ =	shalt  }
0x7f: {  	_ =	shalt  }
0x80: {  	_ =	shalt  }
0x81: {  	_ =	shalt  }
0x82: {  	_ =	shalt  }
0x83: {  	_ =	shalt  }
0x84: {  	_ =	shalt  }
0x85: {  	_ =	shalt  }
0x86: {  	_ =	shalt  }
0x87: {  	_ =	shalt  }
.Lfunc_end0:
.L_simem_size_0:
called_computation.1_lowered:
.L_overlay_start_0:
0x88: {  	s2 =	sld [smem:$0x3FD9]  }
0x89: {  	s3 =	sld [smem:$0x3FFE];
	_ =	sdelay $0x1  }
0x8a: {  	s1 =	srdreg.scid  }
0x8b: {  	s0 =	sand.u32 $0x1, s1  }
0x8c: {  	s16 =	sshll.u32 s0, $0xA;
	s2 =	sadd.s32 s3, s2  }
0x8d: {  	s2 =	sadd.s32 s2, s16  }
0x8e: {  	[smem:$0x3FB8] =	sst s2  }
0x8f: {  	_ = 	snop  }
0x90: {  	(tm) =	ssettm $0x1  }
0x91: {  	s17 =	sld [smem:$0x3FFB];
	_ =	sdelay $0x3  }
0x92: {  	_ =	strace s17  }
0x93: {  	s2 =	sld [smem:$0x3FFC];
	_ =	sdelay $0x3  }
0x94: {  	_ =	strace s2  }
0x95: {  	s2 =	sld [smem:$0x3FFD];
	_ =	sdelay $0x3  }
0x96: {  	_ =	strace s2  }
0x97: {  	_ =	strace $0x8FFFFFFF  }
0x98: {  	s18 =	sld [smem:$0x3FDB];
	_ =	sdelay $0x1  }
0x99: {  	s19 =	simm.s32 $_scs_section_size  }
0x9a: {  	s4 =	simm.s32 $_size__tile_overlayer_lowered;
	s5 =	simm.s32 $_tile_overlayer_lowered  }
0x9b: {  	s22 =	simm.s32 $0x1BFF;
	s21 =	sshll.u32 s5, $0x1;
	s2 =	sadd.s32 s19, s18  }
0x9c: {  	s6 =	simm.s32 $0x0;
	s20 =	sshll.u32 s4, $0x1;
	s4 =	sadd.s32 s21, s2  }
0x9d: {  	[timem:s6], [sflag:s22] =	dma.local [hbm:s4], s20  }
0x9e: {  	_ =	swait.ge [sflag:s22], s20  }
0x9f: {  	s3 =	ssub.s32 $0x0, s20;
	[sflag:s22] =	ssyncset.done $0x0  }
0xa0: {  	[sflag:s22] =	ssyncadd.s32 s3;
	_ =	sdelay $0x1  }
0xa1: {  	s23 =	simm.s32 $0x1B8B  }
0xa2: {  	_ =	swait.ge [sflag:s23], $0x1  }
0xa3: {  	[sflag:s23] =	ssyncset.done $0x0  }
0xa4: {  	s25 =	simm.s32 $0x1B8E;
	s24 =	sld [smem:$0x3FFE];
	[sflag:s23] =	ssyncadd.s32 $0xFFFFFFFF  }
0xa5: {  	s26 =	simm.s32 $execute0_lowered;
	[smem:$0x3FD2] =	sst s25  }
0xa6: {  	s4 =	sshll.u32 s26, $0x1;
	_ =	strace $0x80000049;
	[dreg:$0x1] =	wrdreg $0xFFFFFFFF  }
0xa7: {  	s28 =	simm.s32 $_size_execute0_lowered;
	s2 =	sadd.s32 s2, s4;
	[dreg:$0x0] =	wrdreg $0x0  }
0xa8: {  	s4 =	sshll.u32 s28, $0x1;
	[dreg:$0x2] =	wrdreg s2  }
0xa9: {  	[dreg:$0x3] =	wrdreg s4  }
0xaa: {  	[dreg:$0x4] =	wrdreg $0xC0  }
0xab: {  	_ =	task [dreg:s6], $0x5FFFF  }
0xac: {  	[dreg:$0x1] =	wrdreg $0xFFFFFFFF  }
0xad: {  	[dreg:$0x0] =	wrdreg $0x60  }
0xae: {  	[dreg:$0x2] =	wrdreg s24  }
0xaf: {  	[dreg:$0x3] =	wrdreg $0xA4000  }
0xb0: {  	[dreg:$0x4] =	wrdreg $0x9  }
0xb1: {  	_ =	task.clear_ibuf [dreg:s6], $0x5FFFF;
	_ =	strace $0x90000049  }
0xb2: {  	s29 =	simm.s32 $0x9;
	_ =	strace $0x8000004B  }
0xb3: {  	_ =	swait.ge [sflag:s29], $0x1  }
0xb4: {  	[sflag:s29] =	ssyncadd.s32 $0xFFFFFFFF  }
0xb5: {  	_ =	strace $0x9000004B  }
0xb6: {  	_ =	sfence  }
0xb7: {  	s30 =	sld [smem:$0x0];
	_ =	sdelay $0x2  }
0xb8: {  	s31 =	sshll.u32 s1, $0xD;
	s1 =	sshrl.u32 s1, $0x2  }
0xb9: {  	s3 =	sand.u32 $0x4000, s31;
	s1 =	sadd.s32 s1, s30  }
0xba: {  	s0 =	sor.u32 s3, s0;
	s1 =	sshll.u32 s1, $0x11  }
0xbb: {  	s0 =	sor.u32 s1, s0  }
0xbc: {  	s0 =	sadd.s32 $0x8F2B, s0  }
0xbd: {  	[sflag:s0] =	ssyncadd.remote.s32 $0x1  }
0xbe: {  	_ =	sfence.sel $0xFFFF  }
0xbf: {  	[dreg:$0x0] =	wrdreg $0xFFFFFFFF;
	(pc) =	sbr.abs _section_cstart, $3  }
0xc0: {  	[dreg:$0x1] =	wrdreg $0xFFFFFFFF  }
0xc1: {  	_ =	task.clear_ibuf [dreg:s6], $0x2FFFF;
	_ =	strace $0x9FFFFFFF  }
0xc2: {  	(tm) =	ssettm $0x7FFFFFFF  }
0xc3: {  	_ =	shalt  }
tec
execute0_lowered:
.L_overlay_start_1:
0x0: {  	(tag) =	ssettag $0x1  }
0x1: {  	s0 =	srdreg.scid  }
0x2: {  	s10 =	stileid.u32;
	s5 =	rddreg [dreg:$0x0]  }
0x3: {  	s2 =	rddreg [dreg:$0x1];
	s3 =	simm.s32 $0x0;
	s15 =	stileid.u32  }
0x4: {  	s28 =	simm.s32 $0x2;
	s29 =	simm.s32 $0x2800;
	s30 =	simm.s32 $0x80  }
0x5: {  	s31 =	simm.s32 $0x5000;
	s0 =	sand.u32 $0x1, s0;
	s7 =	smul.u32 $0x14000, s10  }
0x6: {  	[smem:$0x7FF] =	sst s3;
	s4 =	sadd.s32 $0xCE00, s5;
	s8 =	smul.u32 $0x50000, s10  }
0x7: {  	s9 =	sadd.s32 $0xCA00, s5;
	s26 =	smul.u32 $0x2800, s10;
	s1 =	sshll.u32 s0, $0x4  }
0x8: {  	s6 =	smul.u32 $0x140000, s0;
	_ =	strace $0x8000004A;
	s17 =	ssub.s32 $0x2, s0  }
0x9: {  	[dreg:$0x3] =	wrdreg s9;
	p0 =	sne.s32 s0, $0x0;
	s8 =	sshrl.u32 s8, $0x2  }
0xa: {  	s0 =	simm.s32 $0x0;
	s1 =	sor.u32 s10, s1;
	s8 =	sadd.s32 s8, s2  }
0xb: {  	s18 =	sshrl.u32 s17, $0x1;
	s1 =	smul.u32 $0x500, s1;
	s19 =	sadd.s32 $0x1400, s8  }
0xc: {  	s6 =	sadd.s32 s7, s6;
	s20 =	sadd.s32 $0x2800, s8;
	[dreg:$0x4] =	wrdreg s19  }
0xd: {  	s9 =	ssub.s32 s17, s18;
	s21 =	sadd.s32 $0x3C00, s8;
	[dreg:$0x5] =	wrdreg s20  }
0xe: {  	s6 =	sshrl.u32 s6, $0x3;
	s22 =	sadd.s32 $0x5000, s8;
	[dreg:$0x6] =	wrdreg s21  }
0xf: {  	s23 =	sadd.s32 $0x6400, s8;
	s24 =	sadd.s32 $0x7800, s8;
	[dreg:$0x7] =	wrdreg s22  }
0x10: {  	s25 =	sadd.s32 $0x8C00, s8;
	s16 =	sadd.s32 $0xA000, s8;
	[dreg:$0x8] =	wrdreg s23  }
0x11: {  	s17 =	sadd.s32 $0xB400, s8;
	s18 =	sadd.s32 $0xC800, s8;
	[dreg:$0x9] =	wrdreg s24  }
0x12: {  	s1 =	sadd.s32 s1, s5;
	s5 =	sadd.s32 s6, s5;
	[dreg:$0xa] =	wrdreg s25  }
0x13: {  	s19 =	sadd.s32 $0xDC00, s8;
	s20 =	sadd.s32 $0xF000, s8;
	s21 =	sadd.s32 $0x10400, s8  }
0x14: {  	s22 =	sadd.s32 $0x11800, s8;
	s23 =	sadd.s32 s4, s26;
	s25 =	smax.u32 s9, $0x1  }
0x15: {  	s26 =	sadd.s32 $0x12C00, s8;
	s6 =	sadd.s32 $0x5D600, s1;
	s7 =	sadd.s32 $0x2A00, s1  }
0x16: {  	s24 =	sadd.s32 $0x67600, s5;
	s1 =	simm.s32 $0x1;
	s5 =	simm.s32 $0x9000  }
.LBB2_1:
0x17: {  	[tilespmem:s3], [sflag:$0x2] =	stream.linear.gather [hbm4b:s6+s3], $0x2800, $0x38;
	[tilespmem:$0x1E400] =	vst v63  }
0x18: {  	_ =	swait.ge [sflag:s28], $0x2800  }
0x19: {  	[sflag:s28] =	ssyncset.done $0x0  }
.Ltmp0:
0x1a: {  	[sflag:s28] =	ssyncadd.s32 $0xFFFFD800;
	(pc) =	sbr.rel @p0 .LBB2_3-.Ltmp0, $4  }
0x1b: {  	[tilespmem:s29], [sflag:$0x2] =	stream.linear.gather [hbm4b:s7+s3], $0x2800, $0x38;
	[tilespmem:$0x1E400] =	vst v63  }
0x1c: {  	_ =	swait.ge [sflag:s28], $0x2800  }
0x1d: {  	s10 =	sshll.u32 s15, $0x6;
	[sflag:s28] =	ssyncset.done $0x0  }
0x1e: {  	s9 =	sshrl.u32 s8, $0x3;
	s10 =	sor.u32 $0x1C02, s10;
	[sflag:s28] =	ssyncadd.s32 $0xFFFFD800  }
.Ltmp1:
0x1f: {  	(pc) =	sbr.rel .LBB2_4-.Ltmp1, $4  }
0x20: {  	[spmem:s9], [sflag:s10] =	dma.local [hbm:s23], $0x2800  }
0x21: {  	_ =	swait.ge [sflag:s28], $0x2800  }
0x22: {  	[sflag:s28] =	ssyncset.done $0x0  }
0x23: {  	[sflag:s28] =	ssyncadd.s32 $0xFFFFD800  }
.LBB2_3:
0x24: {  	s11 =	rddreg [dreg:$0x3]  }
0x25: {  	[tilespmem:s5], [sflag:$0x2] =	stream.linear.gather [hbm4b:s11+s3], $0x1400, $0x38;
	[tilespmem:$0x1E400] =	vst v63  }
0x26: {  	_ =	swait.ge [sflag:s28], $0x1400  }
0x27: {  	[sflag:s28] =	ssyncset.done $0x0  }
0x28: {  	[sflag:s28] =	ssyncadd.s32 $0xFFFFEC00  }
0x29: {  	[spmem:s8] =	stream.linear.scatter [tilespmem:s5], [sflag:$0x2], $0x1400, $0x38;
	[tilespmem:$0x1E400] =	vst v63  }
0x2a: {  	_ =	swait.ge [sflag:s28], $0x1400  }
0x2b: {  	[sflag:s28] =	ssyncset.done $0x0  }
0x2c: {  	s14 =	rddreg [dreg:$0x4];
	[sflag:s28] =	ssyncadd.s32 $0xFFFFEC00  }
0x2d: {  	[spmem:s14] =	stream.linear.scatter [tilespmem:s5], [sflag:$0x2], $0x1400, $0x38;
	[tilespmem:$0x1E400] =	vst v63  }
0x2e: {  	_ =	swait.ge [sflag:s28], $0x1400  }
0x2f: {  	[sflag:s28] =	ssyncset.done $0x0  }
0x30: {  	s12 =	rddreg [dreg:$0x5];
	[sflag:s28] =	ssyncadd.s32 $0xFFFFEC00  }
0x31: {  	[spmem:s12] =	stream.linear.scatter [tilespmem:s5], [sflag:$0x2], $0x1400, $0x38;
	[tilespmem:$0x1E400] =	vst v63  }
0x32: {  	_ =	swait.ge [sflag:s28], $0x1400  }
0x33: {  	[sflag:s28] =	ssyncset.done $0x0  }
0x34: {  	s13 =	rddreg [dreg:$0x6];
	[sflag:s28] =	ssyncadd.s32 $0xFFFFEC00  }
0x35: {  	[spmem:s13] =	stream.linear.scatter [tilespmem:s5], [sflag:$0x2], $0x1400, $0x38;
	[tilespmem:$0x1E400] =	vst v63  }
0x36: {  	_ =	swait.ge [sflag:s28], $0x1400  }
0x37: {  	[sflag:s28] =	ssyncset.done $0x0  }
0x38: {  	s14 =	rddreg [dreg:$0x7];
	[sflag:s28] =	ssyncadd.s32 $0xFFFFEC00  }
0x39: {  	[spmem:s14] =	stream.linear.scatter [tilespmem:s5], [sflag:$0x2], $0x1400, $0x38;
	[tilespmem:$0x1E400] =	vst v63  }
0x3a: {  	_ =	swait.ge [sflag:s28], $0x1400  }
0x3b: {  	[sflag:s28] =	ssyncset.done $0x0  }
0x3c: {  	s12 =	rddreg [dreg:$0x8];
	[sflag:s28] =	ssyncadd.s32 $0xFFFFEC00  }
0x3d: {  	[spmem:s12] =	stream.linear.scatter [tilespmem:s5], [sflag:$0x2], $0x1400, $0x38;
	[tilespmem:$0x1E400] =	vst v63  }
0x3e: {  	_ =	swait.ge [sflag:s28], $0x1400  }
0x3f: {  	[sflag:s28] =	ssyncset.done $0x0  }
0x40: {  	s13 =	rddreg [dreg:$0x9];
	[sflag:s28] =	ssyncadd.s32 $0xFFFFEC00  }
0x41: {  	[spmem:s13] =	stream.linear.scatter [tilespmem:s5], [sflag:$0x2], $0x1400, $0x38;
	[tilespmem:$0x1E400] =	vst v63  }
0x42: {  	_ =	swait.ge [sflag:s28], $0x1400  }
0x43: {  	[sflag:s28] =	ssyncset.done $0x0  }
0x44: {  	s14 =	rddreg [dreg:$0xa];
	[sflag:s28] =	ssyncadd.s32 $0xFFFFEC00  }
0x45: {  	[spmem:s14] =	stream.linear.scatter [tilespmem:s5], [sflag:$0x2], $0x1400, $0x38;
	[tilespmem:$0x1E400] =	vst v63  }
0x46: {  	_ =	swait.ge [sflag:s28], $0x1400  }
0x47: {  	[sflag:s28] =	ssyncset.done $0x0  }
0x48: {  	[sflag:s28] =	ssyncadd.s32 $0xFFFFEC00  }
0x49: {  	[spmem:s16] =	stream.linear.scatter [tilespmem:s5], [sflag:$0x2], $0x1400, $0x38;
	[tilespmem:$0x1E400] =	vst v63  }
0x4a: {  	_ =	swait.ge [sflag:s28], $0x1400  }
0x4b: {  	[sflag:s28] =	ssyncset.done $0x0  }
0x4c: {  	[sflag:s28] =	ssyncadd.s32 $0xFFFFEC00  }
0x4d: {  	[spmem:s17] =	stream.linear.scatter [tilespmem:s5], [sflag:$0x2], $0x1400, $0x38;
	[tilespmem:$0x1E400] =	vst v63  }
0x4e: {  	_ =	swait.ge [sflag:s28], $0x1400  }
0x4f: {  	[sflag:s28] =	ssyncset.done $0x0  }
0x50: {  	[sflag:s28] =	ssyncadd.s32 $0xFFFFEC00  }
0x51: {  	[spmem:s18] =	stream.linear.scatter [tilespmem:s5], [sflag:$0x2], $0x1400, $0x38;
	[tilespmem:$0x1E400] =	vst v63  }
0x52: {  	_ =	swait.ge [sflag:s28], $0x1400  }
0x53: {  	[sflag:s28] =	ssyncset.done $0x0  }
0x54: {  	[sflag:s28] =	ssyncadd.s32 $0xFFFFEC00  }
0x55: {  	[spmem:s19] =	stream.linear.scatter [tilespmem:s5], [sflag:$0x2], $0x1400, $0x38;
	[tilespmem:$0x1E400] =	vst v63  }
0x56: {  	_ =	swait.ge [sflag:s28], $0x1400  }
0x57: {  	[sflag:s28] =	ssyncset.done $0x0  }
0x58: {  	[sflag:s28] =	ssyncadd.s32 $0xFFFFEC00  }
0x59: {  	[spmem:s20] =	stream.linear.scatter [tilespmem:s5], [sflag:$0x2], $0x1400, $0x38;
	[tilespmem:$0x1E400] =	vst v63  }
0x5a: {  	_ =	swait.ge [sflag:s28], $0x1400  }
0x5b: {  	[sflag:s28] =	ssyncset.done $0x0  }
0x5c: {  	[sflag:s28] =	ssyncadd.s32 $0xFFFFEC00  }
0x5d: {  	[spmem:s21] =	stream.linear.scatter [tilespmem:s5], [sflag:$0x2], $0x1400, $0x38;
	[tilespmem:$0x1E400] =	vst v63  }
0x5e: {  	_ =	swait.ge [sflag:s28], $0x1400  }
0x5f: {  	[sflag:s28] =	ssyncset.done $0x0  }
0x60: {  	[sflag:s28] =	ssyncadd.s32 $0xFFFFEC00  }
0x61: {  	[spmem:s22] =	stream.linear.scatter [tilespmem:s5], [sflag:$0x2], $0x1400, $0x38;
	[tilespmem:$0x1E400] =	vst v63  }
0x62: {  	_ =	swait.ge [sflag:s28], $0x1400  }
0x63: {  	[sflag:s28] =	ssyncset.done $0x0  }
0x64: {  	[sflag:s28] =	ssyncadd.s32 $0xFFFFEC00  }
0x65: {  	[spmem:s26] =	stream.linear.scatter [tilespmem:s5], [sflag:$0x2], $0x1400, $0x38;
	[tilespmem:$0x1E400] =	vst v63  }
0x66: {  	_ =	swait.ge [sflag:s28], $0x1400  }
0x67: {  	[sflag:s28] =	ssyncset.done $0x0  }
0x68: {  	[sflag:s28] =	ssyncadd.s32 $0xFFFFEC00  }
.LBB2_4:
0x69: {  	[bflag:$0x0] =	sbarrier.arrive $0xFFFF;
	s11 =	simm.s32 $0x0  }
0x6a: {  	[tilespmem:s31], [sflag:$0x1] =	stream.indirect.gather [hbm4b:s4+s30], $0x80, s11, s30, $0xb8;
	[tilespmem:$0x1E400] =	vst v63  }
0x6b: {  	_ =	swait.ge [sflag:s1], $0x4000  }
0x6c: {  	[sflag:s1] =	ssyncset.done $0x0  }
0x6d: {  	s14 =	simm.s32 $0x2800;
	[sflag:s1] =	ssyncadd.s32 $0xFFFFC000  }
0x6e: {  	[spmem:s2] =	stream.indirect.scatter.add.f32 [tilespmem:s31], [sflag:$0x2], $0x80, s14, s30, $0xb8;
	[tilespmem:$0x1E400] =	vst v63  }
0x6f: {  	_ =	swait.ge [sflag:s28], $0x4000  }
0x70: {  	s12 =	simm.s32 $0x400;
	s11 =	simm.s32 $0x200;
	[sflag:s28] =	ssyncset.done $0x0  }
.LBB2_5:
0x71: {  	s13 =	sshra.s32 s11, $0x2  }
0x72: {  	[sflag:s28] =	ssyncadd.s32 $0xFFFFC000;
	s11 =	smov.u32 s12;
	s14 =	sadd.s32 $0x200, s12  }
0x73: {  	[tilespmem:s31], [sflag:$0x1] =	stream.indirect.gather [hbm4b:s4+s30], $0x80, s13, s30, $0xb8;
	[tilespmem:$0x1E400] =	vst v63  }
0x74: {  	p1 =	sne.s32 s12, $0x9E00;
	_ =	swait.ge [sflag:s1], $0x4000  }
.Ltmp2:
0x75: {  	[sflag:s1] =	ssyncset.done $0x0;
	(pc) =	sbr.rel @p1 .LBB2_5-.Ltmp2, $4  }
0x76: {  	s12 =	sadd.s32 $0x2800, s13;
	[sflag:s1] =	ssyncadd.s32 $0xFFFFC000  }
0x77: {  	[spmem:s2] =	stream.indirect.scatter.add.f32 [tilespmem:s31], [sflag:$0x2], $0x80, s12, s30, $0xb8;
	[tilespmem:$0x1E400] =	vst v63  }
0x78: {  	_ =	swait.ge [sflag:s28], $0x4000  }
0x79: {  	s12 =	smov.u32 s14;
	[sflag:s28] =	ssyncset.done $0x0  }
0x7a: {  	s11 =	sshra.s32 s11, $0x2;
	[sflag:s28] =	ssyncadd.s32 $0xFFFFC000  }
0x7b: {  	[tilespmem:s31], [sflag:$0x1] =	stream.indirect.gather [hbm4b:s4+s30], $0x80, s11, s30, $0xb8;
	[tilespmem:$0x1E400] =	vst v63  }
0x7c: {  	_ =	swait.ge [sflag:s1], $0x4000  }
0x7d: {  	[sflag:s1] =	ssyncset.done $0x0  }
0x7e: {  	s11 =	sadd.s32 $0x2800, s11;
	[sflag:s1] =	ssyncadd.s32 $0xFFFFC000  }
0x7f: {  	[spmem:s2] =	stream.indirect.scatter.add.f32 [tilespmem:s31], [sflag:$0x2], $0x80, s11, s30, $0xb8;
	[tilespmem:$0x1E400] =	vst v63  }
0x80: {  	_ =	swait.ge [sflag:s28], $0x4000  }
0x81: {  	s0 =	sadd.s32 $0x1, s0;
	[sflag:s28] =	ssyncset.done $0x0  }
0x82: {  	p1 =	sne.s32 s0, s25;
	[sflag:s28] =	ssyncadd.s32 $0xFFFFC000  }
.Ltmp3:
0x83: {  	[bflag:$0x0] =	sbarrier.arrive $0xFFFF;
	(pc) =	sbr.rel @p1 .LBB2_1-.Ltmp3, $4  }
0x84: {  	[hbm:s24], [sflag:s10] =	dma.local [spmem:s9], $0x2800  }
0x85: {  	_ =	swait.ge [sflag:s28], $0x2800  }
0x86: {  	[sflag:s28] =	ssyncset.done $0x0  }
0x87: {  	[sflag:s28] =	ssyncadd.s32 $0xFFFFD800  }
0x88: {  	_ =	sfence.sel $0x180000  }
0x89: {  	[bflag:$0x0] =	sbarrier.arrive $0xFFFF  }
0x8a: {  	_ =	strace $0x9000004A  }
0x8b: {  	[bflag:$0x2] =	sbarrier.arrive $0xFFFF  }
0x8c: {  	p0 =	sne.s32 s15, $0x0;
	s0 =	rddreg [dreg:$0x2]  }
0x8d: {  	s0 =	sadd.s32 @!p0 $0x100000, s0  }
0x8e: {  	[sflag:s0] =	ssyncadd.tile.s32 @!p0 $0x1;
	_ =	shalt  }
.Lfunc_end2:
_tile_overlayer_lowered:
.L_overlay_start_2:
0x8f: {  	(tag) =	ssettag $0x2  }
0x90: {  	s0 =	rddreg [dreg:$0x0];
	s2 =	stileid.u32  }
0x91: {  	s1 =	rddreg [dreg:$0x1];
	p0 =	sne.s32 s2, $0x0  }
0x92: {  	s3 =	rddreg [dreg:$0x2];
	[bflag:$0x3] =	sbarrier.arrive $0xFFFF;
	s2 =	simm.s32 @!p0 $0x1C02  }
0x93: {  	[timem:s3], [sflag:s2] =	dma.local @!p0 [hbm:s0], s1  }
0x94: {  	s0 =	simm.s32 @!p0 $0x2  }
0x95: {  	_ =	swait.ge @!p0 [sflag:s0], s1  }
0x96: {  	s1 =	ssub.s32 @!p0 $0x0, s1;
	[sflag:s0] =	ssyncset.done @!p0 $0x0  }
0x97: {  	[sflag:s0] =	ssyncadd.s32 @!p0 s1  }
0x98: {  	[bflag:$0x3] =	sbarrier.arrive $0xFFFF  }
0x99: {  	_ =	shalt  }

// kernel: kernel.17.cloned.1.call-start
scs
__scs_entry_jumppad:
0x0: {  	(pc) =	sbr.rel $0x88, $3  }
0x1: {  	(tag) =	ssettag $0x0;
	lr =	simm.s32 $0x1  }
0x2: {  	[smem:$0x3F91] =	sst lr;
	_ =	strace $0xD0000000  }
0x3: {  	_ = 	snop  }
0x4: {  	_ = 	snop  }
0x5: {  	_ = 	snop  }
0x6: {  	_ = 	snop  }
0x7: {  	_ = 	snop  }
__scs_overlays_trampoline_lowered:
0x8: {  	[smem:$0x3FA0] =	sst s0  }
0x9: {  	[smem:$0x3FA1] =	sst s1  }
0xa: {  	[smem:$0x3FA2] =	sst s2  }
0xb: {  	[smem:$0x3FA3] =	sst s3  }
0xc: {  	[smem:$0x3FA4] =	sst s4  }
0xd: {  	[smem:$0x3FA5] =	sst s5  }
0xe: {  	[smem:$0x3FA6] =	sst s6  }
0xf: {  	[smem:$0x3FA7] =	sst s7  }
0x10: {  	[smem:$0x3FA8] =	sst s8  }
0x11: {  	[smem:$0x3FA9] =	sst s9;
	s0 =	simm.s32 @!p0 $0x0  }
0x12: {  	s1 =	sld [smem:$0x3F8F];
	s0 =	simm.s32 @p0 $0x1  }
0x13: {  	[smem:$0x3FAA] =	sst s0;
	s0 =	simm.s32 @!p1 $0x0  }
0x14: {  	s2 =	sld [smem:$0x3F8E];
	s0 =	simm.s32 @p1 $0x1  }
0x15: {  	[smem:$0x3FAB] =	sst s0;
	s0 =	simm.s32 @!p2 $0x0  }
0x16: {  	s3 =	sld [smem:$0x3FDB];
	s0 =	simm.s32 @p2 $0x1  }
0x17: {  	s4 =	simm.s32 $0x1BF5;
	[smem:$0x3FAD] =	sst s0  }
0x18: {  	s0 =	sld [smem:$0x3F90];
	_ =	swait.ge [sflag:s4], $0x0  }
0x19: {  	s7 =	sld [smem:$0x3F91]  }
0x1a: {  	s8 =	sadd.s32 $0xFFFFE003, lr  }
0x1b: {  	s9 =	sadd.s32 $0xFFFFFEF7, lr;
	s5 =	simm.s32 $0xFFFFFFFF;
	p2 =	slt.u32 s8, $0xFFFFF086  }
0x1c: {  	p1 =	slt.u32 s9, $0xF7A;
	s5 =	simm.s32 @!p2 $0x0  }
0x1d: {  	s5 =	simm.s32 @p1 $0x1;
	p0 =	seq.s32 s7, s2  }
0x1e: {  	s7 =	smul.u32 @!p0 $0xF7A, s2;
	p2 =	seq.s32 @!p0 s5, $0x0  }
0x1f: {  	s9 =	smul.u32 $0xF7A, s1;
	s8 =	simm.s32 @!p0 $0x1BF5;
	p2 =	por !p2, p0  }
0x20: {  	[sflag:s8] =	ssyncset.s32 @!p0 $0xFFFFF086;
	s6 =	sadd.s32 @!p0 s3, s7;
	s7 =	simm.s32 @!p0 $0x108  }
0x21: {  	s3 =	sadd.s32 s3, s9;
	s6 =	sadd.s32 @!p0 $0x88, s6;
	s7 =	simm.s32 @p2 $0x1082  }
0x22: {  	[simem:s7], [sflag:s8] =	dma.local @!p0 [hbm:s6], $0xF7A  }
0x23: {  	s9 =	sor.u32 $0xD0000000, s2;
	s6 =	simm.s32 $0x108;
	_ =	swait.ge @!p0 [sflag:s8], $0x0  }
0x24: {  	s3 =	sadd.s32 $0x88, s3;
	s6 =	simm.s32 @!p1 $0x1082;
	[sflag:s4] =	ssyncset.s32 $0xFFFFF086  }
0x25: {  	[simem:s6], [sflag:s4] =	dma.local [hbm:s3], $0xF7A  }
0x26: {  	[smem:$0x3F91] =	sst s1;
	(tag) =	ssettag s2;
	_ =	strace s9  }
0x27: {  	s1 =	sld [smem:$0x3FA1]  }
0x28: {  	s2 =	sld [smem:$0x3FA2]  }
0x29: {  	s4 =	sld [smem:$0x3FA4]  }
0x2a: {  	p0 =	seq.s32 s5, $0x0;
	s5 =	sld [smem:$0x3FA5]  }
0x2b: {  	s6 =	sld [smem:$0x3FA6]  }
0x2c: {  	s7 =	sld [smem:$0x3FA7]  }
0x2d: {  	s3 =	simm.s32 $0x108;
	s8 =	sld [smem:$0x3FA8]  }
0x2e: {  	s3 =	simm.s32 @!p0 $0x1082;
	s9 =	sld [smem:$0x3FA9]  }
0x2f: {  	lr =	sadd.s32 s0, s3;
	s0 =	sld [smem:$0x3FA0]  }
0x30: {  	s3 =	sld [smem:$0x3FA3]  }
0x31: {  	[smem:$0x3FAC] =	sst s10  }
0x32: {  	s10 =	sld [smem:$0x3FAA];
	_ =	sdelay $0x3  }
0x33: {  	p0 =	seq.s32 s10, $0x1;
	s10 =	sld [smem:$0x3FAC];
	_ =	sdelay $0x3  }
0x34: {  	[smem:$0x3FAC] =	sst s10  }
0x35: {  	s10 =	sld [smem:$0x3FAB];
	_ =	sdelay $0x3  }
0x36: {  	p1 =	seq.s32 s10, $0x1;
	s10 =	sld [smem:$0x3FAC];
	_ =	sdelay $0x3  }
0x37: {  	[smem:$0x3FAC] =	sst s10  }
0x38: {  	s10 =	sld [smem:$0x3FAD]  }
0x39: {  	_ = 	snop;
	(pc) =	sbr.ind lr, $3  }
0x3a: {  	_ = 	snop  }
0x3b: {  	_ = 	snop  }
0x3c: {  	p2 =	seq.s32 s10, $0x1;
	s10 =	sld [smem:$0x3FAC]  }
0x3d: {  	_ =	shalt  }
0x3e: {  	_ =	shalt  }
0x3f: {  	_ =	shalt  }
0x40: {  	_ =	shalt  }
0x41: {  	_ =	shalt  }
0x42: {  	_ =	shalt  }
0x43: {  	_ =	shalt  }
0x44: {  	_ =	shalt  }
0x45: {  	_ =	shalt  }
0x46: {  	_ =	shalt  }
0x47: {  	_ =	shalt  }
0x48: {  	_ =	shalt  }
0x49: {  	_ =	shalt  }
0x4a: {  	_ =	shalt  }
0x4b: {  	_ =	shalt  }
0x4c: {  	_ =	shalt  }
0x4d: {  	_ =	shalt  }
0x4e: {  	_ =	shalt  }
0x4f: {  	_ =	shalt  }
0x50: {  	_ =	shalt  }
0x51: {  	_ =	shalt  }
0x52: {  	_ =	shalt  }
0x53: {  	_ =	shalt  }
0x54: {  	_ =	shalt  }
0x55: {  	_ =	shalt  }
0x56: {  	_ =	shalt  }
0x57: {  	_ =	shalt  }
0x58: {  	_ =	shalt  }
0x59: {  	_ =	shalt  }
0x5a: {  	_ =	shalt  }
0x5b: {  	_ =	shalt  }
0x5c: {  	_ =	shalt  }
0x5d: {  	_ =	shalt  }
0x5e: {  	_ =	shalt  }
0x5f: {  	_ =	shalt  }
0x60: {  	_ =	shalt  }
0x61: {  	_ =	shalt  }
0x62: {  	_ =	shalt  }
0x63: {  	_ =	shalt  }
0x64: {  	_ =	shalt  }
0x65: {  	_ =	shalt  }
0x66: {  	_ =	shalt  }
0x67: {  	_ =	shalt  }
0x68: {  	_ =	shalt  }
0x69: {  	_ =	shalt  }
0x6a: {  	_ =	shalt  }
0x6b: {  	_ =	shalt  }
0x6c: {  	_ =	shalt  }
0x6d: {  	_ =	shalt  }
0x6e: {  	_ =	shalt  }
0x6f: {  	_ =	shalt  }
0x70: {  	_ =	shalt  }
0x71: {  	_ =	shalt  }
0x72: {  	_ =	shalt  }
0x73: {  	_ =	shalt  }
0x74: {  	_ =	shalt  }
0x75: {  	_ =	shalt  }
0x76: {  	_ =	shalt  }
0x77: {  	_ =	shalt  }
0x78: {  	_ =	shalt  }
0x79: {  	_ =	shalt  }
0x7a: {  	_ =	shalt  }
0x7b: {  	_ =	shalt  }
0x7c: {  	_ =	shalt  }
0x7d: {  	_ =	shalt  }
0x7e: {  	_ =	shalt  }
0x7f: {  	_ =	shalt  }
0x80: {  	_ =	shalt  }
0x81: {  	_ =	shalt  }
0x82: {  	_ =	shalt  }
0x83: {  	_ =	shalt  }
0x84: {  	_ =	shalt  }
0x85: {  	_ =	shalt  }
0x86: {  	_ =	shalt  }
0x87: {  	_ =	shalt  }
.Lfunc_end0:
.L_simem_size_0:
called_computation.2_lowered:
.L_overlay_start_0:
0x88: {  	s2 =	sld [smem:$0x3FD9]  }
0x89: {  	s3 =	sld [smem:$0x3FFE];
	_ =	sdelay $0x1  }
0x8a: {  	s1 =	srdreg.scid  }
0x8b: {  	s0 =	sand.u32 $0x1, s1  }
0x8c: {  	s16 =	sshll.u32 s0, $0xA;
	s2 =	sadd.s32 s3, s2  }
0x8d: {  	s2 =	sadd.s32 s2, s16  }
0x8e: {  	[smem:$0x3FB8] =	sst s2  }
0x8f: {  	_ = 	snop  }
0x90: {  	(tm) =	ssettm $0x1  }
0x91: {  	s17 =	sld [smem:$0x3FFB];
	_ =	sdelay $0x3  }
0x92: {  	_ =	strace s17  }
0x93: {  	s2 =	sld [smem:$0x3FFC];
	_ =	sdelay $0x3  }
0x94: {  	_ =	strace s2  }
0x95: {  	s2 =	sld [smem:$0x3FFD];
	_ =	sdelay $0x3  }
0x96: {  	_ =	strace s2  }
0x97: {  	_ =	strace $0x8FFFFFFF  }
0x98: {  	s18 =	sld [smem:$0x3FDB];
	_ =	sdelay $0x1  }
0x99: {  	s19 =	simm.s32 $_scs_section_size  }
0x9a: {  	s4 =	simm.s32 $_size__tile_overlayer_lowered;
	s5 =	simm.s32 $_tile_overlayer_lowered  }
0x9b: {  	s22 =	simm.s32 $0x1BFF;
	s21 =	sshll.u32 s5, $0x1;
	s2 =	sadd.s32 s19, s18  }
0x9c: {  	s6 =	simm.s32 $0x0;
	s20 =	sshll.u32 s4, $0x1;
	s4 =	sadd.s32 s21, s2  }
0x9d: {  	[timem:s6], [sflag:s22] =	dma.local [hbm:s4], s20  }
0x9e: {  	_ =	swait.ge [sflag:s22], s20  }
0x9f: {  	s3 =	ssub.s32 $0x0, s20;
	[sflag:s22] =	ssyncset.done $0x0  }
0xa0: {  	[sflag:s22] =	ssyncadd.s32 s3;
	_ =	sdelay $0x1  }
0xa1: {  	s23 =	simm.s32 $0x1B8B  }
0xa2: {  	_ =	swait.ge [sflag:s23], $0x1  }
0xa3: {  	[sflag:s23] =	ssyncset.done $0x0  }
0xa4: {  	s25 =	simm.s32 $0x1B8E;
	s24 =	sld [smem:$0x3FFE];
	[sflag:s23] =	ssyncadd.s32 $0xFFFFFFFF  }
0xa5: {  	s26 =	simm.s32 $execute0_lowered;
	[smem:$0x3FD2] =	sst s25  }
0xa6: {  	s4 =	sshll.u32 s26, $0x1;
	_ =	strace $0x8000004C;
	[dreg:$0x1] =	wrdreg $0xFFFFFFFF  }
0xa7: {  	s28 =	simm.s32 $_size_execute0_lowered;
	s2 =	sadd.s32 s2, s4;
	[dreg:$0x0] =	wrdreg $0x0  }
0xa8: {  	s4 =	sshll.u32 s28, $0x1;
	[dreg:$0x2] =	wrdreg s2  }
0xa9: {  	[dreg:$0x3] =	wrdreg s4  }
0xaa: {  	[dreg:$0x4] =	wrdreg $0xC0  }
0xab: {  	_ =	task [dreg:s6], $0x5FFFF  }
0xac: {  	[dreg:$0x1] =	wrdreg $0xFFFFFFFF  }
0xad: {  	[dreg:$0x0] =	wrdreg $0x60  }
0xae: {  	[dreg:$0x2] =	wrdreg s24  }
0xaf: {  	[dreg:$0x3] =	wrdreg $0xA4000  }
0xb0: {  	[dreg:$0x4] =	wrdreg $0x9  }
0xb1: {  	_ =	task.clear_ibuf [dreg:s6], $0x5FFFF;
	_ =	strace $0x9000004C  }
0xb2: {  	s29 =	simm.s32 $0x9;
	_ =	strace $0x8000004E  }
0xb3: {  	_ =	swait.ge [sflag:s29], $0x1  }
0xb4: {  	[sflag:s29] =	ssyncadd.s32 $0xFFFFFFFF  }
0xb5: {  	_ =	strace $0x9000004E  }
0xb6: {  	_ =	sfence  }
0xb7: {  	s30 =	sld [smem:$0x0];
	_ =	sdelay $0x2  }
0xb8: {  	s31 =	sshll.u32 s1, $0xD;
	s1 =	sshrl.u32 s1, $0x2  }
0xb9: {  	s3 =	sand.u32 $0x4000, s31;
	s1 =	sadd.s32 s1, s30  }
0xba: {  	s0 =	sor.u32 s3, s0;
	s1 =	sshll.u32 s1, $0x11  }
0xbb: {  	s0 =	sor.u32 s1, s0  }
0xbc: {  	s0 =	sadd.s32 $0x8F2B, s0  }
0xbd: {  	[sflag:s0] =	ssyncadd.remote.s32 $0x1  }
0xbe: {  	_ =	sfence.sel $0xFFFF  }
0xbf: {  	[dreg:$0x0] =	wrdreg $0xFFFFFFFF;
	(pc) =	sbr.abs _section_cstart, $3  }
0xc0: {  	[dreg:$0x1] =	wrdreg $0xFFFFFFFF  }
0xc1: {  	_ =	task.clear_ibuf [dreg:s6], $0x2FFFF;
	_ =	strace $0x9FFFFFFF  }
0xc2: {  	(tm) =	ssettm $0x7FFFFFFF  }
0xc3: {  	_ =	shalt  }
tec
execute0_lowered:
.L_overlay_start_1:
0x0: {  	(tag) =	ssettag $0x1  }
0x1: {  	s0 =	srdreg.scid  }
0x2: {  	s10 =	stileid.u32;
	s5 =	rddreg [dreg:$0x0]  }
0x3: {  	s2 =	rddreg [dreg:$0x1];
	s3 =	simm.s32 $0x0;
	s15 =	stileid.u32  }
0x4: {  	s28 =	simm.s32 $0x2;
	s29 =	simm.s32 $0x2800;
	s30 =	simm.s32 $0x80  }
0x5: {  	s31 =	simm.s32 $0x5000;
	s0 =	sand.u32 $0x1, s0;
	s7 =	smul.u32 $0x14000, s10  }
0x6: {  	[smem:$0x7FF] =	sst s3;
	s4 =	sadd.s32 $0xCE00, s5;
	s8 =	smul.u32 $0x50000, s10  }
0x7: {  	s9 =	sadd.s32 $0xCA00, s5;
	s26 =	smul.u32 $0x2800, s10;
	s1 =	sshll.u32 s0, $0x4  }
0x8: {  	s6 =	smul.u32 $0x140000, s0;
	_ =	strace $0x8000004D;
	s17 =	ssub.s32 $0x2, s0  }
0x9: {  	[dreg:$0x3] =	wrdreg s9;
	p0 =	sne.s32 s0, $0x0;
	s8 =	sshrl.u32 s8, $0x2  }
0xa: {  	s0 =	simm.s32 $0x0;
	s1 =	sor.u32 s10, s1;
	s8 =	sadd.s32 s8, s2  }
0xb: {  	s18 =	sshrl.u32 s17, $0x1;
	s1 =	smul.u32 $0x500, s1;
	s19 =	sadd.s32 $0x1400, s8  }
0xc: {  	s6 =	sadd.s32 s7, s6;
	s20 =	sadd.s32 $0x2800, s8;
	[dreg:$0x4] =	wrdreg s19  }
0xd: {  	s9 =	ssub.s32 s17, s18;
	s21 =	sadd.s32 $0x3C00, s8;
	[dreg:$0x5] =	wrdreg s20  }
0xe: {  	s6 =	sshrl.u32 s6, $0x3;
	s22 =	sadd.s32 $0x5000, s8;
	[dreg:$0x6] =	wrdreg s21  }
0xf: {  	s23 =	sadd.s32 $0x6400, s8;
	s24 =	sadd.s32 $0x7800, s8;
	[dreg:$0x7] =	wrdreg s22  }
0x10: {  	s25 =	sadd.s32 $0x8C00, s8;
	s16 =	sadd.s32 $0xA000, s8;
	[dreg:$0x8] =	wrdreg s23  }
0x11: {  	s17 =	sadd.s32 $0xB400, s8;
	s18 =	sadd.s32 $0xC800, s8;
	[dreg:$0x9] =	wrdreg s24  }
0x12: {  	s1 =	sadd.s32 s1, s5;
	s5 =	sadd.s32 s6, s5;
	[dreg:$0xa] =	wrdreg s25  }
0x13: {  	s19 =	sadd.s32 $0xDC00, s8;
	s20 =	sadd.s32 $0xF000, s8;
	s21 =	sadd.s32 $0x10400, s8  }
0x14: {  	s22 =	sadd.s32 $0x11800, s8;
	s23 =	sadd.s32 s4, s26;
	s25 =	smax.u32 s9, $0x1  }
0x15: {  	s26 =	sadd.s32 $0x12C00, s8;
	s6 =	sadd.s32 $0x5D600, s1;
	s7 =	sadd.s32 $0x2A00, s1  }
0x16: {  	s24 =	sadd.s32 $0x67600, s5;
	s1 =	simm.s32 $0x1;
	s5 =	simm.s32 $0x9000  }
.LBB2_1:
0x17: {  	[tilespmem:s3], [sflag:$0x2] =	stream.linear.gather [hbm4b:s6+s3], $0x2800, $0x38;
	[tilespmem:$0x1E400] =	vst v63  }
0x18: {  	_ =	swait.ge [sflag:s28], $0x2800  }
0x19: {  	[sflag:s28] =	ssyncset.done $0x0  }
.Ltmp0:
0x1a: {  	[sflag:s28] =	ssyncadd.s32 $0xFFFFD800;
	(pc) =	sbr.rel @p0 .LBB2_3-.Ltmp0, $4  }
0x1b: {  	[tilespmem:s29], [sflag:$0x2] =	stream.linear.gather [hbm4b:s7+s3], $0x2800, $0x38;
	[tilespmem:$0x1E400] =	vst v63  }
0x1c: {  	_ =	swait.ge [sflag:s28], $0x2800  }
0x1d: {  	s10 =	sshll.u32 s15, $0x6;
	[sflag:s28] =	ssyncset.done $0x0  }
0x1e: {  	s9 =	sshrl.u32 s8, $0x3;
	s10 =	sor.u32 $0x1C02, s10;
	[sflag:s28] =	ssyncadd.s32 $0xFFFFD800  }
.Ltmp1:
0x1f: {  	(pc) =	sbr.rel .LBB2_4-.Ltmp1, $4  }
0x20: {  	[spmem:s9], [sflag:s10] =	dma.local [hbm:s23], $0x2800  }
0x21: {  	_ =	swait.ge [sflag:s28], $0x2800  }
0x22: {  	[sflag:s28] =	ssyncset.done $0x0  }
0x23: {  	[sflag:s28] =	ssyncadd.s32 $0xFFFFD800  }
.LBB2_3:
0x24: {  	s11 =	rddreg [dreg:$0x3]  }
0x25: {  	[tilespmem:s5], [sflag:$0x2] =	stream.linear.gather [hbm4b:s11+s3], $0x1400, $0x38;
	[tilespmem:$0x1E400] =	vst v63  }
0x26: {  	_ =	swait.ge [sflag:s28], $0x1400  }
0x27: {  	[sflag:s28] =	ssyncset.done $0x0  }
0x28: {  	[sflag:s28] =	ssyncadd.s32 $0xFFFFEC00  }
0x29: {  	[spmem:s8] =	stream.linear.scatter [tilespmem:s5], [sflag:$0x2], $0x1400, $0x38;
	[tilespmem:$0x1E400] =	vst v63  }
0x2a: {  	_ =	swait.ge [sflag:s28], $0x1400  }
0x2b: {  	[sflag:s28] =	ssyncset.done $0x0  }
0x2c: {  	s14 =	rddreg [dreg:$0x4];
	[sflag:s28] =	ssyncadd.s32 $0xFFFFEC00  }
0x2d: {  	[spmem:s14] =	stream.linear.scatter [tilespmem:s5], [sflag:$0x2], $0x1400, $0x38;
	[tilespmem:$0x1E400] =	vst v63  }
0x2e: {  	_ =	swait.ge [sflag:s28], $0x1400  }
0x2f: {  	[sflag:s28] =	ssyncset.done $0x0  }
0x30: {  	s12 =	rddreg [dreg:$0x5];
	[sflag:s28] =	ssyncadd.s32 $0xFFFFEC00  }
0x31: {  	[spmem:s12] =	stream.linear.scatter [tilespmem:s5], [sflag:$0x2], $0x1400, $0x38;
	[tilespmem:$0x1E400] =	vst v63  }
0x32: {  	_ =	swait.ge [sflag:s28], $0x1400  }
0x33: {  	[sflag:s28] =	ssyncset.done $0x0  }
0x34: {  	s13 =	rddreg [dreg:$0x6];
	[sflag:s28] =	ssyncadd.s32 $0xFFFFEC00  }
0x35: {  	[spmem:s13] =	stream.linear.scatter [tilespmem:s5], [sflag:$0x2], $0x1400, $0x38;
	[tilespmem:$0x1E400] =	vst v63  }
0x36: {  	_ =	swait.ge [sflag:s28], $0x1400  }
0x37: {  	[sflag:s28] =	ssyncset.done $0x0  }
0x38: {  	s14 =	rddreg [dreg:$0x7];
	[sflag:s28] =	ssyncadd.s32 $0xFFFFEC00  }
0x39: {  	[spmem:s14] =	stream.linear.scatter [tilespmem:s5], [sflag:$0x2], $0x1400, $0x38;
	[tilespmem:$0x1E400] =	vst v63  }
0x3a: {  	_ =	swait.ge [sflag:s28], $0x1400  }
0x3b: {  	[sflag:s28] =	ssyncset.done $0x0  }
0x3c: {  	s12 =	rddreg [dreg:$0x8];
	[sflag:s28] =	ssyncadd.s32 $0xFFFFEC00  }
0x3d: {  	[spmem:s12] =	stream.linear.scatter [tilespmem:s5], [sflag:$0x2], $0x1400, $0x38;
	[tilespmem:$0x1E400] =	vst v63  }
0x3e: {  	_ =	swait.ge [sflag:s28], $0x1400  }
0x3f: {  	[sflag:s28] =	ssyncset.done $0x0  }
0x40: {  	s13 =	rddreg [dreg:$0x9];
	[sflag:s28] =	ssyncadd.s32 $0xFFFFEC00  }
0x41: {  	[spmem:s13] =	stream.linear.scatter [tilespmem:s5], [sflag:$0x2], $0x1400, $0x38;
	[tilespmem:$0x1E400] =	vst v63  }
0x42: {  	_ =	swait.ge [sflag:s28], $0x1400  }
0x43: {  	[sflag:s28] =	ssyncset.done $0x0  }
0x44: {  	s14 =	rddreg [dreg:$0xa];
	[sflag:s28] =	ssyncadd.s32 $0xFFFFEC00  }
0x45: {  	[spmem:s14] =	stream.linear.scatter [tilespmem:s5], [sflag:$0x2], $0x1400, $0x38;
	[tilespmem:$0x1E400] =	vst v63  }
0x46: {  	_ =	swait.ge [sflag:s28], $0x1400  }
0x47: {  	[sflag:s28] =	ssyncset.done $0x0  }
0x48: {  	[sflag:s28] =	ssyncadd.s32 $0xFFFFEC00  }
0x49: {  	[spmem:s16] =	stream.linear.scatter [tilespmem:s5], [sflag:$0x2], $0x1400, $0x38;
	[tilespmem:$0x1E400] =	vst v63  }
0x4a: {  	_ =	swait.ge [sflag:s28], $0x1400  }
0x4b: {  	[sflag:s28] =	ssyncset.done $0x0  }
0x4c: {  	[sflag:s28] =	ssyncadd.s32 $0xFFFFEC00  }
0x4d: {  	[spmem:s17] =	stream.linear.scatter [tilespmem:s5], [sflag:$0x2], $0x1400, $0x38;
	[tilespmem:$0x1E400] =	vst v63  }
0x4e: {  	_ =	swait.ge [sflag:s28], $0x1400  }
0x4f: {  	[sflag:s28] =	ssyncset.done $0x0  }
0x50: {  	[sflag:s28] =	ssyncadd.s32 $0xFFFFEC00  }
0x51: {  	[spmem:s18] =	stream.linear.scatter [tilespmem:s5], [sflag:$0x2], $0x1400, $0x38;
	[tilespmem:$0x1E400] =	vst v63  }
0x52: {  	_ =	swait.ge [sflag:s28], $0x1400  }
0x53: {  	[sflag:s28] =	ssyncset.done $0x0  }
0x54: {  	[sflag:s28] =	ssyncadd.s32 $0xFFFFEC00  }
0x55: {  	[spmem:s19] =	stream.linear.scatter [tilespmem:s5], [sflag:$0x2], $0x1400, $0x38;
	[tilespmem:$0x1E400] =	vst v63  }
0x56: {  	_ =	swait.ge [sflag:s28], $0x1400  }
0x57: {  	[sflag:s28] =	ssyncset.done $0x0  }
0x58: {  	[sflag:s28] =	ssyncadd.s32 $0xFFFFEC00  }
0x59: {  	[spmem:s20] =	stream.linear.scatter [tilespmem:s5], [sflag:$0x2], $0x1400, $0x38;
	[tilespmem:$0x1E400] =	vst v63  }
0x5a: {  	_ =	swait.ge [sflag:s28], $0x1400  }
0x5b: {  	[sflag:s28] =	ssyncset.done $0x0  }
0x5c: {  	[sflag:s28] =	ssyncadd.s32 $0xFFFFEC00  }
0x5d: {  	[spmem:s21] =	stream.linear.scatter [tilespmem:s5], [sflag:$0x2], $0x1400, $0x38;
	[tilespmem:$0x1E400] =	vst v63  }
0x5e: {  	_ =	swait.ge [sflag:s28], $0x1400  }
0x5f: {  	[sflag:s28] =	ssyncset.done $0x0  }
0x60: {  	[sflag:s28] =	ssyncadd.s32 $0xFFFFEC00  }
0x61: {  	[spmem:s22] =	stream.linear.scatter [tilespmem:s5], [sflag:$0x2], $0x1400, $0x38;
	[tilespmem:$0x1E400] =	vst v63  }
0x62: {  	_ =	swait.ge [sflag:s28], $0x1400  }
0x63: {  	[sflag:s28] =	ssyncset.done $0x0  }
0x64: {  	[sflag:s28] =	ssyncadd.s32 $0xFFFFEC00  }
0x65: {  	[spmem:s26] =	stream.linear.scatter [tilespmem:s5], [sflag:$0x2], $0x1400, $0x38;
	[tilespmem:$0x1E400] =	vst v63  }
0x66: {  	_ =	swait.ge [sflag:s28], $0x1400  }
0x67: {  	[sflag:s28] =	ssyncset.done $0x0  }
0x68: {  	[sflag:s28] =	ssyncadd.s32 $0xFFFFEC00  }
.LBB2_4:
0x69: {  	[bflag:$0x0] =	sbarrier.arrive $0xFFFF;
	s11 =	simm.s32 $0x0  }
0x6a: {  	[tilespmem:s31], [sflag:$0x1] =	stream.indirect.gather [hbm4b:s4+s30], $0x80, s11, s30, $0xb8;
	[tilespmem:$0x1E400] =	vst v63  }
0x6b: {  	_ =	swait.ge [sflag:s1], $0x4000  }
0x6c: {  	[sflag:s1] =	ssyncset.done $0x0  }
0x6d: {  	s14 =	simm.s32 $0x2800;
	[sflag:s1] =	ssyncadd.s32 $0xFFFFC000  }
0x6e: {  	[spmem:s2] =	stream.indirect.scatter.add.f32 [tilespmem:s31], [sflag:$0x2], $0x80, s14, s30, $0xb8;
	[tilespmem:$0x1E400] =	vst v63  }
0x6f: {  	_ =	swait.ge [sflag:s28], $0x4000  }
0x70: {  	s12 =	simm.s32 $0x400;
	s11 =	simm.s32 $0x200;
	[sflag:s28] =	ssyncset.done $0x0  }
.LBB2_5:
0x71: {  	s13 =	sshra.s32 s11, $0x2  }
0x72: {  	[sflag:s28] =	ssyncadd.s32 $0xFFFFC000;
	s11 =	smov.u32 s12;
	s14 =	sadd.s32 $0x200, s12  }
0x73: {  	[tilespmem:s31], [sflag:$0x1] =	stream.indirect.gather [hbm4b:s4+s30], $0x80, s13, s30, $0xb8;
	[tilespmem:$0x1E400] =	vst v63  }
0x74: {  	p1 =	sne.s32 s12, $0x9E00;
	_ =	swait.ge [sflag:s1], $0x4000  }
.Ltmp2:
0x75: {  	[sflag:s1] =	ssyncset.done $0x0;
	(pc) =	sbr.rel @p1 .LBB2_5-.Ltmp2, $4  }
0x76: {  	s12 =	sadd.s32 $0x2800, s13;
	[sflag:s1] =	ssyncadd.s32 $0xFFFFC000  }
0x77: {  	[spmem:s2] =	stream.indirect.scatter.add.f32 [tilespmem:s31], [sflag:$0x2], $0x80, s12, s30, $0xb8;
	[tilespmem:$0x1E400] =	vst v63  }
0x78: {  	_ =	swait.ge [sflag:s28], $0x4000  }
0x79: {  	s12 =	smov.u32 s14;
	[sflag:s28] =	ssyncset.done $0x0  }
0x7a: {  	s11 =	sshra.s32 s11, $0x2;
	[sflag:s28] =	ssyncadd.s32 $0xFFFFC000  }
0x7b: {  	[tilespmem:s31], [sflag:$0x1] =	stream.indirect.gather [hbm4b:s4+s30], $0x80, s11, s30, $0xb8;
	[tilespmem:$0x1E400] =	vst v63  }
0x7c: {  	_ =	swait.ge [sflag:s1], $0x4000  }
0x7d: {  	[sflag:s1] =	ssyncset.done $0x0  }
0x7e: {  	s11 =	sadd.s32 $0x2800, s11;
	[sflag:s1] =	ssyncadd.s32 $0xFFFFC000  }
0x7f: {  	[spmem:s2] =	stream.indirect.scatter.add.f32 [tilespmem:s31], [sflag:$0x2], $0x80, s11, s30, $0xb8;
	[tilespmem:$0x1E400] =	vst v63  }
0x80: {  	_ =	swait.ge [sflag:s28], $0x4000  }
0x81: {  	s0 =	sadd.s32 $0x1, s0;
	[sflag:s28] =	ssyncset.done $0x0  }
0x82: {  	p1 =	sne.s32 s0, s25;
	[sflag:s28] =	ssyncadd.s32 $0xFFFFC000  }
.Ltmp3:
0x83: {  	[bflag:$0x0] =	sbarrier.arrive $0xFFFF;
	(pc) =	sbr.rel @p1 .LBB2_1-.Ltmp3, $4  }
0x84: {  	[hbm:s24], [sflag:s10] =	dma.local [spmem:s9], $0x2800  }
0x85: {  	_ =	swait.ge [sflag:s28], $0x2800  }
0x86: {  	[sflag:s28] =	ssyncset.done $0x0  }
0x87: {  	[sflag:s28] =	ssyncadd.s32 $0xFFFFD800  }
0x88: {  	_ =	sfence.sel $0x180000  }
0x89: {  	[bflag:$0x0] =	sbarrier.arrive $0xFFFF  }
0x8a: {  	_ =	strace $0x9000004D  }
0x8b: {  	[bflag:$0x2] =	sbarrier.arrive $0xFFFF  }
0x8c: {  	p0 =	sne.s32 s15, $0x0;
	s0 =	rddreg [dreg:$0x2]  }
0x8d: {  	s0 =	sadd.s32 @!p0 $0x100000, s0  }
0x8e: {  	[sflag:s0] =	ssyncadd.tile.s32 @!p0 $0x1;
	_ =	shalt  }
.Lfunc_end2:
_tile_overlayer_lowered:
.L_overlay_start_2:
0x8f: {  	(tag) =	ssettag $0x2  }
0x90: {  	s0 =	rddreg [dreg:$0x0];
	s2 =	stileid.u32  }
0x91: {  	s1 =	rddreg [dreg:$0x1];
	p0 =	sne.s32 s2, $0x0  }
0x92: {  	s3 =	rddreg [dreg:$0x2];
	[bflag:$0x3] =	sbarrier.arrive $0xFFFF;
	s2 =	simm.s32 @!p0 $0x1C02  }
0x93: {  	[timem:s3], [sflag:s2] =	dma.local @!p0 [hbm:s0], s1  }
0x94: {  	s0 =	simm.s32 @!p0 $0x2  }
0x95: {  	_ =	swait.ge @!p0 [sflag:s0], s1  }
0x96: {  	s1 =	ssub.s32 @!p0 $0x0, s1;
	[sflag:s0] =	ssyncset.done @!p0 $0x0  }
0x97: {  	[sflag:s0] =	ssyncadd.s32 @!p0 s1  }
0x98: {  	[bflag:$0x3] =	sbarrier.arrive $0xFFFF  }
0x99: {  	_ =	shalt  }

// kernel: kernel.20.cloned.1.call-start
scs
__scs_entry_jumppad:
0x0: {  	(pc) =	sbr.rel $0x88, $3  }
0x1: {  	(tag) =	ssettag $0x0;
	lr =	simm.s32 $0x1  }
0x2: {  	[smem:$0x3F91] =	sst lr;
	_ =	strace $0xD0000000  }
0x3: {  	_ = 	snop  }
0x4: {  	_ = 	snop  }
0x5: {  	_ = 	snop  }
0x6: {  	_ = 	snop  }
0x7: {  	_ = 	snop  }
__scs_overlays_trampoline_lowered:
0x8: {  	[smem:$0x3FA0] =	sst s0  }
0x9: {  	[smem:$0x3FA1] =	sst s1  }
0xa: {  	[smem:$0x3FA2] =	sst s2  }
0xb: {  	[smem:$0x3FA3] =	sst s3  }
0xc: {  	[smem:$0x3FA4] =	sst s4  }
0xd: {  	[smem:$0x3FA5] =	sst s5  }
0xe: {  	[smem:$0x3FA6] =	sst s6  }
0xf: {  	[smem:$0x3FA7] =	sst s7  }
0x10: {  	[smem:$0x3FA8] =	sst s8  }
0x11: {  	[smem:$0x3FA9] =	sst s9;
	s0 =	simm.s32 @!p0 $0x0  }
0x12: {  	s1 =	sld [smem:$0x3F8F];
	s0 =	simm.s32 @p0 $0x1  }
0x13: {  	[smem:$0x3FAA] =	sst s0;
	s0 =	simm.s32 @!p1 $0x0  }
0x14: {  	s2 =	sld [smem:$0x3F8E];
	s0 =	simm.s32 @p1 $0x1  }
0x15: {  	[smem:$0x3FAB] =	sst s0;
	s0 =	simm.s32 @!p2 $0x0  }
0x16: {  	s3 =	sld [smem:$0x3FDB];
	s0 =	simm.s32 @p2 $0x1  }
0x17: {  	s4 =	simm.s32 $0x1BF5;
	[smem:$0x3FAD] =	sst s0  }
0x18: {  	s0 =	sld [smem:$0x3F90];
	_ =	swait.ge [sflag:s4], $0x0  }
0x19: {  	s7 =	sld [smem:$0x3F91]  }
0x1a: {  	s8 =	sadd.s32 $0xFFFFE003, lr  }
0x1b: {  	s9 =	sadd.s32 $0xFFFFFEF7, lr;
	s5 =	simm.s32 $0xFFFFFFFF;
	p2 =	slt.u32 s8, $0xFFFFF086  }
0x1c: {  	p1 =	slt.u32 s9, $0xF7A;
	s5 =	simm.s32 @!p2 $0x0  }
0x1d: {  	s5 =	simm.s32 @p1 $0x1;
	p0 =	seq.s32 s7, s2  }
0x1e: {  	s7 =	smul.u32 @!p0 $0xF7A, s2;
	p2 =	seq.s32 @!p0 s5, $0x0  }
0x1f: {  	s9 =	smul.u32 $0xF7A, s1;
	s8 =	simm.s32 @!p0 $0x1BF5;
	p2 =	por !p2, p0  }
0x20: {  	[sflag:s8] =	ssyncset.s32 @!p0 $0xFFFFF086;
	s6 =	sadd.s32 @!p0 s3, s7;
	s7 =	simm.s32 @!p0 $0x108  }
0x21: {  	s3 =	sadd.s32 s3, s9;
	s6 =	sadd.s32 @!p0 $0x88, s6;
	s7 =	simm.s32 @p2 $0x1082  }
0x22: {  	[simem:s7], [sflag:s8] =	dma.local @!p0 [hbm:s6], $0xF7A  }
0x23: {  	s9 =	sor.u32 $0xD0000000, s2;
	s6 =	simm.s32 $0x108;
	_ =	swait.ge @!p0 [sflag:s8], $0x0  }
0x24: {  	s3 =	sadd.s32 $0x88, s3;
	s6 =	simm.s32 @!p1 $0x1082;
	[sflag:s4] =	ssyncset.s32 $0xFFFFF086  }
0x25: {  	[simem:s6], [sflag:s4] =	dma.local [hbm:s3], $0xF7A  }
0x26: {  	[smem:$0x3F91] =	sst s1;
	(tag) =	ssettag s2;
	_ =	strace s9  }
0x27: {  	s1 =	sld [smem:$0x3FA1]  }
0x28: {  	s2 =	sld [smem:$0x3FA2]  }
0x29: {  	s4 =	sld [smem:$0x3FA4]  }
0x2a: {  	p0 =	seq.s32 s5, $0x0;
	s5 =	sld [smem:$0x3FA5]  }
0x2b: {  	s6 =	sld [smem:$0x3FA6]  }
0x2c: {  	s7 =	sld [smem:$0x3FA7]  }
0x2d: {  	s3 =	simm.s32 $0x108;
	s8 =	sld [smem:$0x3FA8]  }
0x2e: {  	s3 =	simm.s32 @!p0 $0x1082;
	s9 =	sld [smem:$0x3FA9]  }
0x2f: {  	lr =	sadd.s32 s0, s3;
	s0 =	sld [smem:$0x3FA0]  }
0x30: {  	s3 =	sld [smem:$0x3FA3]  }
0x31: {  	[smem:$0x3FAC] =	sst s10  }
0x32: {  	s10 =	sld [smem:$0x3FAA];
	_ =	sdelay $0x3  }
0x33: {  	p0 =	seq.s32 s10, $0x1;
	s10 =	sld [smem:$0x3FAC];
	_ =	sdelay $0x3  }
0x34: {  	[smem:$0x3FAC] =	sst s10  }
0x35: {  	s10 =	sld [smem:$0x3FAB];
	_ =	sdelay $0x3  }
0x36: {  	p1 =	seq.s32 s10, $0x1;
	s10 =	sld [smem:$0x3FAC];
	_ =	sdelay $0x3  }
0x37: {  	[smem:$0x3FAC] =	sst s10  }
0x38: {  	s10 =	sld [smem:$0x3FAD]  }
0x39: {  	_ = 	snop;
	(pc) =	sbr.ind lr, $3  }
0x3a: {  	_ = 	snop  }
0x3b: {  	_ = 	snop  }
0x3c: {  	p2 =	seq.s32 s10, $0x1;
	s10 =	sld [smem:$0x3FAC]  }
0x3d: {  	_ =	shalt  }
0x3e: {  	_ =	shalt  }
0x3f: {  	_ =	shalt  }
0x40: {  	_ =	shalt  }
0x41: {  	_ =	shalt  }
0x42: {  	_ =	shalt  }
0x43: {  	_ =	shalt  }
0x44: {  	_ =	shalt  }
0x45: {  	_ =	shalt  }
0x46: {  	_ =	shalt  }
0x47: {  	_ =	shalt  }
0x48: {  	_ =	shalt  }
0x49: {  	_ =	shalt  }
0x4a: {  	_ =	shalt  }
0x4b: {  	_ =	shalt  }
0x4c: {  	_ =	shalt  }
0x4d: {  	_ =	shalt  }
0x4e: {  	_ =	shalt  }
0x4f: {  	_ =	shalt  }
0x50: {  	_ =	shalt  }
0x51: {  	_ =	shalt  }
0x52: {  	_ =	shalt  }
0x53: {  	_ =	shalt  }
0x54: {  	_ =	shalt  }
0x55: {  	_ =	shalt  }
0x56: {  	_ =	shalt  }
0x57: {  	_ =	shalt  }
0x58: {  	_ =	shalt  }
0x59: {  	_ =	shalt  }
0x5a: {  	_ =	shalt  }
0x5b: {  	_ =	shalt  }
0x5c: {  	_ =	shalt  }
0x5d: {  	_ =	shalt  }
0x5e: {  	_ =	shalt  }
0x5f: {  	_ =	shalt  }
0x60: {  	_ =	shalt  }
0x61: {  	_ =	shalt  }
0x62: {  	_ =	shalt  }
0x63: {  	_ =	shalt  }
0x64: {  	_ =	shalt  }
0x65: {  	_ =	shalt  }
0x66: {  	_ =	shalt  }
0x67: {  	_ =	shalt  }
0x68: {  	_ =	shalt  }
0x69: {  	_ =	shalt  }
0x6a: {  	_ =	shalt  }
0x6b: {  	_ =	shalt  }
0x6c: {  	_ =	shalt  }
0x6d: {  	_ =	shalt  }
0x6e: {  	_ =	shalt  }
0x6f: {  	_ =	shalt  }
0x70: {  	_ =	shalt  }
0x71: {  	_ =	shalt  }
0x72: {  	_ =	shalt  }
0x73: {  	_ =	shalt  }
0x74: {  	_ =	shalt  }
0x75: {  	_ =	shalt  }
0x76: {  	_ =	shalt  }
0x77: {  	_ =	shalt  }
0x78: {  	_ =	shalt  }
0x79: {  	_ =	shalt  }
0x7a: {  	_ =	shalt  }
0x7b: {  	_ =	shalt  }
0x7c: {  	_ =	shalt  }
0x7d: {  	_ =	shalt  }
0x7e: {  	_ =	shalt  }
0x7f: {  	_ =	shalt  }
0x80: {  	_ =	shalt  }
0x81: {  	_ =	shalt  }
0x82: {  	_ =	shalt  }
0x83: {  	_ =	shalt  }
0x84: {  	_ =	shalt  }
0x85: {  	_ =	shalt  }
0x86: {  	_ =	shalt  }
0x87: {  	_ =	shalt  }
.Lfunc_end0:
.L_simem_size_0:
called_computation.3_lowered:
.L_overlay_start_0:
0x88: {  	s2 =	sld [smem:$0x3FD9]  }
0x89: {  	s3 =	sld [smem:$0x3FFE];
	_ =	sdelay $0x1  }
0x8a: {  	s1 =	srdreg.scid  }
0x8b: {  	s0 =	sand.u32 $0x1, s1  }
0x8c: {  	s16 =	sshll.u32 s0, $0xA;
	s2 =	sadd.s32 s3, s2  }
0x8d: {  	s2 =	sadd.s32 s2, s16  }
0x8e: {  	[smem:$0x3FB8] =	sst s2  }
0x8f: {  	_ = 	snop  }
0x90: {  	(tm) =	ssettm $0x1  }
0x91: {  	s17 =	sld [smem:$0x3FFB];
	_ =	sdelay $0x3  }
0x92: {  	_ =	strace s17  }
0x93: {  	s2 =	sld [smem:$0x3FFC];
	_ =	sdelay $0x3  }
0x94: {  	_ =	strace s2  }
0x95: {  	s2 =	sld [smem:$0x3FFD];
	_ =	sdelay $0x3  }
0x96: {  	_ =	strace s2  }
0x97: {  	_ =	strace $0x8FFFFFFF  }
0x98: {  	s18 =	sld [smem:$0x3FDB];
	_ =	sdelay $0x1  }
0x99: {  	s19 =	simm.s32 $_scs_section_size  }
0x9a: {  	s4 =	simm.s32 $_size__tile_overlayer_lowered;
	s5 =	simm.s32 $_tile_overlayer_lowered  }
0x9b: {  	s22 =	simm.s32 $0x1BFF;
	s21 =	sshll.u32 s5, $0x1;
	s2 =	sadd.s32 s19, s18  }
0x9c: {  	s6 =	simm.s32 $0x0;
	s20 =	sshll.u32 s4, $0x1;
	s4 =	sadd.s32 s21, s2  }
0x9d: {  	[timem:s6], [sflag:s22] =	dma.local [hbm:s4], s20  }
0x9e: {  	_ =	swait.ge [sflag:s22], s20  }
0x9f: {  	s3 =	ssub.s32 $0x0, s20;
	[sflag:s22] =	ssyncset.done $0x0  }
0xa0: {  	[sflag:s22] =	ssyncadd.s32 s3;
	_ =	sdelay $0x1  }
0xa1: {  	s23 =	simm.s32 $0x1B8B  }
0xa2: {  	_ =	swait.ge [sflag:s23], $0x1  }
0xa3: {  	[sflag:s23] =	ssyncset.done $0x0  }
0xa4: {  	s25 =	simm.s32 $0x1B8E;
	s24 =	sld [smem:$0x3FFE];
	[sflag:s23] =	ssyncadd.s32 $0xFFFFFFFF  }
0xa5: {  	s26 =	simm.s32 $execute0_lowered;
	[smem:$0x3FD2] =	sst s25  }
0xa6: {  	s4 =	sshll.u32 s26, $0x1;
	_ =	strace $0x8000004F;
	[dreg:$0x1] =	wrdreg $0xFFFFFFFF  }
0xa7: {  	s28 =	simm.s32 $_size_execute0_lowered;
	s2 =	sadd.s32 s2, s4;
	[dreg:$0x0] =	wrdreg $0x0  }
0xa8: {  	s4 =	sshll.u32 s28, $0x1;
	[dreg:$0x2] =	wrdreg s2  }
0xa9: {  	[dreg:$0x3] =	wrdreg s4  }
0xaa: {  	[dreg:$0x4] =	wrdreg $0xC0  }
0xab: {  	_ =	task [dreg:s6], $0x5FFFF  }
0xac: {  	[dreg:$0x1] =	wrdreg $0xFFFFFFFF  }
0xad: {  	[dreg:$0x0] =	wrdreg $0x60  }
0xae: {  	[dreg:$0x2] =	wrdreg s24  }
0xaf: {  	[dreg:$0x3] =	wrdreg $0xA4000  }
0xb0: {  	[dreg:$0x4] =	wrdreg $0x9  }
0xb1: {  	_ =	task.clear_ibuf [dreg:s6], $0x5FFFF;
	_ =	strace $0x9000004F  }
0xb2: {  	s29 =	simm.s32 $0x9;
	_ =	strace $0x80000051  }
0xb3: {  	_ =	swait.ge [sflag:s29], $0x1  }
0xb4: {  	[sflag:s29] =	ssyncadd.s32 $0xFFFFFFFF  }
0xb5: {  	_ =	strace $0x90000051  }
0xb6: {  	_ =	sfence  }
0xb7: {  	s30 =	sld [smem:$0x0];
	_ =	sdelay $0x2  }
0xb8: {  	s31 =	sshll.u32 s1, $0xD;
	s1 =	sshrl.u32 s1, $0x2  }
0xb9: {  	s3 =	sand.u32 $0x4000, s31;
	s1 =	sadd.s32 s1, s30  }
0xba: {  	s0 =	sor.u32 s3, s0;
	s1 =	sshll.u32 s1, $0x11  }
0xbb: {  	s0 =	sor.u32 s1, s0  }
0xbc: {  	s0 =	sadd.s32 $0x8F2B, s0  }
0xbd: {  	[sflag:s0] =	ssyncadd.remote.s32 $0x1  }
0xbe: {  	_ =	sfence.sel $0xFFFF  }
0xbf: {  	[dreg:$0x0] =	wrdreg $0xFFFFFFFF;
	(pc) =	sbr.abs _section_cstart, $3  }
0xc0: {  	[dreg:$0x1] =	wrdreg $0xFFFFFFFF  }
0xc1: {  	_ =	task.clear_ibuf [dreg:s6], $0x2FFFF;
	_ =	strace $0x9FFFFFFF  }
0xc2: {  	(tm) =	ssettm $0x7FFFFFFF  }
0xc3: {  	_ =	shalt  }
tec
execute0_lowered:
.L_overlay_start_1:
0x0: {  	(tag) =	ssettag $0x1  }
0x1: {  	s0 =	srdreg.scid  }
0x2: {  	s10 =	stileid.u32;
	s5 =	rddreg [dreg:$0x0]  }
0x3: {  	s2 =	rddreg [dreg:$0x1];
	s3 =	simm.s32 $0x0;
	s15 =	stileid.u32  }
0x4: {  	s28 =	simm.s32 $0x2;
	s29 =	simm.s32 $0x2800;
	s30 =	simm.s32 $0x80  }
0x5: {  	s31 =	simm.s32 $0x5000;
	s0 =	sand.u32 $0x1, s0;
	s7 =	smul.u32 $0x14000, s10  }
0x6: {  	[smem:$0x7FF] =	sst s3;
	s4 =	sadd.s32 $0xCE00, s5;
	s8 =	smul.u32 $0x50000, s10  }
0x7: {  	s9 =	sadd.s32 $0xCA00, s5;
	s26 =	smul.u32 $0x2800, s10;
	s1 =	sshll.u32 s0, $0x4  }
0x8: {  	s6 =	smul.u32 $0x140000, s0;
	_ =	strace $0x80000050;
	s17 =	ssub.s32 $0x2, s0  }
0x9: {  	[dreg:$0x3] =	wrdreg s9;
	p0 =	sne.s32 s0, $0x0;
	s8 =	sshrl.u32 s8, $0x2  }
0xa: {  	s0 =	simm.s32 $0x0;
	s1 =	sor.u32 s10, s1;
	s8 =	sadd.s32 s8, s2  }
0xb: {  	s18 =	sshrl.u32 s17, $0x1;
	s1 =	smul.u32 $0x500, s1;
	s19 =	sadd.s32 $0x1400, s8  }
0xc: {  	s6 =	sadd.s32 s7, s6;
	s20 =	sadd.s32 $0x2800, s8;
	[dreg:$0x4] =	wrdreg s19  }
0xd: {  	s9 =	ssub.s32 s17, s18;
	s21 =	sadd.s32 $0x3C00, s8;
	[dreg:$0x5] =	wrdreg s20  }
0xe: {  	s6 =	sshrl.u32 s6, $0x3;
	s22 =	sadd.s32 $0x5000, s8;
	[dreg:$0x6] =	wrdreg s21  }
0xf: {  	s23 =	sadd.s32 $0x6400, s8;
	s24 =	sadd.s32 $0x7800, s8;
	[dreg:$0x7] =	wrdreg s22  }
0x10: {  	s25 =	sadd.s32 $0x8C00, s8;
	s16 =	sadd.s32 $0xA000, s8;
	[dreg:$0x8] =	wrdreg s23  }
0x11: {  	s17 =	sadd.s32 $0xB400, s8;
	s18 =	sadd.s32 $0xC800, s8;
	[dreg:$0x9] =	wrdreg s24  }
0x12: {  	s1 =	sadd.s32 s1, s5;
	s5 =	sadd.s32 s6, s5;
	[dreg:$0xa] =	wrdreg s25  }
0x13: {  	s19 =	sadd.s32 $0xDC00, s8;
	s20 =	sadd.s32 $0xF000, s8;
	s21 =	sadd.s32 $0x10400, s8  }
0x14: {  	s22 =	sadd.s32 $0x11800, s8;
	s23 =	sadd.s32 s4, s26;
	s25 =	smax.u32 s9, $0x1  }
0x15: {  	s26 =	sadd.s32 $0x12C00, s8;
	s6 =	sadd.s32 $0x5D600, s1;
	s7 =	sadd.s32 $0x2A00, s1  }
0x16: {  	s24 =	sadd.s32 $0x67600, s5;
	s1 =	simm.s32 $0x1;
	s5 =	simm.s32 $0x9000  }
.LBB2_1:
0x17: {  	[tilespmem:s3], [sflag:$0x2] =	stream.linear.gather [hbm4b:s6+s3], $0x2800, $0x38;
	[tilespmem:$0x1E400] =	vst v63  }
0x18: {  	_ =	swait.ge [sflag:s28], $0x2800  }
0x19: {  	[sflag:s28] =	ssyncset.done $0x0  }
.Ltmp0:
0x1a: {  	[sflag:s28] =	ssyncadd.s32 $0xFFFFD800;
	(pc) =	sbr.rel @p0 .LBB2_3-.Ltmp0, $4  }
0x1b: {  	[tilespmem:s29], [sflag:$0x2] =	stream.linear.gather [hbm4b:s7+s3], $0x2800, $0x38;
	[tilespmem:$0x1E400] =	vst v63  }
0x1c: {  	_ =	swait.ge [sflag:s28], $0x2800  }
0x1d: {  	s10 =	sshll.u32 s15, $0x6;
	[sflag:s28] =	ssyncset.done $0x0  }
0x1e: {  	s9 =	sshrl.u32 s8, $0x3;
	s10 =	sor.u32 $0x1C02, s10;
	[sflag:s28] =	ssyncadd.s32 $0xFFFFD800  }
.Ltmp1:
0x1f: {  	(pc) =	sbr.rel .LBB2_4-.Ltmp1, $4  }
0x20: {  	[spmem:s9], [sflag:s10] =	dma.local [hbm:s23], $0x2800  }
0x21: {  	_ =	swait.ge [sflag:s28], $0x2800  }
0x22: {  	[sflag:s28] =	ssyncset.done $0x0  }
0x23: {  	[sflag:s28] =	ssyncadd.s32 $0xFFFFD800  }
.LBB2_3:
0x24: {  	s11 =	rddreg [dreg:$0x3]  }
0x25: {  	[tilespmem:s5], [sflag:$0x2] =	stream.linear.gather [hbm4b:s11+s3], $0x1400, $0x38;
	[tilespmem:$0x1E400] =	vst v63  }
0x26: {  	_ =	swait.ge [sflag:s28], $0x1400  }
0x27: {  	[sflag:s28] =	ssyncset.done $0x0  }
0x28: {  	[sflag:s28] =	ssyncadd.s32 $0xFFFFEC00  }
0x29: {  	[spmem:s8] =	stream.linear.scatter [tilespmem:s5], [sflag:$0x2], $0x1400, $0x38;
	[tilespmem:$0x1E400] =	vst v63  }
0x2a: {  	_ =	swait.ge [sflag:s28], $0x1400  }
0x2b: {  	[sflag:s28] =	ssyncset.done $0x0  }
0x2c: {  	s14 =	rddreg [dreg:$0x4];
	[sflag:s28] =	ssyncadd.s32 $0xFFFFEC00  }
0x2d: {  	[spmem:s14] =	stream.linear.scatter [tilespmem:s5], [sflag:$0x2], $0x1400, $0x38;
	[tilespmem:$0x1E400] =	vst v63  }
0x2e: {  	_ =	swait.ge [sflag:s28], $0x1400  }
0x2f: {  	[sflag:s28] =	ssyncset.done $0x0  }
0x30: {  	s12 =	rddreg [dreg:$0x5];
	[sflag:s28] =	ssyncadd.s32 $0xFFFFEC00  }
0x31: {  	[spmem:s12] =	stream.linear.scatter [tilespmem:s5], [sflag:$0x2], $0x1400, $0x38;
	[tilespmem:$0x1E400] =	vst v63  }
0x32: {  	_ =	swait.ge [sflag:s28], $0x1400  }
0x33: {  	[sflag:s28] =	ssyncset.done $0x0  }
0x34: {  	s13 =	rddreg [dreg:$0x6];
	[sflag:s28] =	ssyncadd.s32 $0xFFFFEC00  }
0x35: {  	[spmem:s13] =	stream.linear.scatter [tilespmem:s5], [sflag:$0x2], $0x1400, $0x38;
	[tilespmem:$0x1E400] =	vst v63  }
0x36: {  	_ =	swait.ge [sflag:s28], $0x1400  }
0x37: {  	[sflag:s28] =	ssyncset.done $0x0  }
0x38: {  	s14 =	rddreg [dreg:$0x7];
	[sflag:s28] =	ssyncadd.s32 $0xFFFFEC00  }
0x39: {  	[spmem:s14] =	stream.linear.scatter [tilespmem:s5], [sflag:$0x2], $0x1400, $0x38;
	[tilespmem:$0x1E400] =	vst v63  }
0x3a: {  	_ =	swait.ge [sflag:s28], $0x1400  }
0x3b: {  	[sflag:s28] =	ssyncset.done $0x0  }
0x3c: {  	s12 =	rddreg [dreg:$0x8];
	[sflag:s28] =	ssyncadd.s32 $0xFFFFEC00  }
0x3d: {  	[spmem:s12] =	stream.linear.scatter [tilespmem:s5], [sflag:$0x2], $0x1400, $0x38;
	[tilespmem:$0x1E400] =	vst v63  }
0x3e: {  	_ =	swait.ge [sflag:s28], $0x1400  }
0x3f: {  	[sflag:s28] =	ssyncset.done $0x0  }
0x40: {  	s13 =	rddreg [dreg:$0x9];
	[sflag:s28] =	ssyncadd.s32 $0xFFFFEC00  }
0x41: {  	[spmem:s13] =	stream.linear.scatter [tilespmem:s5], [sflag:$0x2], $0x1400, $0x38;
	[tilespmem:$0x1E400] =	vst v63  }
0x42: {  	_ =	swait.ge [sflag:s28], $0x1400  }
0x43: {  	[sflag:s28] =	ssyncset.done $0x0  }
0x44: {  	s14 =	rddreg [dreg:$0xa];
	[sflag:s28] =	ssyncadd.s32 $0xFFFFEC00  }
0x45: {  	[spmem:s14] =	stream.linear.scatter [tilespmem:s5], [sflag:$0x2], $0x1400, $0x38;
	[tilespmem:$0x1E400] =	vst v63  }
0x46: {  	_ =	swait.ge [sflag:s28], $0x1400  }
0x47: {  	[sflag:s28] =	ssyncset.done $0x0  }
0x48: {  	[sflag:s28] =	ssyncadd.s32 $0xFFFFEC00  }
0x49: {  	[spmem:s16] =	stream.linear.scatter [tilespmem:s5], [sflag:$0x2], $0x1400, $0x38;
	[tilespmem:$0x1E400] =	vst v63  }
0x4a: {  	_ =	swait.ge [sflag:s28], $0x1400  }
0x4b: {  	[sflag:s28] =	ssyncset.done $0x0  }
0x4c: {  	[sflag:s28] =	ssyncadd.s32 $0xFFFFEC00  }
0x4d: {  	[spmem:s17] =	stream.linear.scatter [tilespmem:s5], [sflag:$0x2], $0x1400, $0x38;
	[tilespmem:$0x1E400] =	vst v63  }
0x4e: {  	_ =	swait.ge [sflag:s28], $0x1400  }
0x4f: {  	[sflag:s28] =	ssyncset.done $0x0  }
0x50: {  	[sflag:s28] =	ssyncadd.s32 $0xFFFFEC00  }
0x51: {  	[spmem:s18] =	stream.linear.scatter [tilespmem:s5], [sflag:$0x2], $0x1400, $0x38;
	[tilespmem:$0x1E400] =	vst v63  }
0x52: {  	_ =	swait.ge [sflag:s28], $0x1400  }
0x53: {  	[sflag:s28] =	ssyncset.done $0x0  }
0x54: {  	[sflag:s28] =	ssyncadd.s32 $0xFFFFEC00  }
0x55: {  	[spmem:s19] =	stream.linear.scatter [tilespmem:s5], [sflag:$0x2], $0x1400, $0x38;
	[tilespmem:$0x1E400] =	vst v63  }
0x56: {  	_ =	swait.ge [sflag:s28], $0x1400  }
0x57: {  	[sflag:s28] =	ssyncset.done $0x0  }
0x58: {  	[sflag:s28] =	ssyncadd.s32 $0xFFFFEC00  }
0x59: {  	[spmem:s20] =	stream.linear.scatter [tilespmem:s5], [sflag:$0x2], $0x1400, $0x38;
	[tilespmem:$0x1E400] =	vst v63  }
0x5a: {  	_ =	swait.ge [sflag:s28], $0x1400  }
0x5b: {  	[sflag:s28] =	ssyncset.done $0x0  }
0x5c: {  	[sflag:s28] =	ssyncadd.s32 $0xFFFFEC00  }
0x5d: {  	[spmem:s21] =	stream.linear.scatter [tilespmem:s5], [sflag:$0x2], $0x1400, $0x38;
	[tilespmem:$0x1E400] =	vst v63  }
0x5e: {  	_ =	swait.ge [sflag:s28], $0x1400  }
0x5f: {  	[sflag:s28] =	ssyncset.done $0x0  }
0x60: {  	[sflag:s28] =	ssyncadd.s32 $0xFFFFEC00  }
0x61: {  	[spmem:s22] =	stream.linear.scatter [tilespmem:s5], [sflag:$0x2], $0x1400, $0x38;
	[tilespmem:$0x1E400] =	vst v63  }
0x62: {  	_ =	swait.ge [sflag:s28], $0x1400  }
0x63: {  	[sflag:s28] =	ssyncset.done $0x0  }
0x64: {  	[sflag:s28] =	ssyncadd.s32 $0xFFFFEC00  }
0x65: {  	[spmem:s26] =	stream.linear.scatter [tilespmem:s5], [sflag:$0x2], $0x1400, $0x38;
	[tilespmem:$0x1E400] =	vst v63  }
0x66: {  	_ =	swait.ge [sflag:s28], $0x1400  }
0x67: {  	[sflag:s28] =	ssyncset.done $0x0  }
0x68: {  	[sflag:s28] =	ssyncadd.s32 $0xFFFFEC00  }
.LBB2_4:
0x69: {  	[bflag:$0x0] =	sbarrier.arrive $0xFFFF;
	s11 =	simm.s32 $0x0  }
0x6a: {  	[tilespmem:s31], [sflag:$0x1] =	stream.indirect.gather [hbm4b:s4+s30], $0x80, s11, s30, $0xb8;
	[tilespmem:$0x1E400] =	vst v63  }
0x6b: {  	_ =	swait.ge [sflag:s1], $0x4000  }
0x6c: {  	[sflag:s1] =	ssyncset.done $0x0  }
0x6d: {  	s14 =	simm.s32 $0x2800;
	[sflag:s1] =	ssyncadd.s32 $0xFFFFC000  }
0x6e: {  	[spmem:s2] =	stream.indirect.scatter.add.f32 [tilespmem:s31], [sflag:$0x2], $0x80, s14, s30, $0xb8;
	[tilespmem:$0x1E400] =	vst v63  }
0x6f: {  	_ =	swait.ge [sflag:s28], $0x4000  }
0x70: {  	s12 =	simm.s32 $0x400;
	s11 =	simm.s32 $0x200;
	[sflag:s28] =	ssyncset.done $0x0  }
.LBB2_5:
0x71: {  	s13 =	sshra.s32 s11, $0x2  }
0x72: {  	[sflag:s28] =	ssyncadd.s32 $0xFFFFC000;
	s11 =	smov.u32 s12;
	s14 =	sadd.s32 $0x200, s12  }
0x73: {  	[tilespmem:s31], [sflag:$0x1] =	stream.indirect.gather [hbm4b:s4+s30], $0x80, s13, s30, $0xb8;
	[tilespmem:$0x1E400] =	vst v63  }
0x74: {  	p1 =	sne.s32 s12, $0x9E00;
	_ =	swait.ge [sflag:s1], $0x4000  }
.Ltmp2:
0x75: {  	[sflag:s1] =	ssyncset.done $0x0;
	(pc) =	sbr.rel @p1 .LBB2_5-.Ltmp2, $4  }
0x76: {  	s12 =	sadd.s32 $0x2800, s13;
	[sflag:s1] =	ssyncadd.s32 $0xFFFFC000  }
0x77: {  	[spmem:s2] =	stream.indirect.scatter.add.f32 [tilespmem:s31], [sflag:$0x2], $0x80, s12, s30, $0xb8;
	[tilespmem:$0x1E400] =	vst v63  }
0x78: {  	_ =	swait.ge [sflag:s28], $0x4000  }
0x79: {  	s12 =	smov.u32 s14;
	[sflag:s28] =	ssyncset.done $0x0  }
0x7a: {  	s11 =	sshra.s32 s11, $0x2;
	[sflag:s28] =	ssyncadd.s32 $0xFFFFC000  }
0x7b: {  	[tilespmem:s31], [sflag:$0x1] =	stream.indirect.gather [hbm4b:s4+s30], $0x80, s11, s30, $0xb8;
	[tilespmem:$0x1E400] =	vst v63  }
0x7c: {  	_ =	swait.ge [sflag:s1], $0x4000  }
0x7d: {  	[sflag:s1] =	ssyncset.done $0x0  }
0x7e: {  	s11 =	sadd.s32 $0x2800, s11;
	[sflag:s1] =	ssyncadd.s32 $0xFFFFC000  }
0x7f: {  	[spmem:s2] =	stream.indirect.scatter.add.f32 [tilespmem:s31], [sflag:$0x2], $0x80, s11, s30, $0xb8;
	[tilespmem:$0x1E400] =	vst v63  }
0x80: {  	_ =	swait.ge [sflag:s28], $0x4000  }
0x81: {  	s0 =	sadd.s32 $0x1, s0;
	[sflag:s28] =	ssyncset.done $0x0  }
0x82: {  	p1 =	sne.s32 s0, s25;
	[sflag:s28] =	ssyncadd.s32 $0xFFFFC000  }
.Ltmp3:
0x83: {  	[bflag:$0x0] =	sbarrier.arrive $0xFFFF;
	(pc) =	sbr.rel @p1 .LBB2_1-.Ltmp3, $4  }
0x84: {  	[hbm:s24], [sflag:s10] =	dma.local [spmem:s9], $0x2800  }
0x85: {  	_ =	swait.ge [sflag:s28], $0x2800  }
0x86: {  	[sflag:s28] =	ssyncset.done $0x0  }
0x87: {  	[sflag:s28] =	ssyncadd.s32 $0xFFFFD800  }
0x88: {  	_ =	sfence.sel $0x180000  }
0x89: {  	[bflag:$0x0] =	sbarrier.arrive $0xFFFF  }
0x8a: {  	_ =	strace $0x90000050  }
0x8b: {  	[bflag:$0x2] =	sbarrier.arrive $0xFFFF  }
0x8c: {  	p0 =	sne.s32 s15, $0x0;
	s0 =	rddreg [dreg:$0x2]  }
0x8d: {  	s0 =	sadd.s32 @!p0 $0x100000, s0  }
0x8e: {  	[sflag:s0] =	ssyncadd.tile.s32 @!p0 $0x1;
	_ =	shalt  }
.Lfunc_end2:
_tile_overlayer_lowered:
.L_overlay_start_2:
0x8f: {  	(tag) =	ssettag $0x2  }
0x90: {  	s0 =	rddreg [dreg:$0x0];
	s2 =	stileid.u32  }
0x91: {  	s1 =	rddreg [dreg:$0x1];
	p0 =	sne.s32 s2, $0x0  }
0x92: {  	s3 =	rddreg [dreg:$0x2];
	[bflag:$0x3] =	sbarrier.arrive $0xFFFF;
	s2 =	simm.s32 @!p0 $0x1C02  }
0x93: {  	[timem:s3], [sflag:s2] =	dma.local @!p0 [hbm:s0], s1  }
0x94: {  	s0 =	simm.s32 @!p0 $0x2  }
0x95: {  	_ =	swait.ge @!p0 [sflag:s0], s1  }
0x96: {  	s1 =	ssub.s32 @!p0 $0x0, s1;
	[sflag:s0] =	ssyncset.done @!p0 $0x0  }
0x97: {  	[sflag:s0] =	ssyncadd.s32 @!p0 s1  }
0x98: {  	[bflag:$0x3] =	sbarrier.arrive $0xFFFF  }
0x99: {  	_ =	shalt  }

</sc_bundles>
